<compile_context>
chip_gen: v7x
topology: tpu7x:2x2x1
jax: 0.10.2.dev20260603
libtpu: 0.0.44.dev20260713+nightly
codegen_flags: <defaults>
</compile_context>

<pallas_src>
import jax
import jax.numpy as jnp
from jax import lax
from jax.experimental import pallas as pl
from jax.experimental.pallas import tpu as pltpu
from jax.experimental.pallas import tpu_sc as plsc

N = 10000
S = 32
D = 128
DOUT = 128
LANES = 16
NJ = D // LANES
NC = 2
NS = 16
NW = NC * NS

NSC = 1600
NTC = N - NSC
CH = 8
CHUNK_ROWS = CH * S
NCH = NSC // CH
TOT = 2 * NCH
NB = 2
SLOTS = NB * ((TOT + NB * NW - 1) // (NB * NW))


def _sc_agg_body(src_neg_hbm, dst_neg_hbm, src_sum_hbm, dst_sum_hbm,
                 *scratch):
    wid = lax.axis_index("s") * NC + lax.axis_index("c")
    bufs = scratch[0:NB]
    obufs = scratch[NB:2 * NB]
    sins = scratch[2 * NB:3 * NB]
    souts = scratch[3 * NB:4 * NB]

    def item_of(j):
        return jnp.minimum(wid + j * NW, TOT - 1)

    def start_in(j, b):
        k = item_of(j)

        @pl.when(k < NCH)
        def _():
            pltpu.async_copy(
                src_neg_hbm.at[pl.ds(k * CHUNK_ROWS, CHUNK_ROWS)],
                bufs[b], sins[b])

        @pl.when(k >= NCH)
        def _():
            pltpu.async_copy(
                dst_neg_hbm.at[pl.ds((k - NCH) * CHUNK_ROWS, CHUNK_ROWS)],
                bufs[b], sins[b])

    def wait_in(b):
        pltpu.make_async_copy(
            src_neg_hbm.at[pl.ds(0, CHUNK_ROWS)], bufs[b], sins[b]).wait()

    def start_out(j, b):
        k = item_of(j)

        @pl.when(k < NCH)
        def _():
            pltpu.async_copy(obufs[b], src_sum_hbm.at[pl.ds(k * CH, CH)],
                             souts[b])

        @pl.when(k >= NCH)
        def _():
            pltpu.async_copy(obufs[b],
                             dst_sum_hbm.at[pl.ds((k - NCH) * CH, CH)],
                             souts[b])

    def wait_out(b):
        pltpu.make_async_copy(
            obufs[b], src_sum_hbm.at[pl.ds(0, CH)], souts[b]).wait()

    def compute(b):
        buf, obuf = bufs[b], obufs[b]

        def node_body(n, _):
            base = n * S

            def row_body(s, accs):
                return tuple(
                    accs[j] + buf[base + s, pl.ds(j * LANES, LANES)]
                    for j in range(NJ))

            init = tuple(buf[base, pl.ds(j * LANES, LANES)]
                         for j in range(NJ))
            accs = lax.fori_loop(1, S, row_body, init, unroll=8)
            for j in range(NJ):
                obuf[n, pl.ds(j * LANES, LANES)] = accs[j]
            return 0

        lax.fori_loop(0, CH, node_body, 0, unroll=False)

    for b in range(NB - 1):
        start_in(b, b)

    def outer(jj, _):
        for b in range(NB):
            j = jj * NB + b

            @pl.when(j + NB - 1 < SLOTS)
            def _():
                start_in(j + NB - 1, (b + NB - 1) % NB)

            wait_in(b)

            @pl.when(jj >= 1)
            def _():
                wait_out(b)

            compute(b)
            start_out(j, b)
        return 0

    lax.fori_loop(0, SLOTS // NB, outer, 0, unroll=False)
    for b in range(NB):
        wait_out(b)


def _sc_aggregate(src_neg, dst_neg):
    mesh = plsc.VectorSubcoreMesh(core_axis_name="c", subcore_axis_name="s")
    f = pl.kernel(
        _sc_agg_body,
        out_type=(jax.ShapeDtypeStruct((NSC, D), jnp.float32),
                  jax.ShapeDtypeStruct((NSC, D), jnp.float32)),
        mesh=mesh,
        scratch_types=(
            [pltpu.VMEM((CHUNK_ROWS, D), jnp.float32)] * NB
            + [pltpu.VMEM((CH, D), jnp.float32)] * NB
            + [pltpu.SemaphoreType.DMA] * (2 * NB)
        ),
    )
    return f(src_neg, dst_neg)


def _dot(x, w):
    return jax.lax.dot_general(x, w, (((1,), (0,)), ((), ())),
                               preferred_element_type=jnp.float32)


def _tc_fused_body(src_ref, sneg_ref, dst_ref, dneg_ref, w_ref,
                   osrc_ref, odst_ref):
    B = src_ref.shape[0]
    w = w_ref[...]
    sagg = jnp.mean(jnp.reshape(sneg_ref[...], (B, S, D)), axis=1)
    dagg = jnp.mean(jnp.reshape(dneg_ref[...], (B, S, D)), axis=1)
    xs = jnp.concatenate([src_ref[...], sagg], axis=1)
    xd = jnp.concatenate([dst_ref[...], dagg], axis=1)
    osrc_ref[...] = jnp.maximum(_dot(xs, w), 0.0)
    odst_ref[...] = jnp.maximum(_dot(xd, w), 0.0)


def _tc_fused(src, src_neg, dst, dst_neg, w):
    B = 400
    nb = NTC // B
    grid = (nb,)
    row_spec = pl.BlockSpec((B, D), lambda i: (NSC // B + i, 0))
    neg_spec = pl.BlockSpec((B * S, D), lambda i: (NSC // B + i, 0))
    w_spec = pl.BlockSpec((2 * D, DOUT), lambda i: (0, 0))
    out_spec = pl.BlockSpec((B, DOUT), lambda i: (NSC // B + i, 0))
    return pl.pallas_call(
        _tc_fused_body,
        grid=grid,
        in_specs=[row_spec, neg_spec, row_spec, neg_spec, w_spec],
        out_specs=[out_spec, out_spec],
        out_shape=(jax.ShapeDtypeStruct((N, DOUT), jnp.float32),
                   jax.ShapeDtypeStruct((N, DOUT), jnp.float32)),
    )(src, src_neg, dst, dst_neg, w)


def _tc_head_body(src_ref, ssum_ref, dst_ref, dsum_ref, w_ref,
                  _tail_src, _tail_dst, osrc_ref, odst_ref):
    w = w_ref[...]
    inv = jnp.float32(1.0 / S)
    xs = jnp.concatenate([src_ref[...], ssum_ref[...] * inv], axis=1)
    xd = jnp.concatenate([dst_ref[...], dsum_ref[...] * inv], axis=1)
    osrc_ref[...] = jnp.maximum(_dot(xs, w), 0.0)
    odst_ref[...] = jnp.maximum(_dot(xd, w), 0.0)


def _tc_head(src, src_sum, dst, dst_sum, w, tail_src, tail_dst):
    B = 400
    assert NSC % B == 0
    grid = (NSC // B,)
    row_spec = pl.BlockSpec((B, D), lambda i: (i, 0))
    w_spec = pl.BlockSpec((2 * D, DOUT), lambda i: (0, 0))
    any_spec = pl.BlockSpec(memory_space=pl.ANY)
    out_spec = pl.BlockSpec((B, DOUT), lambda i: (i, 0))
    return pl.pallas_call(
        _tc_head_body,
        grid=grid,
        in_specs=[row_spec, row_spec, row_spec, row_spec, w_spec,
                  any_spec, any_spec],
        out_specs=[out_spec, out_spec],
        out_shape=(jax.ShapeDtypeStruct((N, DOUT), jnp.float32),
                   jax.ShapeDtypeStruct((N, DOUT), jnp.float32)),
        input_output_aliases={5: 0, 6: 1},
    )(src, src_sum, dst, dst_sum, w, tail_src, tail_dst)


@jax.jit
def kernel(src, src_neg, dst, dst_neg, w):
    src_sum, dst_sum = _sc_aggregate(src_neg, dst_neg)
    tail_src, tail_dst = _tc_fused(src, src_neg, dst, dst_neg, w)
    out_src, out_dst = _tc_head(src, src_sum, dst, dst_sum, w,
                                tail_src, tail_dst)
    return (out_src, out_dst)

# --- scband reference (transcript-rebuilt; emitter-appended) ---
"""Pipeline reference for scband-layer1-mean-aggregator-9603546873885 (READ-ONLY COPY).

The authoritative reference and input builder live on the scoring server;
editing this copy changes nothing except your own understanding.
"""

import jax, jax.numpy as jnp
import numpy as np

N = 10000
S = 32
D = 128
DOUT = 128

def setup_inputs(seed: int = 0) -> dict:
    key = jax.random.key(seed)
    ks = jax.random.split(key, 5)
    limit = float(np.sqrt(6.0 / (2 * D + DOUT)))  # GlorotUniform for shape (2D, DOUT)
    return {
        "src": jax.random.normal(ks[0], (N, D), dtype=jnp.float32),
        "src_neg": jax.random.normal(ks[1], (N * S, D), dtype=jnp.float32),
        "dst": jax.random.normal(ks[2], (N, D), dtype=jnp.float32),
        "dst_neg": jax.random.normal(ks[3], (N * S, D), dtype=jnp.float32),
        "w": jax.random.uniform(ks[4], (2 * D, DOUT), dtype=jnp.float32, minval=-limit, maxval=limit),
    }

def reference(src, src_neg, dst, dst_neg, w):
    # reshape sampled-neighbor features to [n_nodes, sample, d] and mean-aggregate
    dst_neg_r = dst_neg.reshape(dst_neg.shape[0] // S, S, dst_neg.shape[-1])
    src_neg_r = src_neg.reshape(src_neg.shape[0] // S, S, src_neg.shape[-1])
    dst_aggregated = jnp.mean(dst_neg_r, axis=1)
    src_aggregated = jnp.mean(src_neg_r, axis=1)
    dst_concatenated = jnp.concatenate([dst, dst_aggregated], axis=1)
    src_concatenated = jnp.concatenate([src, src_aggregated], axis=1)
    dst_out = jnp.matmul(dst_concatenated, w)
    src_out = jnp.matmul(src_concatenated, w)
    return (jax.nn.relu(src_out), jax.nn.relu(dst_out))

if __name__ == "__main__":
    import jax
    _d = setup_inputs()
    print(jax.jit(kernel)(*tuple(_d.values())))

</pallas_src>

<mosaic_0001>
#map = affine_map<(d0, d1) -> (0, 0)>
module attributes {stable_mosaic.version = 14 : i64} {
  func.func @_sc_agg_body(%arg0: i32, %arg1: i32, %arg2: memref<320000x128xf32, #tpu.memory_space<hbm>>, %arg3: memref<320000x128xf32, #tpu.memory_space<hbm>>, %arg4: memref<1600x128xf32, #tpu.memory_space<hbm>>, %arg5: memref<1600x128xf32, #tpu.memory_space<hbm>>, %arg6: memref<256x128xf32, #tpu.memory_space<vmem>>, %arg7: memref<256x128xf32, #tpu.memory_space<vmem>>, %arg8: memref<8x128xf32, #tpu.memory_space<vmem>>, %arg9: memref<8x128xf32, #tpu.memory_space<vmem>>, %arg10: memref<!tpu.dma_semaphore, #tpu.memory_space<semaphore_mem>>, %arg11: memref<!tpu.dma_semaphore, #tpu.memory_space<semaphore_mem>>, %arg12: memref<!tpu.dma_semaphore, #tpu.memory_space<semaphore_mem>>, %arg13: memref<!tpu.dma_semaphore, #tpu.memory_space<semaphore_mem>>) attributes {dimension_semantics = [#tpu.dimension_semantics<core_parallel>, #tpu.dimension_semantics<subcore_parallel>], iteration_bounds = array<i64: 2, 16>, scalar_prefetch = 0 : i64, scratch_operands = 8 : i64, tpu.core_type = #tpu.core_type<sc_vector_subcore>, window_params = [{transform_indices = #map}, {transform_indices = #map}, {transform_indices = #map}, {transform_indices = #map}]} {
    %mul3A = arith.constant 2 : i32
    %mul3A_0 = arith.muli %arg1, %mul3A : i32
    %add3A = arith.addi %mul3A_0, %arg0 : i32
    %add3A_1 = arith.constant 0 : i32
    %add3A_2 = arith.addi %add3A, %add3A_1 : i32
    %min3A = arith.constant 399 : i32
    %min3A_3 = arith.minsi %add3A_2, %min3A : i32
    %lt3A = arith.constant 200 : i32
    %lt3A_4 = arith.cmpi slt, %min3A_3, %lt3A : i32
    %convert_element_type3A = arith.extui %lt3A_4 : i1 to i32
    %cond3A = arith.constant 0 : i32
    %cond3A_5 = arith.cmpi ne, %convert_element_type3A, %cond3A : i32
    scf.if %cond3A_5 {
      %mul3A_27 = arith.constant 256 : i32
      %mul3A_28 = arith.muli %min3A_3, %mul3A_27 : i32
      %dma_start3A = arith.constant 0 : i32
      %dma_start3A_29 = tpu.memref_slice %arg2[%mul3A_28, %dma_start3A] : memref<320000x128xf32, #tpu.memory_space<hbm>> -> memref<256x128xf32, #tpu.memory_space<hbm>>
      %dma_start3A_30 = arith.constant 0 : i32
      %dma_start3A_31 = tpu.memref_slice %arg2[%mul3A_28, %dma_start3A_30] : memref<320000x128xf32, #tpu.memory_space<hbm>> -> memref<256x128xf32, #tpu.memory_space<hbm>>
      tpu.enqueue_dma source(%dma_start3A_31 : memref<256x128xf32, #tpu.memory_space<hbm>>) target(%arg6 : memref<256x128xf32, #tpu.memory_space<vmem>>) target_semaphore(%arg10 : memref<!tpu.dma_semaphore, #tpu.memory_space<semaphore_mem>>)
    } else {
    }
    %ge3A = arith.constant 200 : i32
    %ge3A_6 = arith.cmpi sge, %min3A_3, %ge3A : i32
    %convert_element_type3A_7 = arith.extui %ge3A_6 : i1 to i32
    %cond3A_8 = arith.constant 0 : i32
    %cond3A_9 = arith.cmpi ne, %convert_element_type3A_7, %cond3A_8 : i32
    scf.if %cond3A_9 {
      %sub3A = arith.constant 200 : i32
      %sub3A_27 = arith.subi %min3A_3, %sub3A : i32
      %mul3A_28 = arith.constant 256 : i32
      %mul3A_29 = arith.muli %sub3A_27, %mul3A_28 : i32
      %dma_start3A = arith.constant 0 : i32
      %dma_start3A_30 = tpu.memref_slice %arg3[%mul3A_29, %dma_start3A] : memref<320000x128xf32, #tpu.memory_space<hbm>> -> memref<256x128xf32, #tpu.memory_space<hbm>>
      %dma_start3A_31 = arith.constant 0 : i32
      %dma_start3A_32 = tpu.memref_slice %arg3[%mul3A_29, %dma_start3A_31] : memref<320000x128xf32, #tpu.memory_space<hbm>> -> memref<256x128xf32, #tpu.memory_space<hbm>>
      tpu.enqueue_dma source(%dma_start3A_32 : memref<256x128xf32, #tpu.memory_space<hbm>>) target(%arg6 : memref<256x128xf32, #tpu.memory_space<vmem>>) target_semaphore(%arg10 : memref<!tpu.dma_semaphore, #tpu.memory_space<semaphore_mem>>)
    } else {
    }
    %scan3A = arith.constant 0 : i32
    %scan3A_10 = arith.constant 0 : i32
    %scan3A_11 = arith.constant 7 : i32
    %scan3A_12 = arith.addi %scan3A_10, %scan3A_11 : i32
    %scan3A_13 = arith.constant 1 : i32
    %scan3A_14 = scf.for %scan3A_27 = %scan3A_10 to %scan3A_12 step %scan3A_13 iter_args(%scan3A_28 = %scan3A) -> (i32)  : i32 {
      %mul3A_29 = arith.constant 2 : i32
      %mul3A_30 = arith.muli %scan3A_27, %mul3A_29 : i32
      %add3A_31 = arith.constant 0 : i32
      %add3A_32 = arith.addi %mul3A_30, %add3A_31 : i32
      %add3A_33 = arith.constant 2 : i32
      %add3A_34 = arith.addi %add3A_32, %add3A_33 : i32
      %sub3A = arith.constant 1 : i32
      %sub3A_35 = arith.subi %add3A_34, %sub3A : i32
      %lt3A_36 = arith.constant 14 : i32
      %lt3A_37 = arith.cmpi slt, %sub3A_35, %lt3A_36 : i32
      %convert_element_type3A_38 = arith.extui %lt3A_37 : i1 to i32
      %cond3A_39 = arith.constant 0 : i32
      %cond3A_40 = arith.cmpi ne, %convert_element_type3A_38, %cond3A_39 : i32
      scf.if %cond3A_40 {
        %add3A_121 = arith.constant 2 : i32
        %add3A_122 = arith.addi %add3A_32, %add3A_121 : i32
        %sub3A_123 = arith.constant 1 : i32
        %sub3A_124 = arith.subi %add3A_122, %sub3A_123 : i32
        %mul3A_125 = arith.constant 32 : i32
        %mul3A_126 = arith.muli %sub3A_124, %mul3A_125 : i32
        %add3A_127 = arith.addi %add3A, %mul3A_126 : i32
        %min3A_128 = arith.constant 399 : i32
        %min3A_129 = arith.minsi %add3A_127, %min3A_128 : i32
        %lt3A_130 = arith.constant 200 : i32
        %lt3A_131 = arith.cmpi slt, %min3A_129, %lt3A_130 : i32
        %convert_element_type3A_132 = arith.extui %lt3A_131 : i1 to i32
        %cond3A_133 = arith.constant 0 : i32
        %cond3A_134 = arith.cmpi ne, %convert_element_type3A_132, %cond3A_133 : i32
        scf.if %cond3A_134 {
          %mul3A_140 = arith.constant 256 : i32
          %mul3A_141 = arith.muli %min3A_129, %mul3A_140 : i32
          %dma_start3A = arith.constant 0 : i32
          %dma_start3A_142 = tpu.memref_slice %arg2[%mul3A_141, %dma_start3A] : memref<320000x128xf32, #tpu.memory_space<hbm>> -> memref<256x128xf32, #tpu.memory_space<hbm>>
          %dma_start3A_143 = arith.constant 0 : i32
          %dma_start3A_144 = tpu.memref_slice %arg2[%mul3A_141, %dma_start3A_143] : memref<320000x128xf32, #tpu.memory_space<hbm>> -> memref<256x128xf32, #tpu.memory_space<hbm>>
          tpu.enqueue_dma source(%dma_start3A_144 : memref<256x128xf32, #tpu.memory_space<hbm>>) target(%arg7 : memref<256x128xf32, #tpu.memory_space<vmem>>) target_semaphore(%arg11 : memref<!tpu.dma_semaphore, #tpu.memory_space<semaphore_mem>>)
        } else {
        }
        %ge3A_135 = arith.constant 200 : i32
        %ge3A_136 = arith.cmpi sge, %min3A_129, %ge3A_135 : i32
        %convert_element_type3A_137 = arith.extui %ge3A_136 : i1 to i32
        %cond3A_138 = arith.constant 0 : i32
        %cond3A_139 = arith.cmpi ne, %convert_element_type3A_137, %cond3A_138 : i32
        scf.if %cond3A_139 {
          %sub3A_140 = arith.constant 200 : i32
          %sub3A_141 = arith.subi %min3A_129, %sub3A_140 : i32
          %mul3A_142 = arith.constant 256 : i32
          %mul3A_143 = arith.muli %sub3A_141, %mul3A_142 : i32
          %dma_start3A = arith.constant 0 : i32
          %dma_start3A_144 = tpu.memref_slice %arg3[%mul3A_143, %dma_start3A] : memref<320000x128xf32, #tpu.memory_space<hbm>> -> memref<256x128xf32, #tpu.memory_space<hbm>>
          %dma_start3A_145 = arith.constant 0 : i32
          %dma_start3A_146 = tpu.memref_slice %arg3[%mul3A_143, %dma_start3A_145] : memref<320000x128xf32, #tpu.memory_space<hbm>> -> memref<256x128xf32, #tpu.memory_space<hbm>>
          tpu.enqueue_dma source(%dma_start3A_146 : memref<256x128xf32, #tpu.memory_space<hbm>>) target(%arg7 : memref<256x128xf32, #tpu.memory_space<vmem>>) target_semaphore(%arg11 : memref<!tpu.dma_semaphore, #tpu.memory_space<semaphore_mem>>)
        } else {
        }
      } else {
      }
      %dma_wait3A_41 = arith.constant 0 : i32
      %dma_wait3A_42 = arith.constant 0 : i32
      %dma_wait3A_43 = tpu.memref_slice %arg2[%dma_wait3A_41, %dma_wait3A_42] : memref<320000x128xf32, #tpu.memory_space<hbm>> -> memref<256x128xf32, #tpu.memory_space<hbm>>
      %dma_wait3A_44 = arith.constant 0 : i32
      %dma_wait3A_45 = arith.constant 0 : i32
      %dma_wait3A_46 = tpu.memref_slice %arg2[%dma_wait3A_44, %dma_wait3A_45] : memref<320000x128xf32, #tpu.memory_space<hbm>> -> memref<256x128xf32, #tpu.memory_space<hbm>>
      tpu.wait_dma2 semaphore(%arg10 : memref<!tpu.dma_semaphore, #tpu.memory_space<semaphore_mem>>) src(%dma_wait3A_46 : memref<256x128xf32, #tpu.memory_space<hbm>>) dst(%arg6 : memref<256x128xf32, #tpu.memory_space<vmem>>)
      %ge3A_47 = arith.constant 1 : i32
      %ge3A_48 = arith.cmpi sge, %scan3A_27, %ge3A_47 : i32
      %convert_element_type3A_49 = arith.extui %ge3A_48 : i1 to i32
      %cond3A_50 = arith.constant 0 : i32
      %cond3A_51 = arith.cmpi ne, %convert_element_type3A_49, %cond3A_50 : i32
      scf.if %cond3A_51 {
        %dma_wait3A_121 = arith.constant 0 : i32
        %dma_wait3A_122 = arith.constant 0 : i32
        %dma_wait3A_123 = tpu.memref_slice %arg4[%dma_wait3A_121, %dma_wait3A_122] : memref<1600x128xf32, #tpu.memory_space<hbm>> -> memref<8x128xf32, #tpu.memory_space<hbm>>
        %dma_wait3A_124 = arith.constant 0 : i32
        %dma_wait3A_125 = arith.constant 0 : i32
        %dma_wait3A_126 = tpu.memref_slice %arg4[%dma_wait3A_124, %dma_wait3A_125] : memref<1600x128xf32, #tpu.memory_space<hbm>> -> memref<8x128xf32, #tpu.memory_space<hbm>>
        tpu.wait_dma2 semaphore(%arg12 : memref<!tpu.dma_semaphore, #tpu.memory_space<semaphore_mem>>) src(%arg8 : memref<8x128xf32, #tpu.memory_space<vmem>>) dst(%dma_wait3A_126 : memref<8x128xf32, #tpu.memory_space<hbm>>)
      } else {
      }
      %scan3A_52 = arith.constant 0 : i32
      %scan3A_53 = arith.constant 0 : i32
      %scan3A_54 = arith.constant 8 : i32
      %scan3A_55 = arith.addi %scan3A_53, %scan3A_54 : i32
      %scan3A_56 = arith.constant 1 : i32
      %scan3A_57 = scf.for %scan3A_121 = %scan3A_53 to %scan3A_55 step %scan3A_56 iter_args(%scan3A_122 = %scan3A_52) -> (i32)  : i32 {
        %mul3A_123 = arith.constant 32 : i32
        %mul3A_124 = arith.muli %scan3A_121, %mul3A_123 : i32
        %get3A = arith.index_cast %mul3A_124 : i32 to index
        %get3A_125 = arith.constant 0 : index
        %get3A_126 = tpu.vector_load %arg6[%get3A, %get3A_125] {strides = array<i32>} : memref<256x128xf32, #tpu.memory_space<vmem>>, vector<1x16xf32>,
        %get3A_127 = vector.shape_cast %get3A_126 : vector<1x16xf32> to vector<16xf32>
        %get3A_128 = arith.index_cast %mul3A_124 : i32 to index
        %get3A_129 = arith.constant 16 : index
        %get3A_130 = tpu.vector_load %arg6[%get3A_128, %get3A_129] {strides = array<i32>} : memref<256x128xf32, #tpu.memory_space<vmem>>, vector<1x16xf32>,
        %get3A_131 = vector.shape_cast %get3A_130 : vector<1x16xf32> to vector<16xf32>
        %get3A_132 = arith.index_cast %mul3A_124 : i32 to index
        %get3A_133 = arith.constant 32 : index
        %get3A_134 = tpu.vector_load %arg6[%get3A_132, %get3A_133] {strides = array<i32>} : memref<256x128xf32, #tpu.memory_space<vmem>>, vector<1x16xf32>,
        %get3A_135 = vector.shape_cast %get3A_134 : vector<1x16xf32> to vector<16xf32>
        %get3A_136 = arith.index_cast %mul3A_124 : i32 to index
        %get3A_137 = arith.constant 48 : index
        %get3A_138 = tpu.vector_load %arg6[%get3A_136, %get3A_137] {strides = array<i32>} : memref<256x128xf32, #tpu.memory_space<vmem>>, vector<1x16xf32>,
        %get3A_139 = vector.shape_cast %get3A_138 : vector<1x16xf32> to vector<16xf32>
        %get3A_140 = arith.index_cast %mul3A_124 : i32 to index
        %get3A_141 = arith.constant 64 : index
        %get3A_142 = tpu.vector_load %arg6[%get3A_140, %get3A_141] {strides = array<i32>} : memref<256x128xf32, #tpu.memory_space<vmem>>, vector<1x16xf32>,
        %get3A_143 = vector.shape_cast %get3A_142 : vector<1x16xf32> to vector<16xf32>
        %get3A_144 = arith.index_cast %mul3A_124 : i32 to index
        %get3A_145 = arith.constant 80 : index
        %get3A_146 = tpu.vector_load %arg6[%get3A_144, %get3A_145] {strides = array<i32>} : memref<256x128xf32, #tpu.memory_space<vmem>>, vector<1x16xf32>,
        %get3A_147 = vector.shape_cast %get3A_146 : vector<1x16xf32> to vector<16xf32>
        %get3A_148 = arith.index_cast %mul3A_124 : i32 to index
        %get3A_149 = arith.constant 96 : index
        %get3A_150 = tpu.vector_load %arg6[%get3A_148, %get3A_149] {strides = array<i32>} : memref<256x128xf32, #tpu.memory_space<vmem>>, vector<1x16xf32>,
        %get3A_151 = vector.shape_cast %get3A_150 : vector<1x16xf32> to vector<16xf32>
        %get3A_152 = arith.index_cast %mul3A_124 : i32 to index
        %get3A_153 = arith.constant 112 : index
        %get3A_154 = tpu.vector_load %arg6[%get3A_152, %get3A_153] {strides = array<i32>} : memref<256x128xf32, #tpu.memory_space<vmem>>, vector<1x16xf32>,
        %get3A_155 = vector.shape_cast %get3A_154 : vector<1x16xf32> to vector<16xf32>
        %scan3A_156 = arith.constant 1 : i32
        %scan3A_157 = arith.constant 24 : i32
        %scan3A_158 = arith.addi %scan3A_156, %scan3A_157 : i32
        %scan3A_159 = arith.constant 8 : i32
        %scan3A_160:8 = scf.for %scan3A_552 = %scan3A_156 to %scan3A_158 step %scan3A_159 iter_args(%scan3A_553 = %get3A_127, %scan3A_554 = %get3A_131, %scan3A_555 = %get3A_135, %scan3A_556 = %get3A_139, %scan3A_557 = %get3A_143, %scan3A_558 = %get3A_147, %scan3A_559 = %get3A_151, %scan3A_560 = %get3A_155) -> (vector<16xf32>, vector<16xf32>, vector<16xf32>, vector<16xf32>, vector<16xf32>, vector<16xf32>, vector<16xf32>, vector<16xf32>)  : i32 {
          %add3A_561 = arith.addi %mul3A_124, %scan3A_552 : i32
          %get3A_562 = arith.index_cast %add3A_561 : i32 to index
          %get3A_563 = arith.constant 0 : index
          %get3A_564 = tpu.vector_load %arg6[%get3A_562, %get3A_563] {strides = array<i32>} : memref<256x128xf32, #tpu.memory_space<vmem>>, vector<1x16xf32>,
          %get3A_565 = vector.shape_cast %get3A_564 : vector<1x16xf32> to vector<16xf32>
          %add3A_566 = arith.addf %scan3A_553, %get3A_565 : vector<16xf32>
          %add3A_567 = arith.addi %mul3A_124, %scan3A_552 : i32
          %get3A_568 = arith.index_cast %add3A_567 : i32 to index
          %get3A_569 = arith.constant 16 : index
          %get3A_570 = tpu.vector_load %arg6[%get3A_568, %get3A_569] {strides = array<i32>} : memref<256x128xf32, #tpu.memory_space<vmem>>, vector<1x16xf32>,
          %get3A_571 = vector.shape_cast %get3A_570 : vector<1x16xf32> to vector<16xf32>
          %add3A_572 = arith.addf %scan3A_554, %get3A_571 : vector<16xf32>
          %add3A_573 = arith.addi %mul3A_124, %scan3A_552 : i32
          %get3A_574 = arith.index_cast %add3A_573 : i32 to index
          %get3A_575 = arith.constant 32 : index
          %get3A_576 = tpu.vector_load %arg6[%get3A_574, %get3A_575] {strides = array<i32>} : memref<256x128xf32, #tpu.memory_space<vmem>>, vector<1x16xf32>,
          %get3A_577 = vector.shape_cast %get3A_576 : vector<1x16xf32> to vector<16xf32>
          %add3A_578 = arith.addf %scan3A_555, %get3A_577 : vector<16xf32>
          %add3A_579 = arith.addi %mul3A_124, %scan3A_552 : i32
          %get3A_580 = arith.index_cast %add3A_579 : i32 to index
          %get3A_581 = arith.constant 48 : index
          %get3A_582 = tpu.vector_load %arg6[%get3A_580, %get3A_581] {strides = array<i32>} : memref<256x128xf32, #tpu.memory_space<vmem>>, vector<1x16xf32>,
          %get3A_583 = vector.shape_cast %get3A_582 : vector<1x16xf32> to vector<16xf32>
          %add3A_584 = arith.addf %scan3A_556, %get3A_583 : vector<16xf32>
          %add3A_585 = arith.addi %mul3A_124, %scan3A_552 : i32
          %get3A_586 = arith.index_cast %add3A_585 : i32 to index
          %get3A_587 = arith.constant 64 : index
          %get3A_588 = tpu.vector_load %arg6[%get3A_586, %get3A_587] {strides = array<i32>} : memref<256x128xf32, #tpu.memory_space<vmem>>, vector<1x16xf32>,
          %get3A_589 = vector.shape_cast %get3A_588 : vector<1x16xf32> to vector<16xf32>
          %add3A_590 = arith.addf %scan3A_557, %get3A_589 : vector<16xf32>
          %add3A_591 = arith.addi %mul3A_124, %scan3A_552 : i32
          %get3A_592 = arith.index_cast %add3A_591 : i32 to index
          %get3A_593 = arith.constant 80 : index
          %get3A_594 = tpu.vector_load %arg6[%get3A_592, %get3A_593] {strides = array<i32>} : memref<256x128xf32, #tpu.memory_space<vmem>>, vector<1x16xf32>,
          %get3A_595 = vector.shape_cast %get3A_594 : vector<1x16xf32> to vector<16xf32>
          %add3A_596 = arith.addf %scan3A_558, %get3A_595 : vector<16xf32>
          %add3A_597 = arith.addi %mul3A_124, %scan3A_552 : i32
          %get3A_598 = arith.index_cast %add3A_597 : i32 to index
          %get3A_599 = arith.constant 96 : index
          %get3A_600 = tpu.vector_load %arg6[%get3A_598, %get3A_599] {strides = array<i32>} : memref<256x128xf32, #tpu.memory_space<vmem>>, vector<1x16xf32>,
          %get3A_601 = vector.shape_cast %get3A_600 : vector<1x16xf32> to vector<16xf32>
          %add3A_602 = arith.addf %scan3A_559, %get3A_601 : vector<16xf32>
          %add3A_603 = arith.addi %mul3A_124, %scan3A_552 : i32
          %get3A_604 = arith.index_cast %add3A_603 : i32 to index
          %get3A_605 = arith.constant 112 : index
          %get3A_606 = tpu.vector_load %arg6[%get3A_604, %get3A_605] {strides = array<i32>} : memref<256x128xf32, #tpu.memory_space<vmem>>, vector<1x16xf32>,
          %get3A_607 = vector.shape_cast %get3A_606 : vector<1x16xf32> to vector<16xf32>
          %add3A_608 = arith.addf %scan3A_560, %get3A_607 : vector<16xf32>
          %scan3A_609 = arith.constant 1 : i32
          %scan3A_610 = arith.addi %scan3A_552, %scan3A_609 : i32
          %add3A_611 = arith.addi %mul3A_124, %scan3A_610 : i32
          %get3A_612 = arith.index_cast %add3A_611 : i32 to index
          %get3A_613 = arith.constant 0 : index
          %get3A_614 = tpu.vector_load %arg6[%get3A_612, %get3A_613] {strides = array<i32>} : memref<256x128xf32, #tpu.memory_space<vmem>>, vector<1x16xf32>,
          %get3A_615 = vector.shape_cast %get3A_614 : vector<1x16xf32> to vector<16xf32>
          %add3A_616 = arith.addf %add3A_566, %get3A_615 : vector<16xf32>
          %add3A_617 = arith.addi %mul3A_124, %scan3A_610 : i32
          %get3A_618 = arith.index_cast %add3A_617 : i32 to index
          %get3A_619 = arith.constant 16 : index
          %get3A_620 = tpu.vector_load %arg6[%get3A_618, %get3A_619] {strides = array<i32>} : memref<256x128xf32, #tpu.memory_space<vmem>>, vector<1x16xf32>,
          %get3A_621 = vector.shape_cast %get3A_620 : vector<1x16xf32> to vector<16xf32>
          %add3A_622 = arith.addf %add3A_572, %get3A_621 : vector<16xf32>
          %add3A_623 = arith.addi %mul3A_124, %scan3A_610 : i32
          %get3A_624 = arith.index_cast %add3A_623 : i32 to index
          %get3A_625 = arith.constant 32 : index
          %get3A_626 = tpu.vector_load %arg6[%get3A_624, %get3A_625] {strides = array<i32>} : memref<256x128xf32, #tpu.memory_space<vmem>>, vector<1x16xf32>,
          %get3A_627 = vector.shape_cast %get3A_626 : vector<1x16xf32> to vector<16xf32>
          %add3A_628 = arith.addf %add3A_578, %get3A_627 : vector<16xf32>
          %add3A_629 = arith.addi %mul3A_124, %scan3A_610 : i32
          %get3A_630 = arith.index_cast %add3A_629 : i32 to index
          %get3A_631 = arith.constant 48 : index
          %get3A_632 = tpu.vector_load %arg6[%get3A_630, %get3A_631] {strides = array<i32>} : memref<256x128xf32, #tpu.memory_space<vmem>>, vector<1x16xf32>,
          %get3A_633 = vector.shape_cast %get3A_632 : vector<1x16xf32> to vector<16xf32>
          %add3A_634 = arith.addf %add3A_584, %get3A_633 : vector<16xf32>
          %add3A_635 = arith.addi %mul3A_124, %scan3A_610 : i32
          %get3A_636 = arith.index_cast %add3A_635 : i32 to index
          %get3A_637 = arith.constant 64 : index
          %get3A_638 = tpu.vector_load %arg6[%get3A_636, %get3A_637] {strides = array<i32>} : memref<256x128xf32, #tpu.memory_space<vmem>>, vector<1x16xf32>,
          %get3A_639 = vector.shape_cast %get3A_638 : vector<1x16xf32> to vector<16xf32>
          %add3A_640 = arith.addf %add3A_590, %get3A_639 : vector<16xf32>
          %add3A_641 = arith.addi %mul3A_124, %scan3A_610 : i32
          %get3A_642 = arith.index_cast %add3A_641 : i32 to index
          %get3A_643 = arith.constant 80 : index
          %get3A_644 = tpu.vector_load %arg6[%get3A_642, %get3A_643] {strides = array<i32>} : memref<256x128xf32, #tpu.memory_space<vmem>>, vector<1x16xf32>,
          %get3A_645 = vector.shape_cast %get3A_644 : vector<1x16xf32> to vector<16xf32>
          %add3A_646 = arith.addf %add3A_596, %get3A_645 : vector<16xf32>
          %add3A_647 = arith.addi %mul3A_124, %scan3A_610 : i32
          %get3A_648 = arith.index_cast %add3A_647 : i32 to index
          %get3A_649 = arith.constant 96 : index
          %get3A_650 = tpu.vector_load %arg6[%get3A_648, %get3A_649] {strides = array<i32>} : memref<256x128xf32, #tpu.memory_space<vmem>>, vector<1x16xf32>,
          %get3A_651 = vector.shape_cast %get3A_650 : vector<1x16xf32> to vector<16xf32>
          %add3A_652 = arith.addf %add3A_602, %get3A_651 : vector<16xf32>
          %add3A_653 = arith.addi %mul3A_124, %scan3A_610 : i32
          %get3A_654 = arith.index_cast %add3A_653 : i32 to index
          %get3A_655 = arith.constant 112 : index
          %get3A_656 = tpu.vector_load %arg6[%get3A_654, %get3A_655] {strides = array<i32>} : memref<256x128xf32, #tpu.memory_space<vmem>>, vector<1x16xf32>,
          %get3A_657 = vector.shape_cast %get3A_656 : vector<1x16xf32> to vector<16xf32>
          %add3A_658 = arith.addf %add3A_608, %get3A_657 : vector<16xf32>
          %scan3A_659 = arith.constant 2 : i32
          %scan3A_660 = arith.addi %scan3A_552, %scan3A_659 : i32
          %add3A_661 = arith.addi %mul3A_124, %scan3A_660 : i32
          %get3A_662 = arith.index_cast %add3A_661 : i32 to index
          %get3A_663 = arith.constant 0 : index
          %get3A_664 = tpu.vector_load %arg6[%get3A_662, %get3A_663] {strides = array<i32>} : memref<256x128xf32, #tpu.memory_space<vmem>>, vector<1x16xf32>,
          %get3A_665 = vector.shape_cast %get3A_664 : vector<1x16xf32> to vector<16xf32>
          %add3A_666 = arith.addf %add3A_616, %get3A_665 : vector<16xf32>
          %add3A_667 = arith.addi %mul3A_124, %scan3A_660 : i32
          %get3A_668 = arith.index_cast %add3A_667 : i32 to index
          %get3A_669 = arith.constant 16 : index
          %get3A_670 = tpu.vector_load %arg6[%get3A_668, %get3A_669] {strides = array<i32>} : memref<256x128xf32, #tpu.memory_space<vmem>>, vector<1x16xf32>,
          %get3A_671 = vector.shape_cast %get3A_670 : vector<1x16xf32> to vector<16xf32>
          %add3A_672 = arith.addf %add3A_622, %get3A_671 : vector<16xf32>
          %add3A_673 = arith.addi %mul3A_124, %scan3A_660 : i32
          %get3A_674 = arith.index_cast %add3A_673 : i32 to index
          %get3A_675 = arith.constant 32 : index
          %get3A_676 = tpu.vector_load %arg6[%get3A_674, %get3A_675] {strides = array<i32>} : memref<256x128xf32, #tpu.memory_space<vmem>>, vector<1x16xf32>,
          %get3A_677 = vector.shape_cast %get3A_676 : vector<1x16xf32> to vector<16xf32>
          %add3A_678 = arith.addf %add3A_628, %get3A_677 : vector<16xf32>
          %add3A_679 = arith.addi %mul3A_124, %scan3A_660 : i32
          %get3A_680 = arith.index_cast %add3A_679 : i32 to index
          %get3A_681 = arith.constant 48 : index
          %get3A_682 = tpu.vector_load %arg6[%get3A_680, %get3A_681] {strides = array<i32>} : memref<256x128xf32, #tpu.memory_space<vmem>>, vector<1x16xf32>,
          %get3A_683 = vector.shape_cast %get3A_682 : vector<1x16xf32> to vector<16xf32>
          %add3A_684 = arith.addf %add3A_634, %get3A_683 : vector<16xf32>
          %add3A_685 = arith.addi %mul3A_124, %scan3A_660 : i32
          %get3A_686 = arith.index_cast %add3A_685 : i32 to index
          %get3A_687 = arith.constant 64 : index
          %get3A_688 = tpu.vector_load %arg6[%get3A_686, %get3A_687] {strides = array<i32>} : memref<256x128xf32, #tpu.memory_space<vmem>>, vector<1x16xf32>,
          %get3A_689 = vector.shape_cast %get3A_688 : vector<1x16xf32> to vector<16xf32>
          %add3A_690 = arith.addf %add3A_640, %get3A_689 : vector<16xf32>
          %add3A_691 = arith.addi %mul3A_124, %scan3A_660 : i32
          %get3A_692 = arith.index_cast %add3A_691 : i32 to index
          %get3A_693 = arith.constant 80 : index
          %get3A_694 = tpu.vector_load %arg6[%get3A_692, %get3A_693] {strides = array<i32>} : memref<256x128xf32, #tpu.memory_space<vmem>>, vector<1x16xf32>,
          %get3A_695 = vector.shape_cast %get3A_694 : vector<1x16xf32> to vector<16xf32>
          %add3A_696 = arith.addf %add3A_646, %get3A_695 : vector<16xf32>
          %add3A_697 = arith.addi %mul3A_124, %scan3A_660 : i32
          %get3A_698 = arith.index_cast %add3A_697 : i32 to index
          %get3A_699 = arith.constant 96 : index
          %get3A_700 = tpu.vector_load %arg6[%get3A_698, %get3A_699] {strides = array<i32>} : memref<256x128xf32, #tpu.memory_space<vmem>>, vector<1x16xf32>,
          %get3A_701 = vector.shape_cast %get3A_700 : vector<1x16xf32> to vector<16xf32>
          %add3A_702 = arith.addf %add3A_652, %get3A_701 : vector<16xf32>
          %add3A_703 = arith.addi %mul3A_124, %scan3A_660 : i32
          %get3A_704 = arith.index_cast %add3A_703 : i32 to index
          %get3A_705 = arith.constant 112 : index
          %get3A_706 = tpu.vector_load %arg6[%get3A_704, %get3A_705] {strides = array<i32>} : memref<256x128xf32, #tpu.memory_space<vmem>>, vector<1x16xf32>,
          %get3A_707 = vector.shape_cast %get3A_706 : vector<1x16xf32> to vector<16xf32>
          %add3A_708 = arith.addf %add3A_658, %get3A_707 : vector<16xf32>
          %scan3A_709 = arith.constant 3 : i32
          %scan3A_710 = arith.addi %scan3A_552, %scan3A_709 : i32
          %add3A_711 = arith.addi %mul3A_124, %scan3A_710 : i32
          %get3A_712 = arith.index_cast %add3A_711 : i32 to index
          %get3A_713 = arith.constant 0 : index
          %get3A_714 = tpu.vector_load %arg6[%get3A_712, %get3A_713] {strides = array<i32>} : memref<256x128xf32, #tpu.memory_space<vmem>>, vector<1x16xf32>,
          %get3A_715 = vector.shape_cast %get3A_714 : vector<1x16xf32> to vector<16xf32>
          %add3A_716 = arith.addf %add3A_666, %get3A_715 : vector<16xf32>
          %add3A_717 = arith.addi %mul3A_124, %scan3A_710 : i32
          %get3A_718 = arith.index_cast %add3A_717 : i32 to index
          %get3A_719 = arith.constant 16 : index
          %get3A_720 = tpu.vector_load %arg6[%get3A_718, %get3A_719] {strides = array<i32>} : memref<256x128xf32, #tpu.memory_space<vmem>>, vector<1x16xf32>,
          %get3A_721 = vector.shape_cast %get3A_720 : vector<1x16xf32> to vector<16xf32>
          %add3A_722 = arith.addf %add3A_672, %get3A_721 : vector<16xf32>
          %add3A_723 = arith.addi %mul3A_124, %scan3A_710 : i32
          %get3A_724 = arith.index_cast %add3A_723 : i32 to index
          %get3A_725 = arith.constant 32 : index
          %get3A_726 = tpu.vector_load %arg6[%get3A_724, %get3A_725] {strides = array<i32>} : memref<256x128xf32, #tpu.memory_space<vmem>>, vector<1x16xf32>,
          %get3A_727 = vector.shape_cast %get3A_726 : vector<1x16xf32> to vector<16xf32>
          %add3A_728 = arith.addf %add3A_678, %get3A_727 : vector<16xf32>
          %add3A_729 = arith.addi %mul3A_124, %scan3A_710 : i32
          %get3A_730 = arith.index_cast %add3A_729 : i32 to index
          %get3A_731 = arith.constant 48 : index
          %get3A_732 = tpu.vector_load %arg6[%get3A_730, %get3A_731] {strides = array<i32>} : memref<256x128xf32, #tpu.memory_space<vmem>>, vector<1x16xf32>,
          %get3A_733 = vector.shape_cast %get3A_732 : vector<1x16xf32> to vector<16xf32>
          %add3A_734 = arith.addf %add3A_684, %get3A_733 : vector<16xf32>
          %add3A_735 = arith.addi %mul3A_124, %scan3A_710 : i32
          %get3A_736 = arith.index_cast %add3A_735 : i32 to index
          %get3A_737 = arith.constant 64 : index
          %get3A_738 = tpu.vector_load %arg6[%get3A_736, %get3A_737] {strides = array<i32>} : memref<256x128xf32, #tpu.memory_space<vmem>>, vector<1x16xf32>,
          %get3A_739 = vector.shape_cast %get3A_738 : vector<1x16xf32> to vector<16xf32>
          %add3A_740 = arith.addf %add3A_690, %get3A_739 : vector<16xf32>
          %add3A_741 = arith.addi %mul3A_124, %scan3A_710 : i32
          %get3A_742 = arith.index_cast %add3A_741 : i32 to index
          %get3A_743 = arith.constant 80 : index
          %get3A_744 = tpu.vector_load %arg6[%get3A_742, %get3A_743] {strides = array<i32>} : memref<256x128xf32, #tpu.memory_space<vmem>>, vector<1x16xf32>,
          %get3A_745 = vector.shape_cast %get3A_744 : vector<1x16xf32> to vector<16xf32>
          %add3A_746 = arith.addf %add3A_696, %get3A_745 : vector<16xf32>
          %add3A_747 = arith.addi %mul3A_124, %scan3A_710 : i32
          %get3A_748 = arith.index_cast %add3A_747 : i32 to index
          %get3A_749 = arith.constant 96 : index
          %get3A_750 = tpu.vector_load %arg6[%get3A_748, %get3A_749] {strides = array<i32>} : memref<256x128xf32, #tpu.memory_space<vmem>>, vector<1x16xf32>,
          %get3A_751 = vector.shape_cast %get3A_750 : vector<1x16xf32> to vector<16xf32>
          %add3A_752 = arith.addf %add3A_702, %get3A_751 : vector<16xf32>
          %add3A_753 = arith.addi %mul3A_124, %scan3A_710 : i32
          %get3A_754 = arith.index_cast %add3A_753 : i32 to index
          %get3A_755 = arith.constant 112 : index
          %get3A_756 = tpu.vector_load %arg6[%get3A_754, %get3A_755] {strides = array<i32>} : memref<256x128xf32, #tpu.memory_space<vmem>>, vector<1x16xf32>,
          %get3A_757 = vector.shape_cast %get3A_756 : vector<1x16xf32> to vector<16xf32>
          %add3A_758 = arith.addf %add3A_708, %get3A_757 : vector<16xf32>
          %scan3A_759 = arith.constant 4 : i32
          %scan3A_760 = arith.addi %scan3A_552, %scan3A_759 : i32
          %add3A_761 = arith.addi %mul3A_124, %scan3A_760 : i32
          %get3A_762 = arith.index_cast %add3A_761 : i32 to index
          %get3A_763 = arith.constant 0 : index
          %get3A_764 = tpu.vector_load %arg6[%get3A_762, %get3A_763] {strides = array<i32>} : memref<256x128xf32, #tpu.memory_space<vmem>>, vector<1x16xf32>,
          %get3A_765 = vector.shape_cast %get3A_764 : vector<1x16xf32> to vector<16xf32>
          %add3A_766 = arith.addf %add3A_716, %get3A_765 : vector<16xf32>
          %add3A_767 = arith.addi %mul3A_124, %scan3A_760 : i32
          %get3A_768 = arith.index_cast %add3A_767 : i32 to index
          %get3A_769 = arith.constant 16 : index
          %get3A_770 = tpu.vector_load %arg6[%get3A_768, %get3A_769] {strides = array<i32>} : memref<256x128xf32, #tpu.memory_space<vmem>>, vector<1x16xf32>,
          %get3A_771 = vector.shape_cast %get3A_770 : vector<1x16xf32> to vector<16xf32>
          %add3A_772 = arith.addf %add3A_722, %get3A_771 : vector<16xf32>
          %add3A_773 = arith.addi %mul3A_124, %scan3A_760 : i32
          %get3A_774 = arith.index_cast %add3A_773 : i32 to index
          %get3A_775 = arith.constant 32 : index
          %get3A_776 = tpu.vector_load %arg6[%get3A_774, %get3A_775] {strides = array<i32>} : memref<256x128xf32, #tpu.memory_space<vmem>>, vector<1x16xf32>,
          %get3A_777 = vector.shape_cast %get3A_776 : vector<1x16xf32> to vector<16xf32>
          %add3A_778 = arith.addf %add3A_728, %get3A_777 : vector<16xf32>
          %add3A_779 = arith.addi %mul3A_124, %scan3A_760 : i32
          %get3A_780 = arith.index_cast %add3A_779 : i32 to index
          %get3A_781 = arith.constant 48 : index
          %get3A_782 = tpu.vector_load %arg6[%get3A_780, %get3A_781] {strides = array<i32>} : memref<256x128xf32, #tpu.memory_space<vmem>>, vector<1x16xf32>,
          %get3A_783 = vector.shape_cast %get3A_782 : vector<1x16xf32> to vector<16xf32>
          %add3A_784 = arith.addf %add3A_734, %get3A_783 : vector<16xf32>
          %add3A_785 = arith.addi %mul3A_124, %scan3A_760 : i32
          %get3A_786 = arith.index_cast %add3A_785 : i32 to index
          %get3A_787 = arith.constant 64 : index
          %get3A_788 = tpu.vector_load %arg6[%get3A_786, %get3A_787] {strides = array<i32>} : memref<256x128xf32, #tpu.memory_space<vmem>>, vector<1x16xf32>,
          %get3A_789 = vector.shape_cast %get3A_788 : vector<1x16xf32> to vector<16xf32>
          %add3A_790 = arith.addf %add3A_740, %get3A_789 : vector<16xf32>
          %add3A_791 = arith.addi %mul3A_124, %scan3A_760 : i32
          %get3A_792 = arith.index_cast %add3A_791 : i32 to index
          %get3A_793 = arith.constant 80 : index
          %get3A_794 = tpu.vector_load %arg6[%get3A_792, %get3A_793] {strides = array<i32>} : memref<256x128xf32, #tpu.memory_space<vmem>>, vector<1x16xf32>,
          %get3A_795 = vector.shape_cast %get3A_794 : vector<1x16xf32> to vector<16xf32>
          %add3A_796 = arith.addf %add3A_746, %get3A_795 : vector<16xf32>
          %add3A_797 = arith.addi %mul3A_124, %scan3A_760 : i32
          %get3A_798 = arith.index_cast %add3A_797 : i32 to index
          %get3A_799 = arith.constant 96 : index
          %get3A_800 = tpu.vector_load %arg6[%get3A_798, %get3A_799] {strides = array<i32>} : memref<256x128xf32, #tpu.memory_space<vmem>>, vector<1x16xf32>,
          %get3A_801 = vector.shape_cast %get3A_800 : vector<1x16xf32> to vector<16xf32>
          %add3A_802 = arith.addf %add3A_752, %get3A_801 : vector<16xf32>
          %add3A_803 = arith.addi %mul3A_124, %scan3A_760 : i32
          %get3A_804 = arith.index_cast %add3A_803 : i32 to index
          %get3A_805 = arith.constant 112 : index
          %get3A_806 = tpu.vector_load %arg6[%get3A_804, %get3A_805] {strides = array<i32>} : memref<256x128xf32, #tpu.memory_space<vmem>>, vector<1x16xf32>,
          %get3A_807 = vector.shape_cast %get3A_806 : vector<1x16xf32> to vector<16xf32>
          %add3A_808 = arith.addf %add3A_758, %get3A_807 : vector<16xf32>
          %scan3A_809 = arith.constant 5 : i32
          %scan3A_810 = arith.addi %scan3A_552, %scan3A_809 : i32
          %add3A_811 = arith.addi %mul3A_124, %scan3A_810 : i32
          %get3A_812 = arith.index_cast %add3A_811 : i32 to index
          %get3A_813 = arith.constant 0 : index
          %get3A_814 = tpu.vector_load %arg6[%get3A_812, %get3A_813] {strides = array<i32>} : memref<256x128xf32, #tpu.memory_space<vmem>>, vector<1x16xf32>,
          %get3A_815 = vector.shape_cast %get3A_814 : vector<1x16xf32> to vector<16xf32>
          %add3A_816 = arith.addf %add3A_766, %get3A_815 : vector<16xf32>
          %add3A_817 = arith.addi %mul3A_124, %scan3A_810 : i32
          %get3A_818 = arith.index_cast %add3A_817 : i32 to index
          %get3A_819 = arith.constant 16 : index
          %get3A_820 = tpu.vector_load %arg6[%get3A_818, %get3A_819] {strides = array<i32>} : memref<256x128xf32, #tpu.memory_space<vmem>>, vector<1x16xf32>,
          %get3A_821 = vector.shape_cast %get3A_820 : vector<1x16xf32> to vector<16xf32>
          %add3A_822 = arith.addf %add3A_772, %get3A_821 : vector<16xf32>
          %add3A_823 = arith.addi %mul3A_124, %scan3A_810 : i32
          %get3A_824 = arith.index_cast %add3A_823 : i32 to index
          %get3A_825 = arith.constant 32 : index
          %get3A_826 = tpu.vector_load %arg6[%get3A_824, %get3A_825] {strides = array<i32>} : memref<256x128xf32, #tpu.memory_space<vmem>>, vector<1x16xf32>,
          %get3A_827 = vector.shape_cast %get3A_826 : vector<1x16xf32> to vector<16xf32>
          %add3A_828 = arith.addf %add3A_778, %get3A_827 : vector<16xf32>
          %add3A_829 = arith.addi %mul3A_124, %scan3A_810 : i32
          %get3A_830 = arith.index_cast %add3A_829 : i32 to index
          %get3A_831 = arith.constant 48 : index
          %get3A_832 = tpu.vector_load %arg6[%get3A_830, %get3A_831] {strides = array<i32>} : memref<256x128xf32, #tpu.memory_space<vmem>>, vector<1x16xf32>,
          %get3A_833 = vector.shape_cast %get3A_832 : vector<1x16xf32> to vector<16xf32>
          %add3A_834 = arith.addf %add3A_784, %get3A_833 : vector<16xf32>
          %add3A_835 = arith.addi %mul3A_124, %scan3A_810 : i32
          %get3A_836 = arith.index_cast %add3A_835 : i32 to index
          %get3A_837 = arith.constant 64 : index
          %get3A_838 = tpu.vector_load %arg6[%get3A_836, %get3A_837] {strides = array<i32>} : memref<256x128xf32, #tpu.memory_space<vmem>>, vector<1x16xf32>,
          %get3A_839 = vector.shape_cast %get3A_838 : vector<1x16xf32> to vector<16xf32>
          %add3A_840 = arith.addf %add3A_790, %get3A_839 : vector<16xf32>
          %add3A_841 = arith.addi %mul3A_124, %scan3A_810 : i32
          %get3A_842 = arith.index_cast %add3A_841 : i32 to index
          %get3A_843 = arith.constant 80 : index
          %get3A_844 = tpu.vector_load %arg6[%get3A_842, %get3A_843] {strides = array<i32>} : memref<256x128xf32, #tpu.memory_space<vmem>>, vector<1x16xf32>,
          %get3A_845 = vector.shape_cast %get3A_844 : vector<1x16xf32> to vector<16xf32>
          %add3A_846 = arith.addf %add3A_796, %get3A_845 : vector<16xf32>
          %add3A_847 = arith.addi %mul3A_124, %scan3A_810 : i32
          %get3A_848 = arith.index_cast %add3A_847 : i32 to index
          %get3A_849 = arith.constant 96 : index
          %get3A_850 = tpu.vector_load %arg6[%get3A_848, %get3A_849] {strides = array<i32>} : memref<256x128xf32, #tpu.memory_space<vmem>>, vector<1x16xf32>,
          %get3A_851 = vector.shape_cast %get3A_850 : vector<1x16xf32> to vector<16xf32>
          %add3A_852 = arith.addf %add3A_802, %get3A_851 : vector<16xf32>
          %add3A_853 = arith.addi %mul3A_124, %scan3A_810 : i32
          %get3A_854 = arith.index_cast %add3A_853 : i32 to index
          %get3A_855 = arith.constant 112 : index
          %get3A_856 = tpu.vector_load %arg6[%get3A_854, %get3A_855] {strides = array<i32>} : memref<256x128xf32, #tpu.memory_space<vmem>>, vector<1x16xf32>,
          %get3A_857 = vector.shape_cast %get3A_856 : vector<1x16xf32> to vector<16xf32>
          %add3A_858 = arith.addf %add3A_808, %get3A_857 : vector<16xf32>
          %scan3A_859 = arith.constant 6 : i32
          %scan3A_860 = arith.addi %scan3A_552, %scan3A_859 : i32
          %add3A_861 = arith.addi %mul3A_124, %scan3A_860 : i32
          %get3A_862 = arith.index_cast %add3A_861 : i32 to index
          %get3A_863 = arith.constant 0 : index
          %get3A_864 = tpu.vector_load %arg6[%get3A_862, %get3A_863] {strides = array<i32>} : memref<256x128xf32, #tpu.memory_space<vmem>>, vector<1x16xf32>,
          %get3A_865 = vector.shape_cast %get3A_864 : vector<1x16xf32> to vector<16xf32>
          %add3A_866 = arith.addf %add3A_816, %get3A_865 : vector<16xf32>
          %add3A_867 = arith.addi %mul3A_124, %scan3A_860 : i32
          %get3A_868 = arith.index_cast %add3A_867 : i32 to index
          %get3A_869 = arith.constant 16 : index
          %get3A_870 = tpu.vector_load %arg6[%get3A_868, %get3A_869] {strides = array<i32>} : memref<256x128xf32, #tpu.memory_space<vmem>>, vector<1x16xf32>,
          %get3A_871 = vector.shape_cast %get3A_870 : vector<1x16xf32> to vector<16xf32>
          %add3A_872 = arith.addf %add3A_822, %get3A_871 : vector<16xf32>
          %add3A_873 = arith.addi %mul3A_124, %scan3A_860 : i32
          %get3A_874 = arith.index_cast %add3A_873 : i32 to index
          %get3A_875 = arith.constant 32 : index
          %get3A_876 = tpu.vector_load %arg6[%get3A_874, %get3A_875] {strides = array<i32>} : memref<256x128xf32, #tpu.memory_space<vmem>>, vector<1x16xf32>,
          %get3A_877 = vector.shape_cast %get3A_876 : vector<1x16xf32> to vector<16xf32>
          %add3A_878 = arith.addf %add3A_828, %get3A_877 : vector<16xf32>
          %add3A_879 = arith.addi %mul3A_124, %scan3A_860 : i32
          %get3A_880 = arith.index_cast %add3A_879 : i32 to index
          %get3A_881 = arith.constant 48 : index
          %get3A_882 = tpu.vector_load %arg6[%get3A_880, %get3A_881] {strides = array<i32>} : memref<256x128xf32, #tpu.memory_space<vmem>>, vector<1x16xf32>,
          %get3A_883 = vector.shape_cast %get3A_882 : vector<1x16xf32> to vector<16xf32>
          %add3A_884 = arith.addf %add3A_834, %get3A_883 : vector<16xf32>
          %add3A_885 = arith.addi %mul3A_124, %scan3A_860 : i32
          %get3A_886 = arith.index_cast %add3A_885 : i32 to index
          %get3A_887 = arith.constant 64 : index
          %get3A_888 = tpu.vector_load %arg6[%get3A_886, %get3A_887] {strides = array<i32>} : memref<256x128xf32, #tpu.memory_space<vmem>>, vector<1x16xf32>,
          %get3A_889 = vector.shape_cast %get3A_888 : vector<1x16xf32> to vector<16xf32>
          %add3A_890 = arith.addf %add3A_840, %get3A_889 : vector<16xf32>
          %add3A_891 = arith.addi %mul3A_124, %scan3A_860 : i32
          %get3A_892 = arith.index_cast %add3A_891 : i32 to index
          %get3A_893 = arith.constant 80 : index
          %get3A_894 = tpu.vector_load %arg6[%get3A_892, %get3A_893] {strides = array<i32>} : memref<256x128xf32, #tpu.memory_space<vmem>>, vector<1x16xf32>,
          %get3A_895 = vector.shape_cast %get3A_894 : vector<1x16xf32> to vector<16xf32>
          %add3A_896 = arith.addf %add3A_846, %get3A_895 : vector<16xf32>
          %add3A_897 = arith.addi %mul3A_124, %scan3A_860 : i32
          %get3A_898 = arith.index_cast %add3A_897 : i32 to index
          %get3A_899 = arith.constant 96 : index
          %get3A_900 = tpu.vector_load %arg6[%get3A_898, %get3A_899] {strides = array<i32>} : memref<256x128xf32, #tpu.memory_space<vmem>>, vector<1x16xf32>,
          %get3A_901 = vector.shape_cast %get3A_900 : vector<1x16xf32> to vector<16xf32>
          %add3A_902 = arith.addf %add3A_852, %get3A_901 : vector<16xf32>
          %add3A_903 = arith.addi %mul3A_124, %scan3A_860 : i32
          %get3A_904 = arith.index_cast %add3A_903 : i32 to index
          %get3A_905 = arith.constant 112 : index
          %get3A_906 = tpu.vector_load %arg6[%get3A_904, %get3A_905] {strides = array<i32>} : memref<256x128xf32, #tpu.memory_space<vmem>>, vector<1x16xf32>,
          %get3A_907 = vector.shape_cast %get3A_906 : vector<1x16xf32> to vector<16xf32>
          %add3A_908 = arith.addf %add3A_858, %get3A_907 : vector<16xf32>
          %scan3A_909 = arith.constant 7 : i32
          %scan3A_910 = arith.addi %scan3A_552, %scan3A_909 : i32
          %add3A_911 = arith.addi %mul3A_124, %scan3A_910 : i32
          %get3A_912 = arith.index_cast %add3A_911 : i32 to index
          %get3A_913 = arith.constant 0 : index
          %get3A_914 = tpu.vector_load %arg6[%get3A_912, %get3A_913] {strides = array<i32>} : memref<256x128xf32, #tpu.memory_space<vmem>>, vector<1x16xf32>,
          %get3A_915 = vector.shape_cast %get3A_914 : vector<1x16xf32> to vector<16xf32>
          %add3A_916 = arith.addf %add3A_866, %get3A_915 : vector<16xf32>
          %add3A_917 = arith.addi %mul3A_124, %scan3A_910 : i32
          %get3A_918 = arith.index_cast %add3A_917 : i32 to index
          %get3A_919 = arith.constant 16 : index
          %get3A_920 = tpu.vector_load %arg6[%get3A_918, %get3A_919] {strides = array<i32>} : memref<256x128xf32, #tpu.memory_space<vmem>>, vector<1x16xf32>,
          %get3A_921 = vector.shape_cast %get3A_920 : vector<1x16xf32> to vector<16xf32>
          %add3A_922 = arith.addf %add3A_872, %get3A_921 : vector<16xf32>
          %add3A_923 = arith.addi %mul3A_124, %scan3A_910 : i32
          %get3A_924 = arith.index_cast %add3A_923 : i32 to index
          %get3A_925 = arith.constant 32 : index
          %get3A_926 = tpu.vector_load %arg6[%get3A_924, %get3A_925] {strides = array<i32>} : memref<256x128xf32, #tpu.memory_space<vmem>>, vector<1x16xf32>,
          %get3A_927 = vector.shape_cast %get3A_926 : vector<1x16xf32> to vector<16xf32>
          %add3A_928 = arith.addf %add3A_878, %get3A_927 : vector<16xf32>
          %add3A_929 = arith.addi %mul3A_124, %scan3A_910 : i32
          %get3A_930 = arith.index_cast %add3A_929 : i32 to index
          %get3A_931 = arith.constant 48 : index
          %get3A_932 = tpu.vector_load %arg6[%get3A_930, %get3A_931] {strides = array<i32>} : memref<256x128xf32, #tpu.memory_space<vmem>>, vector<1x16xf32>,
          %get3A_933 = vector.shape_cast %get3A_932 : vector<1x16xf32> to vector<16xf32>
          %add3A_934 = arith.addf %add3A_884, %get3A_933 : vector<16xf32>
          %add3A_935 = arith.addi %mul3A_124, %scan3A_910 : i32
          %get3A_936 = arith.index_cast %add3A_935 : i32 to index
          %get3A_937 = arith.constant 64 : index
          %get3A_938 = tpu.vector_load %arg6[%get3A_936, %get3A_937] {strides = array<i32>} : memref<256x128xf32, #tpu.memory_space<vmem>>, vector<1x16xf32>,
          %get3A_939 = vector.shape_cast %get3A_938 : vector<1x16xf32> to vector<16xf32>
          %add3A_940 = arith.addf %add3A_890, %get3A_939 : vector<16xf32>
          %add3A_941 = arith.addi %mul3A_124, %scan3A_910 : i32
          %get3A_942 = arith.index_cast %add3A_941 : i32 to index
          %get3A_943 = arith.constant 80 : index
          %get3A_944 = tpu.vector_load %arg6[%get3A_942, %get3A_943] {strides = array<i32>} : memref<256x128xf32, #tpu.memory_space<vmem>>, vector<1x16xf32>,
          %get3A_945 = vector.shape_cast %get3A_944 : vector<1x16xf32> to vector<16xf32>
          %add3A_946 = arith.addf %add3A_896, %get3A_945 : vector<16xf32>
          %add3A_947 = arith.addi %mul3A_124, %scan3A_910 : i32
          %get3A_948 = arith.index_cast %add3A_947 : i32 to index
          %get3A_949 = arith.constant 96 : index
          %get3A_950 = tpu.vector_load %arg6[%get3A_948, %get3A_949] {strides = array<i32>} : memref<256x128xf32, #tpu.memory_space<vmem>>, vector<1x16xf32>,
          %get3A_951 = vector.shape_cast %get3A_950 : vector<1x16xf32> to vector<16xf32>
          %add3A_952 = arith.addf %add3A_902, %get3A_951 : vector<16xf32>
          %add3A_953 = arith.addi %mul3A_124, %scan3A_910 : i32
          %get3A_954 = arith.index_cast %add3A_953 : i32 to index
          %get3A_955 = arith.constant 112 : index
          %get3A_956 = tpu.vector_load %arg6[%get3A_954, %get3A_955] {strides = array<i32>} : memref<256x128xf32, #tpu.memory_space<vmem>>, vector<1x16xf32>,
          %get3A_957 = vector.shape_cast %get3A_956 : vector<1x16xf32> to vector<16xf32>
          %add3A_958 = arith.addf %add3A_908, %get3A_957 : vector<16xf32>
          scf.yield %add3A_916, %add3A_922, %add3A_928, %add3A_934, %add3A_940, %add3A_946, %add3A_952, %add3A_958 : vector<16xf32>, vector<16xf32>, vector<16xf32>, vector<16xf32>, vector<16xf32>, vector<16xf32>, vector<16xf32>, vector<16xf32>
        }
        %scan3A_161 = arith.constant 24 : i32
        %scan3A_162 = arith.addi %scan3A_156, %scan3A_161 : i32
        %add3A_163 = arith.addi %mul3A_124, %scan3A_162 : i32
        %get3A_164 = arith.index_cast %add3A_163 : i32 to index
        %get3A_165 = arith.constant 0 : index
        %get3A_166 = tpu.vector_load %arg6[%get3A_164, %get3A_165] {strides = array<i32>} : memref<256x128xf32, #tpu.memory_space<vmem>>, vector<1x16xf32>,
        %get3A_167 = vector.shape_cast %get3A_166 : vector<1x16xf32> to vector<16xf32>
        %add3A_168 = arith.addf %scan3A_160#0, %get3A_167 : vector<16xf32>
        %add3A_169 = arith.addi %mul3A_124, %scan3A_162 : i32
        %get3A_170 = arith.index_cast %add3A_169 : i32 to index
        %get3A_171 = arith.constant 16 : index
        %get3A_172 = tpu.vector_load %arg6[%get3A_170, %get3A_171] {strides = array<i32>} : memref<256x128xf32, #tpu.memory_space<vmem>>, vector<1x16xf32>,
        %get3A_173 = vector.shape_cast %get3A_172 : vector<1x16xf32> to vector<16xf32>
        %add3A_174 = arith.addf %scan3A_160#1, %get3A_173 : vector<16xf32>
        %add3A_175 = arith.addi %mul3A_124, %scan3A_162 : i32
        %get3A_176 = arith.index_cast %add3A_175 : i32 to index
        %get3A_177 = arith.constant 32 : index
        %get3A_178 = tpu.vector_load %arg6[%get3A_176, %get3A_177] {strides = array<i32>} : memref<256x128xf32, #tpu.memory_space<vmem>>, vector<1x16xf32>,
        %get3A_179 = vector.shape_cast %get3A_178 : vector<1x16xf32> to vector<16xf32>
        %add3A_180 = arith.addf %scan3A_160#2, %get3A_179 : vector<16xf32>
        %add3A_181 = arith.addi %mul3A_124, %scan3A_162 : i32
        %get3A_182 = arith.index_cast %add3A_181 : i32 to index
        %get3A_183 = arith.constant 48 : index
        %get3A_184 = tpu.vector_load %arg6[%get3A_182, %get3A_183] {strides = array<i32>} : memref<256x128xf32, #tpu.memory_space<vmem>>, vector<1x16xf32>,
        %get3A_185 = vector.shape_cast %get3A_184 : vector<1x16xf32> to vector<16xf32>
        %add3A_186 = arith.addf %scan3A_160#3, %get3A_185 : vector<16xf32>
        %add3A_187 = arith.addi %mul3A_124, %scan3A_162 : i32
        %get3A_188 = arith.index_cast %add3A_187 : i32 to index
        %get3A_189 = arith.constant 64 : index
        %get3A_190 = tpu.vector_load %arg6[%get3A_188, %get3A_189] {strides = array<i32>} : memref<256x128xf32, #tpu.memory_space<vmem>>, vector<1x16xf32>,
        %get3A_191 = vector.shape_cast %get3A_190 : vector<1x16xf32> to vector<16xf32>
        %add3A_192 = arith.addf %scan3A_160#4, %get3A_191 : vector<16xf32>
        %add3A_193 = arith.addi %mul3A_124, %scan3A_162 : i32
        %get3A_194 = arith.index_cast %add3A_193 : i32 to index
        %get3A_195 = arith.constant 80 : index
        %get3A_196 = tpu.vector_load %arg6[%get3A_194, %get3A_195] {strides = array<i32>} : memref<256x128xf32, #tpu.memory_space<vmem>>, vector<1x16xf32>,
        %get3A_197 = vector.shape_cast %get3A_196 : vector<1x16xf32> to vector<16xf32>
        %add3A_198 = arith.addf %scan3A_160#5, %get3A_197 : vector<16xf32>
        %add3A_199 = arith.addi %mul3A_124, %scan3A_162 : i32
        %get3A_200 = arith.index_cast %add3A_199 : i32 to index
        %get3A_201 = arith.constant 96 : index
        %get3A_202 = tpu.vector_load %arg6[%get3A_200, %get3A_201] {strides = array<i32>} : memref<256x128xf32, #tpu.memory_space<vmem>>, vector<1x16xf32>,
        %get3A_203 = vector.shape_cast %get3A_202 : vector<1x16xf32> to vector<16xf32>
        %add3A_204 = arith.addf %scan3A_160#6, %get3A_203 : vector<16xf32>
        %add3A_205 = arith.addi %mul3A_124, %scan3A_162 : i32
        %get3A_206 = arith.index_cast %add3A_205 : i32 to index
        %get3A_207 = arith.constant 112 : index
        %get3A_208 = tpu.vector_load %arg6[%get3A_206, %get3A_207] {strides = array<i32>} : memref<256x128xf32, #tpu.memory_space<vmem>>, vector<1x16xf32>,
        %get3A_209 = vector.shape_cast %get3A_208 : vector<1x16xf32> to vector<16xf32>
        %add3A_210 = arith.addf %scan3A_160#7, %get3A_209 : vector<16xf32>
        %scan3A_211 = arith.constant 25 : i32
        %scan3A_212 = arith.addi %scan3A_156, %scan3A_211 : i32
        %add3A_213 = arith.addi %mul3A_124, %scan3A_212 : i32
        %get3A_214 = arith.index_cast %add3A_213 : i32 to index
        %get3A_215 = arith.constant 0 : index
        %get3A_216 = tpu.vector_load %arg6[%get3A_214, %get3A_215] {strides = array<i32>} : memref<256x128xf32, #tpu.memory_space<vmem>>, vector<1x16xf32>,
        %get3A_217 = vector.shape_cast %get3A_216 : vector<1x16xf32> to vector<16xf32>
        %add3A_218 = arith.addf %add3A_168, %get3A_217 : vector<16xf32>
        %add3A_219 = arith.addi %mul3A_124, %scan3A_212 : i32
        %get3A_220 = arith.index_cast %add3A_219 : i32 to index
        %get3A_221 = arith.constant 16 : index
        %get3A_222 = tpu.vector_load %arg6[%get3A_220, %get3A_221] {strides = array<i32>} : memref<256x128xf32, #tpu.memory_space<vmem>>, vector<1x16xf32>,
        %get3A_223 = vector.shape_cast %get3A_222 : vector<1x16xf32> to vector<16xf32>
        %add3A_224 = arith.addf %add3A_174, %get3A_223 : vector<16xf32>
        %add3A_225 = arith.addi %mul3A_124, %scan3A_212 : i32
        %get3A_226 = arith.index_cast %add3A_225 : i32 to index
        %get3A_227 = arith.constant 32 : index
        %get3A_228 = tpu.vector_load %arg6[%get3A_226, %get3A_227] {strides = array<i32>} : memref<256x128xf32, #tpu.memory_space<vmem>>, vector<1x16xf32>,
        %get3A_229 = vector.shape_cast %get3A_228 : vector<1x16xf32> to vector<16xf32>
        %add3A_230 = arith.addf %add3A_180, %get3A_229 : vector<16xf32>
        %add3A_231 = arith.addi %mul3A_124, %scan3A_212 : i32
        %get3A_232 = arith.index_cast %add3A_231 : i32 to index
        %get3A_233 = arith.constant 48 : index
        %get3A_234 = tpu.vector_load %arg6[%get3A_232, %get3A_233] {strides = array<i32>} : memref<256x128xf32, #tpu.memory_space<vmem>>, vector<1x16xf32>,
        %get3A_235 = vector.shape_cast %get3A_234 : vector<1x16xf32> to vector<16xf32>
        %add3A_236 = arith.addf %add3A_186, %get3A_235 : vector<16xf32>
        %add3A_237 = arith.addi %mul3A_124, %scan3A_212 : i32
        %get3A_238 = arith.index_cast %add3A_237 : i32 to index
        %get3A_239 = arith.constant 64 : index
        %get3A_240 = tpu.vector_load %arg6[%get3A_238, %get3A_239] {strides = array<i32>} : memref<256x128xf32, #tpu.memory_space<vmem>>, vector<1x16xf32>,
        %get3A_241 = vector.shape_cast %get3A_240 : vector<1x16xf32> to vector<16xf32>
        %add3A_242 = arith.addf %add3A_192, %get3A_241 : vector<16xf32>
        %add3A_243 = arith.addi %mul3A_124, %scan3A_212 : i32
        %get3A_244 = arith.index_cast %add3A_243 : i32 to index
        %get3A_245 = arith.constant 80 : index
        %get3A_246 = tpu.vector_load %arg6[%get3A_244, %get3A_245] {strides = array<i32>} : memref<256x128xf32, #tpu.memory_space<vmem>>, vector<1x16xf32>,
        %get3A_247 = vector.shape_cast %get3A_246 : vector<1x16xf32> to vector<16xf32>
        %add3A_248 = arith.addf %add3A_198, %get3A_247 : vector<16xf32>
        %add3A_249 = arith.addi %mul3A_124, %scan3A_212 : i32
        %get3A_250 = arith.index_cast %add3A_249 : i32 to index
        %get3A_251 = arith.constant 96 : index
        %get3A_252 = tpu.vector_load %arg6[%get3A_250, %get3A_251] {strides = array<i32>} : memref<256x128xf32, #tpu.memory_space<vmem>>, vector<1x16xf32>,
        %get3A_253 = vector.shape_cast %get3A_252 : vector<1x16xf32> to vector<16xf32>
        %add3A_254 = arith.addf %add3A_204, %get3A_253 : vector<16xf32>
        %add3A_255 = arith.addi %mul3A_124, %scan3A_212 : i32
        %get3A_256 = arith.index_cast %add3A_255 : i32 to index
        %get3A_257 = arith.constant 112 : index
        %get3A_258 = tpu.vector_load %arg6[%get3A_256, %get3A_257] {strides = array<i32>} : memref<256x128xf32, #tpu.memory_space<vmem>>, vector<1x16xf32>,
        %get3A_259 = vector.shape_cast %get3A_258 : vector<1x16xf32> to vector<16xf32>
        %add3A_260 = arith.addf %add3A_210, %get3A_259 : vector<16xf32>
        %scan3A_261 = arith.constant 26 : i32
        %scan3A_262 = arith.addi %scan3A_156, %scan3A_261 : i32
        %add3A_263 = arith.addi %mul3A_124, %scan3A_262 : i32
        %get3A_264 = arith.index_cast %add3A_263 : i32 to index
        %get3A_265 = arith.constant 0 : index
        %get3A_266 = tpu.vector_load %arg6[%get3A_264, %get3A_265] {strides = array<i32>} : memref<256x128xf32, #tpu.memory_space<vmem>>, vector<1x16xf32>,
        %get3A_267 = vector.shape_cast %get3A_266 : vector<1x16xf32> to vector<16xf32>
        %add3A_268 = arith.addf %add3A_218, %get3A_267 : vector<16xf32>
        %add3A_269 = arith.addi %mul3A_124, %scan3A_262 : i32
        %get3A_270 = arith.index_cast %add3A_269 : i32 to index
        %get3A_271 = arith.constant 16 : index
        %get3A_272 = tpu.vector_load %arg6[%get3A_270, %get3A_271] {strides = array<i32>} : memref<256x128xf32, #tpu.memory_space<vmem>>, vector<1x16xf32>,
        %get3A_273 = vector.shape_cast %get3A_272 : vector<1x16xf32> to vector<16xf32>
        %add3A_274 = arith.addf %add3A_224, %get3A_273 : vector<16xf32>
        %add3A_275 = arith.addi %mul3A_124, %scan3A_262 : i32
        %get3A_276 = arith.index_cast %add3A_275 : i32 to index
        %get3A_277 = arith.constant 32 : index
        %get3A_278 = tpu.vector_load %arg6[%get3A_276, %get3A_277] {strides = array<i32>} : memref<256x128xf32, #tpu.memory_space<vmem>>, vector<1x16xf32>,
        %get3A_279 = vector.shape_cast %get3A_278 : vector<1x16xf32> to vector<16xf32>
        %add3A_280 = arith.addf %add3A_230, %get3A_279 : vector<16xf32>
        %add3A_281 = arith.addi %mul3A_124, %scan3A_262 : i32
        %get3A_282 = arith.index_cast %add3A_281 : i32 to index
        %get3A_283 = arith.constant 48 : index
        %get3A_284 = tpu.vector_load %arg6[%get3A_282, %get3A_283] {strides = array<i32>} : memref<256x128xf32, #tpu.memory_space<vmem>>, vector<1x16xf32>,
        %get3A_285 = vector.shape_cast %get3A_284 : vector<1x16xf32> to vector<16xf32>
        %add3A_286 = arith.addf %add3A_236, %get3A_285 : vector<16xf32>
        %add3A_287 = arith.addi %mul3A_124, %scan3A_262 : i32
        %get3A_288 = arith.index_cast %add3A_287 : i32 to index
        %get3A_289 = arith.constant 64 : index
        %get3A_290 = tpu.vector_load %arg6[%get3A_288, %get3A_289] {strides = array<i32>} : memref<256x128xf32, #tpu.memory_space<vmem>>, vector<1x16xf32>,
        %get3A_291 = vector.shape_cast %get3A_290 : vector<1x16xf32> to vector<16xf32>
        %add3A_292 = arith.addf %add3A_242, %get3A_291 : vector<16xf32>
        %add3A_293 = arith.addi %mul3A_124, %scan3A_262 : i32
        %get3A_294 = arith.index_cast %add3A_293 : i32 to index
        %get3A_295 = arith.constant 80 : index
        %get3A_296 = tpu.vector_load %arg6[%get3A_294, %get3A_295] {strides = array<i32>} : memref<256x128xf32, #tpu.memory_space<vmem>>, vector<1x16xf32>,
        %get3A_297 = vector.shape_cast %get3A_296 : vector<1x16xf32> to vector<16xf32>
        %add3A_298 = arith.addf %add3A_248, %get3A_297 : vector<16xf32>
        %add3A_299 = arith.addi %mul3A_124, %scan3A_262 : i32
        %get3A_300 = arith.index_cast %add3A_299 : i32 to index
        %get3A_301 = arith.constant 96 : index
        %get3A_302 = tpu.vector_load %arg6[%get3A_300, %get3A_301] {strides = array<i32>} : memref<256x128xf32, #tpu.memory_space<vmem>>, vector<1x16xf32>,
        %get3A_303 = vector.shape_cast %get3A_302 : vector<1x16xf32> to vector<16xf32>
        %add3A_304 = arith.addf %add3A_254, %get3A_303 : vector<16xf32>
        %add3A_305 = arith.addi %mul3A_124, %scan3A_262 : i32
        %get3A_306 = arith.index_cast %add3A_305 : i32 to index
        %get3A_307 = arith.constant 112 : index
        %get3A_308 = tpu.vector_load %arg6[%get3A_306, %get3A_307] {strides = array<i32>} : memref<256x128xf32, #tpu.memory_space<vmem>>, vector<1x16xf32>,
        %get3A_309 = vector.shape_cast %get3A_308 : vector<1x16xf32> to vector<16xf32>
        %add3A_310 = arith.addf %add3A_260, %get3A_309 : vector<16xf32>
        %scan3A_311 = arith.constant 27 : i32
        %scan3A_312 = arith.addi %scan3A_156, %scan3A_311 : i32
        %add3A_313 = arith.addi %mul3A_124, %scan3A_312 : i32
        %get3A_314 = arith.index_cast %add3A_313 : i32 to index
        %get3A_315 = arith.constant 0 : index
        %get3A_316 = tpu.vector_load %arg6[%get3A_314, %get3A_315] {strides = array<i32>} : memref<256x128xf32, #tpu.memory_space<vmem>>, vector<1x16xf32>,
        %get3A_317 = vector.shape_cast %get3A_316 : vector<1x16xf32> to vector<16xf32>
        %add3A_318 = arith.addf %add3A_268, %get3A_317 : vector<16xf32>
        %add3A_319 = arith.addi %mul3A_124, %scan3A_312 : i32
        %get3A_320 = arith.index_cast %add3A_319 : i32 to index
        %get3A_321 = arith.constant 16 : index
        %get3A_322 = tpu.vector_load %arg6[%get3A_320, %get3A_321] {strides = array<i32>} : memref<256x128xf32, #tpu.memory_space<vmem>>, vector<1x16xf32>,
        %get3A_323 = vector.shape_cast %get3A_322 : vector<1x16xf32> to vector<16xf32>
        %add3A_324 = arith.addf %add3A_274, %get3A_323 : vector<16xf32>
        %add3A_325 = arith.addi %mul3A_124, %scan3A_312 : i32
        %get3A_326 = arith.index_cast %add3A_325 : i32 to index
        %get3A_327 = arith.constant 32 : index
        %get3A_328 = tpu.vector_load %arg6[%get3A_326, %get3A_327] {strides = array<i32>} : memref<256x128xf32, #tpu.memory_space<vmem>>, vector<1x16xf32>,
        %get3A_329 = vector.shape_cast %get3A_328 : vector<1x16xf32> to vector<16xf32>
        %add3A_330 = arith.addf %add3A_280, %get3A_329 : vector<16xf32>
        %add3A_331 = arith.addi %mul3A_124, %scan3A_312 : i32
        %get3A_332 = arith.index_cast %add3A_331 : i32 to index
        %get3A_333 = arith.constant 48 : index
        %get3A_334 = tpu.vector_load %arg6[%get3A_332, %get3A_333] {strides = array<i32>} : memref<256x128xf32, #tpu.memory_space<vmem>>, vector<1x16xf32>,
        %get3A_335 = vector.shape_cast %get3A_334 : vector<1x16xf32> to vector<16xf32>
        %add3A_336 = arith.addf %add3A_286, %get3A_335 : vector<16xf32>
        %add3A_337 = arith.addi %mul3A_124, %scan3A_312 : i32
        %get3A_338 = arith.index_cast %add3A_337 : i32 to index
        %get3A_339 = arith.constant 64 : index
        %get3A_340 = tpu.vector_load %arg6[%get3A_338, %get3A_339] {strides = array<i32>} : memref<256x128xf32, #tpu.memory_space<vmem>>, vector<1x16xf32>,
        %get3A_341 = vector.shape_cast %get3A_340 : vector<1x16xf32> to vector<16xf32>
        %add3A_342 = arith.addf %add3A_292, %get3A_341 : vector<16xf32>
        %add3A_343 = arith.addi %mul3A_124, %scan3A_312 : i32
        %get3A_344 = arith.index_cast %add3A_343 : i32 to index
        %get3A_345 = arith.constant 80 : index
        %get3A_346 = tpu.vector_load %arg6[%get3A_344, %get3A_345] {strides = array<i32>} : memref<256x128xf32, #tpu.memory_space<vmem>>, vector<1x16xf32>,
        %get3A_347 = vector.shape_cast %get3A_346 : vector<1x16xf32> to vector<16xf32>
        %add3A_348 = arith.addf %add3A_298, %get3A_347 : vector<16xf32>
        %add3A_349 = arith.addi %mul3A_124, %scan3A_312 : i32
        %get3A_350 = arith.index_cast %add3A_349 : i32 to index
        %get3A_351 = arith.constant 96 : index
        %get3A_352 = tpu.vector_load %arg6[%get3A_350, %get3A_351] {strides = array<i32>} : memref<256x128xf32, #tpu.memory_space<vmem>>, vector<1x16xf32>,
        %get3A_353 = vector.shape_cast %get3A_352 : vector<1x16xf32> to vector<16xf32>
        %add3A_354 = arith.addf %add3A_304, %get3A_353 : vector<16xf32>
        %add3A_355 = arith.addi %mul3A_124, %scan3A_312 : i32
        %get3A_356 = arith.index_cast %add3A_355 : i32 to index
        %get3A_357 = arith.constant 112 : index
        %get3A_358 = tpu.vector_load %arg6[%get3A_356, %get3A_357] {strides = array<i32>} : memref<256x128xf32, #tpu.memory_space<vmem>>, vector<1x16xf32>,
        %get3A_359 = vector.shape_cast %get3A_358 : vector<1x16xf32> to vector<16xf32>
        %add3A_360 = arith.addf %add3A_310, %get3A_359 : vector<16xf32>
        %scan3A_361 = arith.constant 28 : i32
        %scan3A_362 = arith.addi %scan3A_156, %scan3A_361 : i32
        %add3A_363 = arith.addi %mul3A_124, %scan3A_362 : i32
        %get3A_364 = arith.index_cast %add3A_363 : i32 to index
        %get3A_365 = arith.constant 0 : index
        %get3A_366 = tpu.vector_load %arg6[%get3A_364, %get3A_365] {strides = array<i32>} : memref<256x128xf32, #tpu.memory_space<vmem>>, vector<1x16xf32>,
        %get3A_367 = vector.shape_cast %get3A_366 : vector<1x16xf32> to vector<16xf32>
        %add3A_368 = arith.addf %add3A_318, %get3A_367 : vector<16xf32>
        %add3A_369 = arith.addi %mul3A_124, %scan3A_362 : i32
        %get3A_370 = arith.index_cast %add3A_369 : i32 to index
        %get3A_371 = arith.constant 16 : index
        %get3A_372 = tpu.vector_load %arg6[%get3A_370, %get3A_371] {strides = array<i32>} : memref<256x128xf32, #tpu.memory_space<vmem>>, vector<1x16xf32>,
        %get3A_373 = vector.shape_cast %get3A_372 : vector<1x16xf32> to vector<16xf32>
        %add3A_374 = arith.addf %add3A_324, %get3A_373 : vector<16xf32>
        %add3A_375 = arith.addi %mul3A_124, %scan3A_362 : i32
        %get3A_376 = arith.index_cast %add3A_375 : i32 to index
        %get3A_377 = arith.constant 32 : index
        %get3A_378 = tpu.vector_load %arg6[%get3A_376, %get3A_377] {strides = array<i32>} : memref<256x128xf32, #tpu.memory_space<vmem>>, vector<1x16xf32>,
        %get3A_379 = vector.shape_cast %get3A_378 : vector<1x16xf32> to vector<16xf32>
        %add3A_380 = arith.addf %add3A_330, %get3A_379 : vector<16xf32>
        %add3A_381 = arith.addi %mul3A_124, %scan3A_362 : i32
        %get3A_382 = arith.index_cast %add3A_381 : i32 to index
        %get3A_383 = arith.constant 48 : index
        %get3A_384 = tpu.vector_load %arg6[%get3A_382, %get3A_383] {strides = array<i32>} : memref<256x128xf32, #tpu.memory_space<vmem>>, vector<1x16xf32>,
        %get3A_385 = vector.shape_cast %get3A_384 : vector<1x16xf32> to vector<16xf32>
        %add3A_386 = arith.addf %add3A_336, %get3A_385 : vector<16xf32>
        %add3A_387 = arith.addi %mul3A_124, %scan3A_362 : i32
        %get3A_388 = arith.index_cast %add3A_387 : i32 to index
        %get3A_389 = arith.constant 64 : index
        %get3A_390 = tpu.vector_load %arg6[%get3A_388, %get3A_389] {strides = array<i32>} : memref<256x128xf32, #tpu.memory_space<vmem>>, vector<1x16xf32>,
        %get3A_391 = vector.shape_cast %get3A_390 : vector<1x16xf32> to vector<16xf32>
        %add3A_392 = arith.addf %add3A_342, %get3A_391 : vector<16xf32>
        %add3A_393 = arith.addi %mul3A_124, %scan3A_362 : i32
        %get3A_394 = arith.index_cast %add3A_393 : i32 to index
        %get3A_395 = arith.constant 80 : index
        %get3A_396 = tpu.vector_load %arg6[%get3A_394, %get3A_395] {strides = array<i32>} : memref<256x128xf32, #tpu.memory_space<vmem>>, vector<1x16xf32>,
        %get3A_397 = vector.shape_cast %get3A_396 : vector<1x16xf32> to vector<16xf32>
        %add3A_398 = arith.addf %add3A_348, %get3A_397 : vector<16xf32>
        %add3A_399 = arith.addi %mul3A_124, %scan3A_362 : i32
        %get3A_400 = arith.index_cast %add3A_399 : i32 to index
        %get3A_401 = arith.constant 96 : index
        %get3A_402 = tpu.vector_load %arg6[%get3A_400, %get3A_401] {strides = array<i32>} : memref<256x128xf32, #tpu.memory_space<vmem>>, vector<1x16xf32>,
        %get3A_403 = vector.shape_cast %get3A_402 : vector<1x16xf32> to vector<16xf32>
        %add3A_404 = arith.addf %add3A_354, %get3A_403 : vector<16xf32>
        %add3A_405 = arith.addi %mul3A_124, %scan3A_362 : i32
        %get3A_406 = arith.index_cast %add3A_405 : i32 to index
        %get3A_407 = arith.constant 112 : index
        %get3A_408 = tpu.vector_load %arg6[%get3A_406, %get3A_407] {strides = array<i32>} : memref<256x128xf32, #tpu.memory_space<vmem>>, vector<1x16xf32>,
        %get3A_409 = vector.shape_cast %get3A_408 : vector<1x16xf32> to vector<16xf32>
        %add3A_410 = arith.addf %add3A_360, %get3A_409 : vector<16xf32>
        %scan3A_411 = arith.constant 29 : i32
        %scan3A_412 = arith.addi %scan3A_156, %scan3A_411 : i32
        %add3A_413 = arith.addi %mul3A_124, %scan3A_412 : i32
        %get3A_414 = arith.index_cast %add3A_413 : i32 to index
        %get3A_415 = arith.constant 0 : index
        %get3A_416 = tpu.vector_load %arg6[%get3A_414, %get3A_415] {strides = array<i32>} : memref<256x128xf32, #tpu.memory_space<vmem>>, vector<1x16xf32>,
        %get3A_417 = vector.shape_cast %get3A_416 : vector<1x16xf32> to vector<16xf32>
        %add3A_418 = arith.addf %add3A_368, %get3A_417 : vector<16xf32>
        %add3A_419 = arith.addi %mul3A_124, %scan3A_412 : i32
        %get3A_420 = arith.index_cast %add3A_419 : i32 to index
        %get3A_421 = arith.constant 16 : index
        %get3A_422 = tpu.vector_load %arg6[%get3A_420, %get3A_421] {strides = array<i32>} : memref<256x128xf32, #tpu.memory_space<vmem>>, vector<1x16xf32>,
        %get3A_423 = vector.shape_cast %get3A_422 : vector<1x16xf32> to vector<16xf32>
        %add3A_424 = arith.addf %add3A_374, %get3A_423 : vector<16xf32>
        %add3A_425 = arith.addi %mul3A_124, %scan3A_412 : i32
        %get3A_426 = arith.index_cast %add3A_425 : i32 to index
        %get3A_427 = arith.constant 32 : index
        %get3A_428 = tpu.vector_load %arg6[%get3A_426, %get3A_427] {strides = array<i32>} : memref<256x128xf32, #tpu.memory_space<vmem>>, vector<1x16xf32>,
        %get3A_429 = vector.shape_cast %get3A_428 : vector<1x16xf32> to vector<16xf32>
        %add3A_430 = arith.addf %add3A_380, %get3A_429 : vector<16xf32>
        %add3A_431 = arith.addi %mul3A_124, %scan3A_412 : i32
        %get3A_432 = arith.index_cast %add3A_431 : i32 to index
        %get3A_433 = arith.constant 48 : index
        %get3A_434 = tpu.vector_load %arg6[%get3A_432, %get3A_433] {strides = array<i32>} : memref<256x128xf32, #tpu.memory_space<vmem>>, vector<1x16xf32>,
        %get3A_435 = vector.shape_cast %get3A_434 : vector<1x16xf32> to vector<16xf32>
        %add3A_436 = arith.addf %add3A_386, %get3A_435 : vector<16xf32>
        %add3A_437 = arith.addi %mul3A_124, %scan3A_412 : i32
        %get3A_438 = arith.index_cast %add3A_437 : i32 to index
        %get3A_439 = arith.constant 64 : index
        %get3A_440 = tpu.vector_load %arg6[%get3A_438, %get3A_439] {strides = array<i32>} : memref<256x128xf32, #tpu.memory_space<vmem>>, vector<1x16xf32>,
        %get3A_441 = vector.shape_cast %get3A_440 : vector<1x16xf32> to vector<16xf32>
        %add3A_442 = arith.addf %add3A_392, %get3A_441 : vector<16xf32>
        %add3A_443 = arith.addi %mul3A_124, %scan3A_412 : i32
        %get3A_444 = arith.index_cast %add3A_443 : i32 to index
        %get3A_445 = arith.constant 80 : index
        %get3A_446 = tpu.vector_load %arg6[%get3A_444, %get3A_445] {strides = array<i32>} : memref<256x128xf32, #tpu.memory_space<vmem>>, vector<1x16xf32>,
        %get3A_447 = vector.shape_cast %get3A_446 : vector<1x16xf32> to vector<16xf32>
        %add3A_448 = arith.addf %add3A_398, %get3A_447 : vector<16xf32>
        %add3A_449 = arith.addi %mul3A_124, %scan3A_412 : i32
        %get3A_450 = arith.index_cast %add3A_449 : i32 to index
        %get3A_451 = arith.constant 96 : index
        %get3A_452 = tpu.vector_load %arg6[%get3A_450, %get3A_451] {strides = array<i32>} : memref<256x128xf32, #tpu.memory_space<vmem>>, vector<1x16xf32>,
        %get3A_453 = vector.shape_cast %get3A_452 : vector<1x16xf32> to vector<16xf32>
        %add3A_454 = arith.addf %add3A_404, %get3A_453 : vector<16xf32>
        %add3A_455 = arith.addi %mul3A_124, %scan3A_412 : i32
        %get3A_456 = arith.index_cast %add3A_455 : i32 to index
        %get3A_457 = arith.constant 112 : index
        %get3A_458 = tpu.vector_load %arg6[%get3A_456, %get3A_457] {strides = array<i32>} : memref<256x128xf32, #tpu.memory_space<vmem>>, vector<1x16xf32>,
        %get3A_459 = vector.shape_cast %get3A_458 : vector<1x16xf32> to vector<16xf32>
        %add3A_460 = arith.addf %add3A_410, %get3A_459 : vector<16xf32>
        %scan3A_461 = arith.constant 30 : i32
        %scan3A_462 = arith.addi %scan3A_156, %scan3A_461 : i32
        %add3A_463 = arith.addi %mul3A_124, %scan3A_462 : i32
        %get3A_464 = arith.index_cast %add3A_463 : i32 to index
        %get3A_465 = arith.constant 0 : index
        %get3A_466 = tpu.vector_load %arg6[%get3A_464, %get3A_465] {strides = array<i32>} : memref<256x128xf32, #tpu.memory_space<vmem>>, vector<1x16xf32>,
        %get3A_467 = vector.shape_cast %get3A_466 : vector<1x16xf32> to vector<16xf32>
        %add3A_468 = arith.addf %add3A_418, %get3A_467 : vector<16xf32>
        %add3A_469 = arith.addi %mul3A_124, %scan3A_462 : i32
        %get3A_470 = arith.index_cast %add3A_469 : i32 to index
        %get3A_471 = arith.constant 16 : index
        %get3A_472 = tpu.vector_load %arg6[%get3A_470, %get3A_471] {strides = array<i32>} : memref<256x128xf32, #tpu.memory_space<vmem>>, vector<1x16xf32>,
        %get3A_473 = vector.shape_cast %get3A_472 : vector<1x16xf32> to vector<16xf32>
        %add3A_474 = arith.addf %add3A_424, %get3A_473 : vector<16xf32>
        %add3A_475 = arith.addi %mul3A_124, %scan3A_462 : i32
        %get3A_476 = arith.index_cast %add3A_475 : i32 to index
        %get3A_477 = arith.constant 32 : index
        %get3A_478 = tpu.vector_load %arg6[%get3A_476, %get3A_477] {strides = array<i32>} : memref<256x128xf32, #tpu.memory_space<vmem>>, vector<1x16xf32>,
        %get3A_479 = vector.shape_cast %get3A_478 : vector<1x16xf32> to vector<16xf32>
        %add3A_480 = arith.addf %add3A_430, %get3A_479 : vector<16xf32>
        %add3A_481 = arith.addi %mul3A_124, %scan3A_462 : i32
        %get3A_482 = arith.index_cast %add3A_481 : i32 to index
        %get3A_483 = arith.constant 48 : index
        %get3A_484 = tpu.vector_load %arg6[%get3A_482, %get3A_483] {strides = array<i32>} : memref<256x128xf32, #tpu.memory_space<vmem>>, vector<1x16xf32>,
        %get3A_485 = vector.shape_cast %get3A_484 : vector<1x16xf32> to vector<16xf32>
        %add3A_486 = arith.addf %add3A_436, %get3A_485 : vector<16xf32>
        %add3A_487 = arith.addi %mul3A_124, %scan3A_462 : i32
        %get3A_488 = arith.index_cast %add3A_487 : i32 to index
        %get3A_489 = arith.constant 64 : index
        %get3A_490 = tpu.vector_load %arg6[%get3A_488, %get3A_489] {strides = array<i32>} : memref<256x128xf32, #tpu.memory_space<vmem>>, vector<1x16xf32>,
        %get3A_491 = vector.shape_cast %get3A_490 : vector<1x16xf32> to vector<16xf32>
        %add3A_492 = arith.addf %add3A_442, %get3A_491 : vector<16xf32>
        %add3A_493 = arith.addi %mul3A_124, %scan3A_462 : i32
        %get3A_494 = arith.index_cast %add3A_493 : i32 to index
        %get3A_495 = arith.constant 80 : index
        %get3A_496 = tpu.vector_load %arg6[%get3A_494, %get3A_495] {strides = array<i32>} : memref<256x128xf32, #tpu.memory_space<vmem>>, vector<1x16xf32>,
        %get3A_497 = vector.shape_cast %get3A_496 : vector<1x16xf32> to vector<16xf32>
        %add3A_498 = arith.addf %add3A_448, %get3A_497 : vector<16xf32>
        %add3A_499 = arith.addi %mul3A_124, %scan3A_462 : i32
        %get3A_500 = arith.index_cast %add3A_499 : i32 to index
        %get3A_501 = arith.constant 96 : index
        %get3A_502 = tpu.vector_load %arg6[%get3A_500, %get3A_501] {strides = array<i32>} : memref<256x128xf32, #tpu.memory_space<vmem>>, vector<1x16xf32>,
        %get3A_503 = vector.shape_cast %get3A_502 : vector<1x16xf32> to vector<16xf32>
        %add3A_504 = arith.addf %add3A_454, %get3A_503 : vector<16xf32>
        %add3A_505 = arith.addi %mul3A_124, %scan3A_462 : i32
        %get3A_506 = arith.index_cast %add3A_505 : i32 to index
        %get3A_507 = arith.constant 112 : index
        %get3A_508 = tpu.vector_load %arg6[%get3A_506, %get3A_507] {strides = array<i32>} : memref<256x128xf32, #tpu.memory_space<vmem>>, vector<1x16xf32>,
        %get3A_509 = vector.shape_cast %get3A_508 : vector<1x16xf32> to vector<16xf32>
        %add3A_510 = arith.addf %add3A_460, %get3A_509 : vector<16xf32>
        %scan3A_511 = arith.constant 31 : i32
        %swap3A = arith.index_cast %scan3A_121 : i32 to index
        %swap3A_512 = arith.constant 0 : index
        %swap3A_513 = tpu.vector_load %arg8[%swap3A, %swap3A_512] {strides = array<i32>} : memref<8x128xf32, #tpu.memory_space<vmem>>, vector<1x16xf32>,
        %swap3A_514 = vector.shape_cast %swap3A_513 : vector<1x16xf32> to vector<16xf32>
        %swap3A_515 = vector.shape_cast %add3A_468 : vector<16xf32> to vector<1x16xf32>
        tpu.vector_store %arg8[%swap3A, %swap3A_512], %swap3A_515 {strides = array<i32>} : memref<8x128xf32, #tpu.memory_space<vmem>>, vector<1x16xf32>,
        %swap3A_516 = arith.index_cast %scan3A_121 : i32 to index
        %swap3A_517 = arith.constant 16 : index
        %swap3A_518 = tpu.vector_load %arg8[%swap3A_516, %swap3A_517] {strides = array<i32>} : memref<8x128xf32, #tpu.memory_space<vmem>>, vector<1x16xf32>,
        %swap3A_519 = vector.shape_cast %swap3A_518 : vector<1x16xf32> to vector<16xf32>
        %swap3A_520 = vector.shape_cast %add3A_474 : vector<16xf32> to vector<1x16xf32>
        tpu.vector_store %arg8[%swap3A_516, %swap3A_517], %swap3A_520 {strides = array<i32>} : memref<8x128xf32, #tpu.memory_space<vmem>>, vector<1x16xf32>,
        %swap3A_521 = arith.index_cast %scan3A_121 : i32 to index
        %swap3A_522 = arith.constant 32 : index
        %swap3A_523 = tpu.vector_load %arg8[%swap3A_521, %swap3A_522] {strides = array<i32>} : memref<8x128xf32, #tpu.memory_space<vmem>>, vector<1x16xf32>,
        %swap3A_524 = vector.shape_cast %swap3A_523 : vector<1x16xf32> to vector<16xf32>
        %swap3A_525 = vector.shape_cast %add3A_480 : vector<16xf32> to vector<1x16xf32>
        tpu.vector_store %arg8[%swap3A_521, %swap3A_522], %swap3A_525 {strides = array<i32>} : memref<8x128xf32, #tpu.memory_space<vmem>>, vector<1x16xf32>,
        %swap3A_526 = arith.index_cast %scan3A_121 : i32 to index
        %swap3A_527 = arith.constant 48 : index
        %swap3A_528 = tpu.vector_load %arg8[%swap3A_526, %swap3A_527] {strides = array<i32>} : memref<8x128xf32, #tpu.memory_space<vmem>>, vector<1x16xf32>,
        %swap3A_529 = vector.shape_cast %swap3A_528 : vector<1x16xf32> to vector<16xf32>
        %swap3A_530 = vector.shape_cast %add3A_486 : vector<16xf32> to vector<1x16xf32>
        tpu.vector_store %arg8[%swap3A_526, %swap3A_527], %swap3A_530 {strides = array<i32>} : memref<8x128xf32, #tpu.memory_space<vmem>>, vector<1x16xf32>,
        %swap3A_531 = arith.index_cast %scan3A_121 : i32 to index
        %swap3A_532 = arith.constant 64 : index
        %swap3A_533 = tpu.vector_load %arg8[%swap3A_531, %swap3A_532] {strides = array<i32>} : memref<8x128xf32, #tpu.memory_space<vmem>>, vector<1x16xf32>,
        %swap3A_534 = vector.shape_cast %swap3A_533 : vector<1x16xf32> to vector<16xf32>
        %swap3A_535 = vector.shape_cast %add3A_492 : vector<16xf32> to vector<1x16xf32>
        tpu.vector_store %arg8[%swap3A_531, %swap3A_532], %swap3A_535 {strides = array<i32>} : memref<8x128xf32, #tpu.memory_space<vmem>>, vector<1x16xf32>,
        %swap3A_536 = arith.index_cast %scan3A_121 : i32 to index
        %swap3A_537 = arith.constant 80 : index
        %swap3A_538 = tpu.vector_load %arg8[%swap3A_536, %swap3A_537] {strides = array<i32>} : memref<8x128xf32, #tpu.memory_space<vmem>>, vector<1x16xf32>,
        %swap3A_539 = vector.shape_cast %swap3A_538 : vector<1x16xf32> to vector<16xf32>
        %swap3A_540 = vector.shape_cast %add3A_498 : vector<16xf32> to vector<1x16xf32>
        tpu.vector_store %arg8[%swap3A_536, %swap3A_537], %swap3A_540 {strides = array<i32>} : memref<8x128xf32, #tpu.memory_space<vmem>>, vector<1x16xf32>,
        %swap3A_541 = arith.index_cast %scan3A_121 : i32 to index
        %swap3A_542 = arith.constant 96 : index
        %swap3A_543 = tpu.vector_load %arg8[%swap3A_541, %swap3A_542] {strides = array<i32>} : memref<8x128xf32, #tpu.memory_space<vmem>>, vector<1x16xf32>,
        %swap3A_544 = vector.shape_cast %swap3A_543 : vector<1x16xf32> to vector<16xf32>
        %swap3A_545 = vector.shape_cast %add3A_504 : vector<16xf32> to vector<1x16xf32>
        tpu.vector_store %arg8[%swap3A_541, %swap3A_542], %swap3A_545 {strides = array<i32>} : memref<8x128xf32, #tpu.memory_space<vmem>>, vector<1x16xf32>,
        %swap3A_546 = arith.index_cast %scan3A_121 : i32 to index
        %swap3A_547 = arith.constant 112 : index
        %swap3A_548 = tpu.vector_load %arg8[%swap3A_546, %swap3A_547] {strides = array<i32>} : memref<8x128xf32, #tpu.memory_space<vmem>>, vector<1x16xf32>,
        %swap3A_549 = vector.shape_cast %swap3A_548 : vector<1x16xf32> to vector<16xf32>
        %swap3A_550 = vector.shape_cast %add3A_510 : vector<16xf32> to vector<1x16xf32>
        tpu.vector_store %arg8[%swap3A_546, %swap3A_547], %swap3A_550 {strides = array<i32>} : memref<8x128xf32, #tpu.memory_space<vmem>>, vector<1x16xf32>,
        %scan3A_551 = arith.constant 0 : i32
        scf.yield %scan3A_551 : i32
      }
      %scan3A_58 = arith.constant 8 : i32
      %mul3A_59 = arith.constant 32 : i32
      %mul3A_60 = arith.muli %add3A_32, %mul3A_59 : i32
      %add3A_61 = arith.addi %add3A, %mul3A_60 : i32
      %min3A_62 = arith.constant 399 : i32
      %min3A_63 = arith.minsi %add3A_61, %min3A_62 : i32
      %lt3A_64 = arith.constant 200 : i32
      %lt3A_65 = arith.cmpi slt, %min3A_63, %lt3A_64 : i32
      %convert_element_type3A_66 = arith.extui %lt3A_65 : i1 to i32
      %cond3A_67 = arith.constant 0 : i32
      %cond3A_68 = arith.cmpi ne, %convert_element_type3A_66, %cond3A_67 : i32
      scf.if %cond3A_68 {
        %mul3A_121 = arith.constant 8 : i32
        %mul3A_122 = arith.muli %min3A_63, %mul3A_121 : i32
        %dma_start3A = arith.constant 0 : i32
        %dma_start3A_123 = tpu.memref_slice %arg4[%mul3A_122, %dma_start3A] : memref<1600x128xf32, #tpu.memory_space<hbm>> -> memref<8x128xf32, #tpu.memory_space<hbm>>
        %dma_start3A_124 = arith.constant 0 : i32
        %dma_start3A_125 = tpu.memref_slice %arg4[%mul3A_122, %dma_start3A_124] : memref<1600x128xf32, #tpu.memory_space<hbm>> -> memref<8x128xf32, #tpu.memory_space<hbm>>
        tpu.enqueue_dma source(%arg8 : memref<8x128xf32, #tpu.memory_space<vmem>>) target(%dma_start3A_125 : memref<8x128xf32, #tpu.memory_space<hbm>>) target_semaphore(%arg12 : memref<!tpu.dma_semaphore, #tpu.memory_space<semaphore_mem>>)
      } else {
      }
      %ge3A_69 = arith.constant 200 : i32
      %ge3A_70 = arith.cmpi sge, %min3A_63, %ge3A_69 : i32
      %convert_element_type3A_71 = arith.extui %ge3A_70 : i1 to i32
      %cond3A_72 = arith.constant 0 : i32
      %cond3A_73 = arith.cmpi ne, %convert_element_type3A_71, %cond3A_72 : i32
      scf.if %cond3A_73 {
        %sub3A_121 = arith.constant 200 : i32
        %sub3A_122 = arith.subi %min3A_63, %sub3A_121 : i32
        %mul3A_123 = arith.constant 8 : i32
        %mul3A_124 = arith.muli %sub3A_122, %mul3A_123 : i32
        %dma_start3A = arith.constant 0 : i32
        %dma_start3A_125 = tpu.memref_slice %arg5[%mul3A_124, %dma_start3A] : memref<1600x128xf32, #tpu.memory_space<hbm>> -> memref<8x128xf32, #tpu.memory_space<hbm>>
        %dma_start3A_126 = arith.constant 0 : i32
        %dma_start3A_127 = tpu.memref_slice %arg5[%mul3A_124, %dma_start3A_126] : memref<1600x128xf32, #tpu.memory_space<hbm>> -> memref<8x128xf32, #tpu.memory_space<hbm>>
        tpu.enqueue_dma source(%arg8 : memref<8x128xf32, #tpu.memory_space<vmem>>) target(%dma_start3A_127 : memref<8x128xf32, #tpu.memory_space<hbm>>) target_semaphore(%arg12 : memref<!tpu.dma_semaphore, #tpu.memory_space<semaphore_mem>>)
      } else {
      }
      %mul3A_74 = arith.constant 2 : i32
      %mul3A_75 = arith.muli %scan3A_27, %mul3A_74 : i32
      %add3A_76 = arith.constant 1 : i32
      %add3A_77 = arith.addi %mul3A_75, %add3A_76 : i32
      %add3A_78 = arith.constant 2 : i32
      %add3A_79 = arith.addi %add3A_77, %add3A_78 : i32
      %sub3A_80 = arith.constant 1 : i32
      %sub3A_81 = arith.subi %add3A_79, %sub3A_80 : i32
      %lt3A_82 = arith.constant 14 : i32
      %lt3A_83 = arith.cmpi slt, %sub3A_81, %lt3A_82 : i32
      %convert_element_type3A_84 = arith.extui %lt3A_83 : i1 to i32
      %cond3A_85 = arith.constant 0 : i32
      %cond3A_86 = arith.cmpi ne, %convert_element_type3A_84, %cond3A_85 : i32
      scf.if %cond3A_86 {
        %add3A_121 = arith.constant 2 : i32
        %add3A_122 = arith.addi %add3A_77, %add3A_121 : i32
        %sub3A_123 = arith.constant 1 : i32
        %sub3A_124 = arith.subi %add3A_122, %sub3A_123 : i32
        %mul3A_125 = arith.constant 32 : i32
        %mul3A_126 = arith.muli %sub3A_124, %mul3A_125 : i32
        %add3A_127 = arith.addi %add3A, %mul3A_126 : i32
        %min3A_128 = arith.constant 399 : i32
        %min3A_129 = arith.minsi %add3A_127, %min3A_128 : i32
        %lt3A_130 = arith.constant 200 : i32
        %lt3A_131 = arith.cmpi slt, %min3A_129, %lt3A_130 : i32
        %convert_element_type3A_132 = arith.extui %lt3A_131 : i1 to i32
        %cond3A_133 = arith.constant 0 : i32
        %cond3A_134 = arith.cmpi ne, %convert_element_type3A_132, %cond3A_133 : i32
        scf.if %cond3A_134 {
          %mul3A_140 = arith.constant 256 : i32
          %mul3A_141 = arith.muli %min3A_129, %mul3A_140 : i32
          %dma_start3A = arith.constant 0 : i32
          %dma_start3A_142 = tpu.memref_slice %arg2[%mul3A_141, %dma_start3A] : memref<320000x128xf32, #tpu.memory_space<hbm>> -> memref<256x128xf32, #tpu.memory_space<hbm>>
          %dma_start3A_143 = arith.constant 0 : i32
          %dma_start3A_144 = tpu.memref_slice %arg2[%mul3A_141, %dma_start3A_143] : memref<320000x128xf32, #tpu.memory_space<hbm>> -> memref<256x128xf32, #tpu.memory_space<hbm>>
          tpu.enqueue_dma source(%dma_start3A_144 : memref<256x128xf32, #tpu.memory_space<hbm>>) target(%arg6 : memref<256x128xf32, #tpu.memory_space<vmem>>) target_semaphore(%arg10 : memref<!tpu.dma_semaphore, #tpu.memory_space<semaphore_mem>>)
        } else {
        }
        %ge3A_135 = arith.constant 200 : i32
        %ge3A_136 = arith.cmpi sge, %min3A_129, %ge3A_135 : i32
        %convert_element_type3A_137 = arith.extui %ge3A_136 : i1 to i32
        %cond3A_138 = arith.constant 0 : i32
        %cond3A_139 = arith.cmpi ne, %convert_element_type3A_137, %cond3A_138 : i32
        scf.if %cond3A_139 {
          %sub3A_140 = arith.constant 200 : i32
          %sub3A_141 = arith.subi %min3A_129, %sub3A_140 : i32
          %mul3A_142 = arith.constant 256 : i32
          %mul3A_143 = arith.muli %sub3A_141, %mul3A_142 : i32
          %dma_start3A = arith.constant 0 : i32
          %dma_start3A_144 = tpu.memref_slice %arg3[%mul3A_143, %dma_start3A] : memref<320000x128xf32, #tpu.memory_space<hbm>> -> memref<256x128xf32, #tpu.memory_space<hbm>>
          %dma_start3A_145 = arith.constant 0 : i32
          %dma_start3A_146 = tpu.memref_slice %arg3[%mul3A_143, %dma_start3A_145] : memref<320000x128xf32, #tpu.memory_space<hbm>> -> memref<256x128xf32, #tpu.memory_space<hbm>>
          tpu.enqueue_dma source(%dma_start3A_146 : memref<256x128xf32, #tpu.memory_space<hbm>>) target(%arg6 : memref<256x128xf32, #tpu.memory_space<vmem>>) target_semaphore(%arg10 : memref<!tpu.dma_semaphore, #tpu.memory_space<semaphore_mem>>)
        } else {
        }
      } else {
      }
      %dma_wait3A_87 = arith.constant 0 : i32
      %dma_wait3A_88 = arith.constant 0 : i32
      %dma_wait3A_89 = tpu.memref_slice %arg2[%dma_wait3A_87, %dma_wait3A_88] : memref<320000x128xf32, #tpu.memory_space<hbm>> -> memref<256x128xf32, #tpu.memory_space<hbm>>
      %dma_wait3A_90 = arith.constant 0 : i32
      %dma_wait3A_91 = arith.constant 0 : i32
      %dma_wait3A_92 = tpu.memref_slice %arg2[%dma_wait3A_90, %dma_wait3A_91] : memref<320000x128xf32, #tpu.memory_space<hbm>> -> memref<256x128xf32, #tpu.memory_space<hbm>>
      tpu.wait_dma2 semaphore(%arg11 : memref<!tpu.dma_semaphore, #tpu.memory_space<semaphore_mem>>) src(%dma_wait3A_92 : memref<256x128xf32, #tpu.memory_space<hbm>>) dst(%arg7 : memref<256x128xf32, #tpu.memory_space<vmem>>)
      %ge3A_93 = arith.constant 1 : i32
      %ge3A_94 = arith.cmpi sge, %scan3A_27, %ge3A_93 : i32
      %convert_element_type3A_95 = arith.extui %ge3A_94 : i1 to i32
      %cond3A_96 = arith.constant 0 : i32
      %cond3A_97 = arith.cmpi ne, %convert_element_type3A_95, %cond3A_96 : i32
      scf.if %cond3A_97 {
        %dma_wait3A_121 = arith.constant 0 : i32
        %dma_wait3A_122 = arith.constant 0 : i32
        %dma_wait3A_123 = tpu.memref_slice %arg4[%dma_wait3A_121, %dma_wait3A_122] : memref<1600x128xf32, #tpu.memory_space<hbm>> -> memref<8x128xf32, #tpu.memory_space<hbm>>
        %dma_wait3A_124 = arith.constant 0 : i32
        %dma_wait3A_125 = arith.constant 0 : i32
        %dma_wait3A_126 = tpu.memref_slice %arg4[%dma_wait3A_124, %dma_wait3A_125] : memref<1600x128xf32, #tpu.memory_space<hbm>> -> memref<8x128xf32, #tpu.memory_space<hbm>>
        tpu.wait_dma2 semaphore(%arg13 : memref<!tpu.dma_semaphore, #tpu.memory_space<semaphore_mem>>) src(%arg9 : memref<8x128xf32, #tpu.memory_space<vmem>>) dst(%dma_wait3A_126 : memref<8x128xf32, #tpu.memory_space<hbm>>)
      } else {
      }
      %scan3A_98 = arith.constant 0 : i32
      %scan3A_99 = arith.constant 0 : i32
      %scan3A_100 = arith.constant 8 : i32
      %scan3A_101 = arith.addi %scan3A_99, %scan3A_100 : i32
      %scan3A_102 = arith.constant 1 : i32
      %scan3A_103 = scf.for %scan3A_121 = %scan3A_99 to %scan3A_101 step %scan3A_102 iter_args(%scan3A_122 = %scan3A_98) -> (i32)  : i32 {
        %mul3A_123 = arith.constant 32 : i32
        %mul3A_124 = arith.muli %scan3A_121, %mul3A_123 : i32
        %get3A = arith.index_cast %mul3A_124 : i32 to index
        %get3A_125 = arith.constant 0 : index
        %get3A_126 = tpu.vector_load %arg7[%get3A, %get3A_125] {strides = array<i32>} : memref<256x128xf32, #tpu.memory_space<vmem>>, vector<1x16xf32>,
        %get3A_127 = vector.shape_cast %get3A_126 : vector<1x16xf32> to vector<16xf32>
        %get3A_128 = arith.index_cast %mul3A_124 : i32 to index
        %get3A_129 = arith.constant 16 : index
        %get3A_130 = tpu.vector_load %arg7[%get3A_128, %get3A_129] {strides = array<i32>} : memref<256x128xf32, #tpu.memory_space<vmem>>, vector<1x16xf32>,
        %get3A_131 = vector.shape_cast %get3A_130 : vector<1x16xf32> to vector<16xf32>
        %get3A_132 = arith.index_cast %mul3A_124 : i32 to index
        %get3A_133 = arith.constant 32 : index
        %get3A_134 = tpu.vector_load %arg7[%get3A_132, %get3A_133] {strides = array<i32>} : memref<256x128xf32, #tpu.memory_space<vmem>>, vector<1x16xf32>,
        %get3A_135 = vector.shape_cast %get3A_134 : vector<1x16xf32> to vector<16xf32>
        %get3A_136 = arith.index_cast %mul3A_124 : i32 to index
        %get3A_137 = arith.constant 48 : index
        %get3A_138 = tpu.vector_load %arg7[%get3A_136, %get3A_137] {strides = array<i32>} : memref<256x128xf32, #tpu.memory_space<vmem>>, vector<1x16xf32>,
        %get3A_139 = vector.shape_cast %get3A_138 : vector<1x16xf32> to vector<16xf32>
        %get3A_140 = arith.index_cast %mul3A_124 : i32 to index
        %get3A_141 = arith.constant 64 : index
        %get3A_142 = tpu.vector_load %arg7[%get3A_140, %get3A_141] {strides = array<i32>} : memref<256x128xf32, #tpu.memory_space<vmem>>, vector<1x16xf32>,
        %get3A_143 = vector.shape_cast %get3A_142 : vector<1x16xf32> to vector<16xf32>
        %get3A_144 = arith.index_cast %mul3A_124 : i32 to index
        %get3A_145 = arith.constant 80 : index
        %get3A_146 = tpu.vector_load %arg7[%get3A_144, %get3A_145] {strides = array<i32>} : memref<256x128xf32, #tpu.memory_space<vmem>>, vector<1x16xf32>,
        %get3A_147 = vector.shape_cast %get3A_146 : vector<1x16xf32> to vector<16xf32>
        %get3A_148 = arith.index_cast %mul3A_124 : i32 to index
        %get3A_149 = arith.constant 96 : index
        %get3A_150 = tpu.vector_load %arg7[%get3A_148, %get3A_149] {strides = array<i32>} : memref<256x128xf32, #tpu.memory_space<vmem>>, vector<1x16xf32>,
        %get3A_151 = vector.shape_cast %get3A_150 : vector<1x16xf32> to vector<16xf32>
        %get3A_152 = arith.index_cast %mul3A_124 : i32 to index
        %get3A_153 = arith.constant 112 : index
        %get3A_154 = tpu.vector_load %arg7[%get3A_152, %get3A_153] {strides = array<i32>} : memref<256x128xf32, #tpu.memory_space<vmem>>, vector<1x16xf32>,
        %get3A_155 = vector.shape_cast %get3A_154 : vector<1x16xf32> to vector<16xf32>
        %scan3A_156 = arith.constant 1 : i32
        %scan3A_157 = arith.constant 24 : i32
        %scan3A_158 = arith.addi %scan3A_156, %scan3A_157 : i32
        %scan3A_159 = arith.constant 8 : i32
        %scan3A_160:8 = scf.for %scan3A_552 = %scan3A_156 to %scan3A_158 step %scan3A_159 iter_args(%scan3A_553 = %get3A_127, %scan3A_554 = %get3A_131, %scan3A_555 = %get3A_135, %scan3A_556 = %get3A_139, %scan3A_557 = %get3A_143, %scan3A_558 = %get3A_147, %scan3A_559 = %get3A_151, %scan3A_560 = %get3A_155) -> (vector<16xf32>, vector<16xf32>, vector<16xf32>, vector<16xf32>, vector<16xf32>, vector<16xf32>, vector<16xf32>, vector<16xf32>)  : i32 {
          %add3A_561 = arith.addi %mul3A_124, %scan3A_552 : i32
          %get3A_562 = arith.index_cast %add3A_561 : i32 to index
          %get3A_563 = arith.constant 0 : index
          %get3A_564 = tpu.vector_load %arg7[%get3A_562, %get3A_563] {strides = array<i32>} : memref<256x128xf32, #tpu.memory_space<vmem>>, vector<1x16xf32>,
          %get3A_565 = vector.shape_cast %get3A_564 : vector<1x16xf32> to vector<16xf32>
          %add3A_566 = arith.addf %scan3A_553, %get3A_565 : vector<16xf32>
          %add3A_567 = arith.addi %mul3A_124, %scan3A_552 : i32
          %get3A_568 = arith.index_cast %add3A_567 : i32 to index
          %get3A_569 = arith.constant 16 : index
          %get3A_570 = tpu.vector_load %arg7[%get3A_568, %get3A_569] {strides = array<i32>} : memref<256x128xf32, #tpu.memory_space<vmem>>, vector<1x16xf32>,
          %get3A_571 = vector.shape_cast %get3A_570 : vector<1x16xf32> to vector<16xf32>
          %add3A_572 = arith.addf %scan3A_554, %get3A_571 : vector<16xf32>
          %add3A_573 = arith.addi %mul3A_124, %scan3A_552 : i32
          %get3A_574 = arith.index_cast %add3A_573 : i32 to index
          %get3A_575 = arith.constant 32 : index
          %get3A_576 = tpu.vector_load %arg7[%get3A_574, %get3A_575] {strides = array<i32>} : memref<256x128xf32, #tpu.memory_space<vmem>>, vector<1x16xf32>,
          %get3A_577 = vector.shape_cast %get3A_576 : vector<1x16xf32> to vector<16xf32>
          %add3A_578 = arith.addf %scan3A_555, %get3A_577 : vector<16xf32>
          %add3A_579 = arith.addi %mul3A_124, %scan3A_552 : i32
          %get3A_580 = arith.index_cast %add3A_579 : i32 to index
          %get3A_581 = arith.constant 48 : index
          %get3A_582 = tpu.vector_load %arg7[%get3A_580, %get3A_581] {strides = array<i32>} : memref<256x128xf32, #tpu.memory_space<vmem>>, vector<1x16xf32>,
          %get3A_583 = vector.shape_cast %get3A_582 : vector<1x16xf32> to vector<16xf32>
          %add3A_584 = arith.addf %scan3A_556, %get3A_583 : vector<16xf32>
          %add3A_585 = arith.addi %mul3A_124, %scan3A_552 : i32
          %get3A_586 = arith.index_cast %add3A_585 : i32 to index
          %get3A_587 = arith.constant 64 : index
          %get3A_588 = tpu.vector_load %arg7[%get3A_586, %get3A_587] {strides = array<i32>} : memref<256x128xf32, #tpu.memory_space<vmem>>, vector<1x16xf32>,
          %get3A_589 = vector.shape_cast %get3A_588 : vector<1x16xf32> to vector<16xf32>
          %add3A_590 = arith.addf %scan3A_557, %get3A_589 : vector<16xf32>
          %add3A_591 = arith.addi %mul3A_124, %scan3A_552 : i32
          %get3A_592 = arith.index_cast %add3A_591 : i32 to index
          %get3A_593 = arith.constant 80 : index
          %get3A_594 = tpu.vector_load %arg7[%get3A_592, %get3A_593] {strides = array<i32>} : memref<256x128xf32, #tpu.memory_space<vmem>>, vector<1x16xf32>,
          %get3A_595 = vector.shape_cast %get3A_594 : vector<1x16xf32> to vector<16xf32>
          %add3A_596 = arith.addf %scan3A_558, %get3A_595 : vector<16xf32>
          %add3A_597 = arith.addi %mul3A_124, %scan3A_552 : i32
          %get3A_598 = arith.index_cast %add3A_597 : i32 to index
          %get3A_599 = arith.constant 96 : index
          %get3A_600 = tpu.vector_load %arg7[%get3A_598, %get3A_599] {strides = array<i32>} : memref<256x128xf32, #tpu.memory_space<vmem>>, vector<1x16xf32>,
          %get3A_601 = vector.shape_cast %get3A_600 : vector<1x16xf32> to vector<16xf32>
          %add3A_602 = arith.addf %scan3A_559, %get3A_601 : vector<16xf32>
          %add3A_603 = arith.addi %mul3A_124, %scan3A_552 : i32
          %get3A_604 = arith.index_cast %add3A_603 : i32 to index
          %get3A_605 = arith.constant 112 : index
          %get3A_606 = tpu.vector_load %arg7[%get3A_604, %get3A_605] {strides = array<i32>} : memref<256x128xf32, #tpu.memory_space<vmem>>, vector<1x16xf32>,
          %get3A_607 = vector.shape_cast %get3A_606 : vector<1x16xf32> to vector<16xf32>
          %add3A_608 = arith.addf %scan3A_560, %get3A_607 : vector<16xf32>
          %scan3A_609 = arith.constant 1 : i32
          %scan3A_610 = arith.addi %scan3A_552, %scan3A_609 : i32
          %add3A_611 = arith.addi %mul3A_124, %scan3A_610 : i32
          %get3A_612 = arith.index_cast %add3A_611 : i32 to index
          %get3A_613 = arith.constant 0 : index
          %get3A_614 = tpu.vector_load %arg7[%get3A_612, %get3A_613] {strides = array<i32>} : memref<256x128xf32, #tpu.memory_space<vmem>>, vector<1x16xf32>,
          %get3A_615 = vector.shape_cast %get3A_614 : vector<1x16xf32> to vector<16xf32>
          %add3A_616 = arith.addf %add3A_566, %get3A_615 : vector<16xf32>
          %add3A_617 = arith.addi %mul3A_124, %scan3A_610 : i32
          %get3A_618 = arith.index_cast %add3A_617 : i32 to index
          %get3A_619 = arith.constant 16 : index
          %get3A_620 = tpu.vector_load %arg7[%get3A_618, %get3A_619] {strides = array<i32>} : memref<256x128xf32, #tpu.memory_space<vmem>>, vector<1x16xf32>,
          %get3A_621 = vector.shape_cast %get3A_620 : vector<1x16xf32> to vector<16xf32>
          %add3A_622 = arith.addf %add3A_572, %get3A_621 : vector<16xf32>
          %add3A_623 = arith.addi %mul3A_124, %scan3A_610 : i32
          %get3A_624 = arith.index_cast %add3A_623 : i32 to index
          %get3A_625 = arith.constant 32 : index
          %get3A_626 = tpu.vector_load %arg7[%get3A_624, %get3A_625] {strides = array<i32>} : memref<256x128xf32, #tpu.memory_space<vmem>>, vector<1x16xf32>,
          %get3A_627 = vector.shape_cast %get3A_626 : vector<1x16xf32> to vector<16xf32>
          %add3A_628 = arith.addf %add3A_578, %get3A_627 : vector<16xf32>
          %add3A_629 = arith.addi %mul3A_124, %scan3A_610 : i32
          %get3A_630 = arith.index_cast %add3A_629 : i32 to index
          %get3A_631 = arith.constant 48 : index
          %get3A_632 = tpu.vector_load %arg7[%get3A_630, %get3A_631] {strides = array<i32>} : memref<256x128xf32, #tpu.memory_space<vmem>>, vector<1x16xf32>,
          %get3A_633 = vector.shape_cast %get3A_632 : vector<1x16xf32> to vector<16xf32>
          %add3A_634 = arith.addf %add3A_584, %get3A_633 : vector<16xf32>
          %add3A_635 = arith.addi %mul3A_124, %scan3A_610 : i32
          %get3A_636 = arith.index_cast %add3A_635 : i32 to index
          %get3A_637 = arith.constant 64 : index
          %get3A_638 = tpu.vector_load %arg7[%get3A_636, %get3A_637] {strides = array<i32>} : memref<256x128xf32, #tpu.memory_space<vmem>>, vector<1x16xf32>,
          %get3A_639 = vector.shape_cast %get3A_638 : vector<1x16xf32> to vector<16xf32>
          %add3A_640 = arith.addf %add3A_590, %get3A_639 : vector<16xf32>
          %add3A_641 = arith.addi %mul3A_124, %scan3A_610 : i32
          %get3A_642 = arith.index_cast %add3A_641 : i32 to index
          %get3A_643 = arith.constant 80 : index
          %get3A_644 = tpu.vector_load %arg7[%get3A_642, %get3A_643] {strides = array<i32>} : memref<256x128xf32, #tpu.memory_space<vmem>>, vector<1x16xf32>,
          %get3A_645 = vector.shape_cast %get3A_644 : vector<1x16xf32> to vector<16xf32>
          %add3A_646 = arith.addf %add3A_596, %get3A_645 : vector<16xf32>
          %add3A_647 = arith.addi %mul3A_124, %scan3A_610 : i32
          %get3A_648 = arith.index_cast %add3A_647 : i32 to index
          %get3A_649 = arith.constant 96 : index
          %get3A_650 = tpu.vector_load %arg7[%get3A_648, %get3A_649] {strides = array<i32>} : memref<256x128xf32, #tpu.memory_space<vmem>>, vector<1x16xf32>,
          %get3A_651 = vector.shape_cast %get3A_650 : vector<1x16xf32> to vector<16xf32>
          %add3A_652 = arith.addf %add3A_602, %get3A_651 : vector<16xf32>
          %add3A_653 = arith.addi %mul3A_124, %scan3A_610 : i32
          %get3A_654 = arith.index_cast %add3A_653 : i32 to index
          %get3A_655 = arith.constant 112 : index
          %get3A_656 = tpu.vector_load %arg7[%get3A_654, %get3A_655] {strides = array<i32>} : memref<256x128xf32, #tpu.memory_space<vmem>>, vector<1x16xf32>,
          %get3A_657 = vector.shape_cast %get3A_656 : vector<1x16xf32> to vector<16xf32>
          %add3A_658 = arith.addf %add3A_608, %get3A_657 : vector<16xf32>
          %scan3A_659 = arith.constant 2 : i32
          %scan3A_660 = arith.addi %scan3A_552, %scan3A_659 : i32
          %add3A_661 = arith.addi %mul3A_124, %scan3A_660 : i32
          %get3A_662 = arith.index_cast %add3A_661 : i32 to index
          %get3A_663 = arith.constant 0 : index
          %get3A_664 = tpu.vector_load %arg7[%get3A_662, %get3A_663] {strides = array<i32>} : memref<256x128xf32, #tpu.memory_space<vmem>>, vector<1x16xf32>,
          %get3A_665 = vector.shape_cast %get3A_664 : vector<1x16xf32> to vector<16xf32>
          %add3A_666 = arith.addf %add3A_616, %get3A_665 : vector<16xf32>
          %add3A_667 = arith.addi %mul3A_124, %scan3A_660 : i32
          %get3A_668 = arith.index_cast %add3A_667 : i32 to index
          %get3A_669 = arith.constant 16 : index
          %get3A_670 = tpu.vector_load %arg7[%get3A_668, %get3A_669] {strides = array<i32>} : memref<256x128xf32, #tpu.memory_space<vmem>>, vector<1x16xf32>,
          %get3A_671 = vector.shape_cast %get3A_670 : vector<1x16xf32> to vector<16xf32>
          %add3A_672 = arith.addf %add3A_622, %get3A_671 : vector<16xf32>
          %add3A_673 = arith.addi %mul3A_124, %scan3A_660 : i32
          %get3A_674 = arith.index_cast %add3A_673 : i32 to index
          %get3A_675 = arith.constant 32 : index
          %get3A_676 = tpu.vector_load %arg7[%get3A_674, %get3A_675] {strides = array<i32>} : memref<256x128xf32, #tpu.memory_space<vmem>>, vector<1x16xf32>,
          %get3A_677 = vector.shape_cast %get3A_676 : vector<1x16xf32> to vector<16xf32>
          %add3A_678 = arith.addf %add3A_628, %get3A_677 : vector<16xf32>
          %add3A_679 = arith.addi %mul3A_124, %scan3A_660 : i32
          %get3A_680 = arith.index_cast %add3A_679 : i32 to index
          %get3A_681 = arith.constant 48 : index
          %get3A_682 = tpu.vector_load %arg7[%get3A_680, %get3A_681] {strides = array<i32>} : memref<256x128xf32, #tpu.memory_space<vmem>>, vector<1x16xf32>,
          %get3A_683 = vector.shape_cast %get3A_682 : vector<1x16xf32> to vector<16xf32>
          %add3A_684 = arith.addf %add3A_634, %get3A_683 : vector<16xf32>
          %add3A_685 = arith.addi %mul3A_124, %scan3A_660 : i32
          %get3A_686 = arith.index_cast %add3A_685 : i32 to index
          %get3A_687 = arith.constant 64 : index
          %get3A_688 = tpu.vector_load %arg7[%get3A_686, %get3A_687] {strides = array<i32>} : memref<256x128xf32, #tpu.memory_space<vmem>>, vector<1x16xf32>,
          %get3A_689 = vector.shape_cast %get3A_688 : vector<1x16xf32> to vector<16xf32>
          %add3A_690 = arith.addf %add3A_640, %get3A_689 : vector<16xf32>
          %add3A_691 = arith.addi %mul3A_124, %scan3A_660 : i32
          %get3A_692 = arith.index_cast %add3A_691 : i32 to index
          %get3A_693 = arith.constant 80 : index
          %get3A_694 = tpu.vector_load %arg7[%get3A_692, %get3A_693] {strides = array<i32>} : memref<256x128xf32, #tpu.memory_space<vmem>>, vector<1x16xf32>,
          %get3A_695 = vector.shape_cast %get3A_694 : vector<1x16xf32> to vector<16xf32>
          %add3A_696 = arith.addf %add3A_646, %get3A_695 : vector<16xf32>
          %add3A_697 = arith.addi %mul3A_124, %scan3A_660 : i32
          %get3A_698 = arith.index_cast %add3A_697 : i32 to index
          %get3A_699 = arith.constant 96 : index
          %get3A_700 = tpu.vector_load %arg7[%get3A_698, %get3A_699] {strides = array<i32>} : memref<256x128xf32, #tpu.memory_space<vmem>>, vector<1x16xf32>,
          %get3A_701 = vector.shape_cast %get3A_700 : vector<1x16xf32> to vector<16xf32>
          %add3A_702 = arith.addf %add3A_652, %get3A_701 : vector<16xf32>
          %add3A_703 = arith.addi %mul3A_124, %scan3A_660 : i32
          %get3A_704 = arith.index_cast %add3A_703 : i32 to index
          %get3A_705 = arith.constant 112 : index
          %get3A_706 = tpu.vector_load %arg7[%get3A_704, %get3A_705] {strides = array<i32>} : memref<256x128xf32, #tpu.memory_space<vmem>>, vector<1x16xf32>,
          %get3A_707 = vector.shape_cast %get3A_706 : vector<1x16xf32> to vector<16xf32>
          %add3A_708 = arith.addf %add3A_658, %get3A_707 : vector<16xf32>
          %scan3A_709 = arith.constant 3 : i32
          %scan3A_710 = arith.addi %scan3A_552, %scan3A_709 : i32
          %add3A_711 = arith.addi %mul3A_124, %scan3A_710 : i32
          %get3A_712 = arith.index_cast %add3A_711 : i32 to index
          %get3A_713 = arith.constant 0 : index
          %get3A_714 = tpu.vector_load %arg7[%get3A_712, %get3A_713] {strides = array<i32>} : memref<256x128xf32, #tpu.memory_space<vmem>>, vector<1x16xf32>,
          %get3A_715 = vector.shape_cast %get3A_714 : vector<1x16xf32> to vector<16xf32>
          %add3A_716 = arith.addf %add3A_666, %get3A_715 : vector<16xf32>
          %add3A_717 = arith.addi %mul3A_124, %scan3A_710 : i32
          %get3A_718 = arith.index_cast %add3A_717 : i32 to index
          %get3A_719 = arith.constant 16 : index
          %get3A_720 = tpu.vector_load %arg7[%get3A_718, %get3A_719] {strides = array<i32>} : memref<256x128xf32, #tpu.memory_space<vmem>>, vector<1x16xf32>,
          %get3A_721 = vector.shape_cast %get3A_720 : vector<1x16xf32> to vector<16xf32>
          %add3A_722 = arith.addf %add3A_672, %get3A_721 : vector<16xf32>
          %add3A_723 = arith.addi %mul3A_124, %scan3A_710 : i32
          %get3A_724 = arith.index_cast %add3A_723 : i32 to index
          %get3A_725 = arith.constant 32 : index
          %get3A_726 = tpu.vector_load %arg7[%get3A_724, %get3A_725] {strides = array<i32>} : memref<256x128xf32, #tpu.memory_space<vmem>>, vector<1x16xf32>,
          %get3A_727 = vector.shape_cast %get3A_726 : vector<1x16xf32> to vector<16xf32>
          %add3A_728 = arith.addf %add3A_678, %get3A_727 : vector<16xf32>
          %add3A_729 = arith.addi %mul3A_124, %scan3A_710 : i32
          %get3A_730 = arith.index_cast %add3A_729 : i32 to index
          %get3A_731 = arith.constant 48 : index
          %get3A_732 = tpu.vector_load %arg7[%get3A_730, %get3A_731] {strides = array<i32>} : memref<256x128xf32, #tpu.memory_space<vmem>>, vector<1x16xf32>,
          %get3A_733 = vector.shape_cast %get3A_732 : vector<1x16xf32> to vector<16xf32>
          %add3A_734 = arith.addf %add3A_684, %get3A_733 : vector<16xf32>
          %add3A_735 = arith.addi %mul3A_124, %scan3A_710 : i32
          %get3A_736 = arith.index_cast %add3A_735 : i32 to index
          %get3A_737 = arith.constant 64 : index
          %get3A_738 = tpu.vector_load %arg7[%get3A_736, %get3A_737] {strides = array<i32>} : memref<256x128xf32, #tpu.memory_space<vmem>>, vector<1x16xf32>,
          %get3A_739 = vector.shape_cast %get3A_738 : vector<1x16xf32> to vector<16xf32>
          %add3A_740 = arith.addf %add3A_690, %get3A_739 : vector<16xf32>
          %add3A_741 = arith.addi %mul3A_124, %scan3A_710 : i32
          %get3A_742 = arith.index_cast %add3A_741 : i32 to index
          %get3A_743 = arith.constant 80 : index
          %get3A_744 = tpu.vector_load %arg7[%get3A_742, %get3A_743] {strides = array<i32>} : memref<256x128xf32, #tpu.memory_space<vmem>>, vector<1x16xf32>,
          %get3A_745 = vector.shape_cast %get3A_744 : vector<1x16xf32> to vector<16xf32>
          %add3A_746 = arith.addf %add3A_696, %get3A_745 : vector<16xf32>
          %add3A_747 = arith.addi %mul3A_124, %scan3A_710 : i32
          %get3A_748 = arith.index_cast %add3A_747 : i32 to index
          %get3A_749 = arith.constant 96 : index
          %get3A_750 = tpu.vector_load %arg7[%get3A_748, %get3A_749] {strides = array<i32>} : memref<256x128xf32, #tpu.memory_space<vmem>>, vector<1x16xf32>,
          %get3A_751 = vector.shape_cast %get3A_750 : vector<1x16xf32> to vector<16xf32>
          %add3A_752 = arith.addf %add3A_702, %get3A_751 : vector<16xf32>
          %add3A_753 = arith.addi %mul3A_124, %scan3A_710 : i32
          %get3A_754 = arith.index_cast %add3A_753 : i32 to index
          %get3A_755 = arith.constant 112 : index
          %get3A_756 = tpu.vector_load %arg7[%get3A_754, %get3A_755] {strides = array<i32>} : memref<256x128xf32, #tpu.memory_space<vmem>>, vector<1x16xf32>,
          %get3A_757 = vector.shape_cast %get3A_756 : vector<1x16xf32> to vector<16xf32>
          %add3A_758 = arith.addf %add3A_708, %get3A_757 : vector<16xf32>
          %scan3A_759 = arith.constant 4 : i32
          %scan3A_760 = arith.addi %scan3A_552, %scan3A_759 : i32
          %add3A_761 = arith.addi %mul3A_124, %scan3A_760 : i32
          %get3A_762 = arith.index_cast %add3A_761 : i32 to index
          %get3A_763 = arith.constant 0 : index
          %get3A_764 = tpu.vector_load %arg7[%get3A_762, %get3A_763] {strides = array<i32>} : memref<256x128xf32, #tpu.memory_space<vmem>>, vector<1x16xf32>,
          %get3A_765 = vector.shape_cast %get3A_764 : vector<1x16xf32> to vector<16xf32>
          %add3A_766 = arith.addf %add3A_716, %get3A_765 : vector<16xf32>
          %add3A_767 = arith.addi %mul3A_124, %scan3A_760 : i32
          %get3A_768 = arith.index_cast %add3A_767 : i32 to index
          %get3A_769 = arith.constant 16 : index
          %get3A_770 = tpu.vector_load %arg7[%get3A_768, %get3A_769] {strides = array<i32>} : memref<256x128xf32, #tpu.memory_space<vmem>>, vector<1x16xf32>,
          %get3A_771 = vector.shape_cast %get3A_770 : vector<1x16xf32> to vector<16xf32>
          %add3A_772 = arith.addf %add3A_722, %get3A_771 : vector<16xf32>
          %add3A_773 = arith.addi %mul3A_124, %scan3A_760 : i32
          %get3A_774 = arith.index_cast %add3A_773 : i32 to index
          %get3A_775 = arith.constant 32 : index
          %get3A_776 = tpu.vector_load %arg7[%get3A_774, %get3A_775] {strides = array<i32>} : memref<256x128xf32, #tpu.memory_space<vmem>>, vector<1x16xf32>,
          %get3A_777 = vector.shape_cast %get3A_776 : vector<1x16xf32> to vector<16xf32>
          %add3A_778 = arith.addf %add3A_728, %get3A_777 : vector<16xf32>
          %add3A_779 = arith.addi %mul3A_124, %scan3A_760 : i32
          %get3A_780 = arith.index_cast %add3A_779 : i32 to index
          %get3A_781 = arith.constant 48 : index
          %get3A_782 = tpu.vector_load %arg7[%get3A_780, %get3A_781] {strides = array<i32>} : memref<256x128xf32, #tpu.memory_space<vmem>>, vector<1x16xf32>,
          %get3A_783 = vector.shape_cast %get3A_782 : vector<1x16xf32> to vector<16xf32>
          %add3A_784 = arith.addf %add3A_734, %get3A_783 : vector<16xf32>
          %add3A_785 = arith.addi %mul3A_124, %scan3A_760 : i32
          %get3A_786 = arith.index_cast %add3A_785 : i32 to index
          %get3A_787 = arith.constant 64 : index
          %get3A_788 = tpu.vector_load %arg7[%get3A_786, %get3A_787] {strides = array<i32>} : memref<256x128xf32, #tpu.memory_space<vmem>>, vector<1x16xf32>,
          %get3A_789 = vector.shape_cast %get3A_788 : vector<1x16xf32> to vector<16xf32>
          %add3A_790 = arith.addf %add3A_740, %get3A_789 : vector<16xf32>
          %add3A_791 = arith.addi %mul3A_124, %scan3A_760 : i32
          %get3A_792 = arith.index_cast %add3A_791 : i32 to index
          %get3A_793 = arith.constant 80 : index
          %get3A_794 = tpu.vector_load %arg7[%get3A_792, %get3A_793] {strides = array<i32>} : memref<256x128xf32, #tpu.memory_space<vmem>>, vector<1x16xf32>,
          %get3A_795 = vector.shape_cast %get3A_794 : vector<1x16xf32> to vector<16xf32>
          %add3A_796 = arith.addf %add3A_746, %get3A_795 : vector<16xf32>
          %add3A_797 = arith.addi %mul3A_124, %scan3A_760 : i32
          %get3A_798 = arith.index_cast %add3A_797 : i32 to index
          %get3A_799 = arith.constant 96 : index
          %get3A_800 = tpu.vector_load %arg7[%get3A_798, %get3A_799] {strides = array<i32>} : memref<256x128xf32, #tpu.memory_space<vmem>>, vector<1x16xf32>,
          %get3A_801 = vector.shape_cast %get3A_800 : vector<1x16xf32> to vector<16xf32>
          %add3A_802 = arith.addf %add3A_752, %get3A_801 : vector<16xf32>
          %add3A_803 = arith.addi %mul3A_124, %scan3A_760 : i32
          %get3A_804 = arith.index_cast %add3A_803 : i32 to index
          %get3A_805 = arith.constant 112 : index
          %get3A_806 = tpu.vector_load %arg7[%get3A_804, %get3A_805] {strides = array<i32>} : memref<256x128xf32, #tpu.memory_space<vmem>>, vector<1x16xf32>,
          %get3A_807 = vector.shape_cast %get3A_806 : vector<1x16xf32> to vector<16xf32>
          %add3A_808 = arith.addf %add3A_758, %get3A_807 : vector<16xf32>
          %scan3A_809 = arith.constant 5 : i32
          %scan3A_810 = arith.addi %scan3A_552, %scan3A_809 : i32
          %add3A_811 = arith.addi %mul3A_124, %scan3A_810 : i32
          %get3A_812 = arith.index_cast %add3A_811 : i32 to index
          %get3A_813 = arith.constant 0 : index
          %get3A_814 = tpu.vector_load %arg7[%get3A_812, %get3A_813] {strides = array<i32>} : memref<256x128xf32, #tpu.memory_space<vmem>>, vector<1x16xf32>,
          %get3A_815 = vector.shape_cast %get3A_814 : vector<1x16xf32> to vector<16xf32>
          %add3A_816 = arith.addf %add3A_766, %get3A_815 : vector<16xf32>
          %add3A_817 = arith.addi %mul3A_124, %scan3A_810 : i32
          %get3A_818 = arith.index_cast %add3A_817 : i32 to index
          %get3A_819 = arith.constant 16 : index
          %get3A_820 = tpu.vector_load %arg7[%get3A_818, %get3A_819] {strides = array<i32>} : memref<256x128xf32, #tpu.memory_space<vmem>>, vector<1x16xf32>,
          %get3A_821 = vector.shape_cast %get3A_820 : vector<1x16xf32> to vector<16xf32>
          %add3A_822 = arith.addf %add3A_772, %get3A_821 : vector<16xf32>
          %add3A_823 = arith.addi %mul3A_124, %scan3A_810 : i32
          %get3A_824 = arith.index_cast %add3A_823 : i32 to index
          %get3A_825 = arith.constant 32 : index
          %get3A_826 = tpu.vector_load %arg7[%get3A_824, %get3A_825] {strides = array<i32>} : memref<256x128xf32, #tpu.memory_space<vmem>>, vector<1x16xf32>,
          %get3A_827 = vector.shape_cast %get3A_826 : vector<1x16xf32> to vector<16xf32>
          %add3A_828 = arith.addf %add3A_778, %get3A_827 : vector<16xf32>
          %add3A_829 = arith.addi %mul3A_124, %scan3A_810 : i32
          %get3A_830 = arith.index_cast %add3A_829 : i32 to index
          %get3A_831 = arith.constant 48 : index
          %get3A_832 = tpu.vector_load %arg7[%get3A_830, %get3A_831] {strides = array<i32>} : memref<256x128xf32, #tpu.memory_space<vmem>>, vector<1x16xf32>,
          %get3A_833 = vector.shape_cast %get3A_832 : vector<1x16xf32> to vector<16xf32>
          %add3A_834 = arith.addf %add3A_784, %get3A_833 : vector<16xf32>
          %add3A_835 = arith.addi %mul3A_124, %scan3A_810 : i32
          %get3A_836 = arith.index_cast %add3A_835 : i32 to index
          %get3A_837 = arith.constant 64 : index
          %get3A_838 = tpu.vector_load %arg7[%get3A_836, %get3A_837] {strides = array<i32>} : memref<256x128xf32, #tpu.memory_space<vmem>>, vector<1x16xf32>,
          %get3A_839 = vector.shape_cast %get3A_838 : vector<1x16xf32> to vector<16xf32>
          %add3A_840 = arith.addf %add3A_790, %get3A_839 : vector<16xf32>
          %add3A_841 = arith.addi %mul3A_124, %scan3A_810 : i32
          %get3A_842 = arith.index_cast %add3A_841 : i32 to index
          %get3A_843 = arith.constant 80 : index
          %get3A_844 = tpu.vector_load %arg7[%get3A_842, %get3A_843] {strides = array<i32>} : memref<256x128xf32, #tpu.memory_space<vmem>>, vector<1x16xf32>,
          %get3A_845 = vector.shape_cast %get3A_844 : vector<1x16xf32> to vector<16xf32>
          %add3A_846 = arith.addf %add3A_796, %get3A_845 : vector<16xf32>
          %add3A_847 = arith.addi %mul3A_124, %scan3A_810 : i32
          %get3A_848 = arith.index_cast %add3A_847 : i32 to index
          %get3A_849 = arith.constant 96 : index
          %get3A_850 = tpu.vector_load %arg7[%get3A_848, %get3A_849] {strides = array<i32>} : memref<256x128xf32, #tpu.memory_space<vmem>>, vector<1x16xf32>,
          %get3A_851 = vector.shape_cast %get3A_850 : vector<1x16xf32> to vector<16xf32>
          %add3A_852 = arith.addf %add3A_802, %get3A_851 : vector<16xf32>
          %add3A_853 = arith.addi %mul3A_124, %scan3A_810 : i32
          %get3A_854 = arith.index_cast %add3A_853 : i32 to index
          %get3A_855 = arith.constant 112 : index
          %get3A_856 = tpu.vector_load %arg7[%get3A_854, %get3A_855] {strides = array<i32>} : memref<256x128xf32, #tpu.memory_space<vmem>>, vector<1x16xf32>,
          %get3A_857 = vector.shape_cast %get3A_856 : vector<1x16xf32> to vector<16xf32>
          %add3A_858 = arith.addf %add3A_808, %get3A_857 : vector<16xf32>
          %scan3A_859 = arith.constant 6 : i32
          %scan3A_860 = arith.addi %scan3A_552, %scan3A_859 : i32
          %add3A_861 = arith.addi %mul3A_124, %scan3A_860 : i32
          %get3A_862 = arith.index_cast %add3A_861 : i32 to index
          %get3A_863 = arith.constant 0 : index
          %get3A_864 = tpu.vector_load %arg7[%get3A_862, %get3A_863] {strides = array<i32>} : memref<256x128xf32, #tpu.memory_space<vmem>>, vector<1x16xf32>,
          %get3A_865 = vector.shape_cast %get3A_864 : vector<1x16xf32> to vector<16xf32>
          %add3A_866 = arith.addf %add3A_816, %get3A_865 : vector<16xf32>
          %add3A_867 = arith.addi %mul3A_124, %scan3A_860 : i32
          %get3A_868 = arith.index_cast %add3A_867 : i32 to index
          %get3A_869 = arith.constant 16 : index
          %get3A_870 = tpu.vector_load %arg7[%get3A_868, %get3A_869] {strides = array<i32>} : memref<256x128xf32, #tpu.memory_space<vmem>>, vector<1x16xf32>,
          %get3A_871 = vector.shape_cast %get3A_870 : vector<1x16xf32> to vector<16xf32>
          %add3A_872 = arith.addf %add3A_822, %get3A_871 : vector<16xf32>
          %add3A_873 = arith.addi %mul3A_124, %scan3A_860 : i32
          %get3A_874 = arith.index_cast %add3A_873 : i32 to index
          %get3A_875 = arith.constant 32 : index
          %get3A_876 = tpu.vector_load %arg7[%get3A_874, %get3A_875] {strides = array<i32>} : memref<256x128xf32, #tpu.memory_space<vmem>>, vector<1x16xf32>,
          %get3A_877 = vector.shape_cast %get3A_876 : vector<1x16xf32> to vector<16xf32>
          %add3A_878 = arith.addf %add3A_828, %get3A_877 : vector<16xf32>
          %add3A_879 = arith.addi %mul3A_124, %scan3A_860 : i32
          %get3A_880 = arith.index_cast %add3A_879 : i32 to index
          %get3A_881 = arith.constant 48 : index
          %get3A_882 = tpu.vector_load %arg7[%get3A_880, %get3A_881] {strides = array<i32>} : memref<256x128xf32, #tpu.memory_space<vmem>>, vector<1x16xf32>,
          %get3A_883 = vector.shape_cast %get3A_882 : vector<1x16xf32> to vector<16xf32>
          %add3A_884 = arith.addf %add3A_834, %get3A_883 : vector<16xf32>
          %add3A_885 = arith.addi %mul3A_124, %scan3A_860 : i32
          %get3A_886 = arith.index_cast %add3A_885 : i32 to index
          %get3A_887 = arith.constant 64 : index
          %get3A_888 = tpu.vector_load %arg7[%get3A_886, %get3A_887] {strides = array<i32>} : memref<256x128xf32, #tpu.memory_space<vmem>>, vector<1x16xf32>,
          %get3A_889 = vector.shape_cast %get3A_888 : vector<1x16xf32> to vector<16xf32>
          %add3A_890 = arith.addf %add3A_840, %get3A_889 : vector<16xf32>
          %add3A_891 = arith.addi %mul3A_124, %scan3A_860 : i32
          %get3A_892 = arith.index_cast %add3A_891 : i32 to index
          %get3A_893 = arith.constant 80 : index
          %get3A_894 = tpu.vector_load %arg7[%get3A_892, %get3A_893] {strides = array<i32>} : memref<256x128xf32, #tpu.memory_space<vmem>>, vector<1x16xf32>,
          %get3A_895 = vector.shape_cast %get3A_894 : vector<1x16xf32> to vector<16xf32>
          %add3A_896 = arith.addf %add3A_846, %get3A_895 : vector<16xf32>
          %add3A_897 = arith.addi %mul3A_124, %scan3A_860 : i32
          %get3A_898 = arith.index_cast %add3A_897 : i32 to index
          %get3A_899 = arith.constant 96 : index
          %get3A_900 = tpu.vector_load %arg7[%get3A_898, %get3A_899] {strides = array<i32>} : memref<256x128xf32, #tpu.memory_space<vmem>>, vector<1x16xf32>,
          %get3A_901 = vector.shape_cast %get3A_900 : vector<1x16xf32> to vector<16xf32>
          %add3A_902 = arith.addf %add3A_852, %get3A_901 : vector<16xf32>
          %add3A_903 = arith.addi %mul3A_124, %scan3A_860 : i32
          %get3A_904 = arith.index_cast %add3A_903 : i32 to index
          %get3A_905 = arith.constant 112 : index
          %get3A_906 = tpu.vector_load %arg7[%get3A_904, %get3A_905] {strides = array<i32>} : memref<256x128xf32, #tpu.memory_space<vmem>>, vector<1x16xf32>,
          %get3A_907 = vector.shape_cast %get3A_906 : vector<1x16xf32> to vector<16xf32>
          %add3A_908 = arith.addf %add3A_858, %get3A_907 : vector<16xf32>
          %scan3A_909 = arith.constant 7 : i32
          %scan3A_910 = arith.addi %scan3A_552, %scan3A_909 : i32
          %add3A_911 = arith.addi %mul3A_124, %scan3A_910 : i32
          %get3A_912 = arith.index_cast %add3A_911 : i32 to index
          %get3A_913 = arith.constant 0 : index
          %get3A_914 = tpu.vector_load %arg7[%get3A_912, %get3A_913] {strides = array<i32>} : memref<256x128xf32, #tpu.memory_space<vmem>>, vector<1x16xf32>,
          %get3A_915 = vector.shape_cast %get3A_914 : vector<1x16xf32> to vector<16xf32>
          %add3A_916 = arith.addf %add3A_866, %get3A_915 : vector<16xf32>
          %add3A_917 = arith.addi %mul3A_124, %scan3A_910 : i32
          %get3A_918 = arith.index_cast %add3A_917 : i32 to index
          %get3A_919 = arith.constant 16 : index
          %get3A_920 = tpu.vector_load %arg7[%get3A_918, %get3A_919] {strides = array<i32>} : memref<256x128xf32, #tpu.memory_space<vmem>>, vector<1x16xf32>,
          %get3A_921 = vector.shape_cast %get3A_920 : vector<1x16xf32> to vector<16xf32>
          %add3A_922 = arith.addf %add3A_872, %get3A_921 : vector<16xf32>
          %add3A_923 = arith.addi %mul3A_124, %scan3A_910 : i32
          %get3A_924 = arith.index_cast %add3A_923 : i32 to index
          %get3A_925 = arith.constant 32 : index
          %get3A_926 = tpu.vector_load %arg7[%get3A_924, %get3A_925] {strides = array<i32>} : memref<256x128xf32, #tpu.memory_space<vmem>>, vector<1x16xf32>,
          %get3A_927 = vector.shape_cast %get3A_926 : vector<1x16xf32> to vector<16xf32>
          %add3A_928 = arith.addf %add3A_878, %get3A_927 : vector<16xf32>
          %add3A_929 = arith.addi %mul3A_124, %scan3A_910 : i32
          %get3A_930 = arith.index_cast %add3A_929 : i32 to index
          %get3A_931 = arith.constant 48 : index
          %get3A_932 = tpu.vector_load %arg7[%get3A_930, %get3A_931] {strides = array<i32>} : memref<256x128xf32, #tpu.memory_space<vmem>>, vector<1x16xf32>,
          %get3A_933 = vector.shape_cast %get3A_932 : vector<1x16xf32> to vector<16xf32>
          %add3A_934 = arith.addf %add3A_884, %get3A_933 : vector<16xf32>
          %add3A_935 = arith.addi %mul3A_124, %scan3A_910 : i32
          %get3A_936 = arith.index_cast %add3A_935 : i32 to index
          %get3A_937 = arith.constant 64 : index
          %get3A_938 = tpu.vector_load %arg7[%get3A_936, %get3A_937] {strides = array<i32>} : memref<256x128xf32, #tpu.memory_space<vmem>>, vector<1x16xf32>,
          %get3A_939 = vector.shape_cast %get3A_938 : vector<1x16xf32> to vector<16xf32>
          %add3A_940 = arith.addf %add3A_890, %get3A_939 : vector<16xf32>
          %add3A_941 = arith.addi %mul3A_124, %scan3A_910 : i32
          %get3A_942 = arith.index_cast %add3A_941 : i32 to index
          %get3A_943 = arith.constant 80 : index
          %get3A_944 = tpu.vector_load %arg7[%get3A_942, %get3A_943] {strides = array<i32>} : memref<256x128xf32, #tpu.memory_space<vmem>>, vector<1x16xf32>,
          %get3A_945 = vector.shape_cast %get3A_944 : vector<1x16xf32> to vector<16xf32>
          %add3A_946 = arith.addf %add3A_896, %get3A_945 : vector<16xf32>
          %add3A_947 = arith.addi %mul3A_124, %scan3A_910 : i32
          %get3A_948 = arith.index_cast %add3A_947 : i32 to index
          %get3A_949 = arith.constant 96 : index
          %get3A_950 = tpu.vector_load %arg7[%get3A_948, %get3A_949] {strides = array<i32>} : memref<256x128xf32, #tpu.memory_space<vmem>>, vector<1x16xf32>,
          %get3A_951 = vector.shape_cast %get3A_950 : vector<1x16xf32> to vector<16xf32>
          %add3A_952 = arith.addf %add3A_902, %get3A_951 : vector<16xf32>
          %add3A_953 = arith.addi %mul3A_124, %scan3A_910 : i32
          %get3A_954 = arith.index_cast %add3A_953 : i32 to index
          %get3A_955 = arith.constant 112 : index
          %get3A_956 = tpu.vector_load %arg7[%get3A_954, %get3A_955] {strides = array<i32>} : memref<256x128xf32, #tpu.memory_space<vmem>>, vector<1x16xf32>,
          %get3A_957 = vector.shape_cast %get3A_956 : vector<1x16xf32> to vector<16xf32>
          %add3A_958 = arith.addf %add3A_908, %get3A_957 : vector<16xf32>
          scf.yield %add3A_916, %add3A_922, %add3A_928, %add3A_934, %add3A_940, %add3A_946, %add3A_952, %add3A_958 : vector<16xf32>, vector<16xf32>, vector<16xf32>, vector<16xf32>, vector<16xf32>, vector<16xf32>, vector<16xf32>, vector<16xf32>
        }
        %scan3A_161 = arith.constant 24 : i32
        %scan3A_162 = arith.addi %scan3A_156, %scan3A_161 : i32
        %add3A_163 = arith.addi %mul3A_124, %scan3A_162 : i32
        %get3A_164 = arith.index_cast %add3A_163 : i32 to index
        %get3A_165 = arith.constant 0 : index
        %get3A_166 = tpu.vector_load %arg7[%get3A_164, %get3A_165] {strides = array<i32>} : memref<256x128xf32, #tpu.memory_space<vmem>>, vector<1x16xf32>,
        %get3A_167 = vector.shape_cast %get3A_166 : vector<1x16xf32> to vector<16xf32>
        %add3A_168 = arith.addf %scan3A_160#0, %get3A_167 : vector<16xf32>
        %add3A_169 = arith.addi %mul3A_124, %scan3A_162 : i32
        %get3A_170 = arith.index_cast %add3A_169 : i32 to index
        %get3A_171 = arith.constant 16 : index
        %get3A_172 = tpu.vector_load %arg7[%get3A_170, %get3A_171] {strides = array<i32>} : memref<256x128xf32, #tpu.memory_space<vmem>>, vector<1x16xf32>,
        %get3A_173 = vector.shape_cast %get3A_172 : vector<1x16xf32> to vector<16xf32>
        %add3A_174 = arith.addf %scan3A_160#1, %get3A_173 : vector<16xf32>
        %add3A_175 = arith.addi %mul3A_124, %scan3A_162 : i32
        %get3A_176 = arith.index_cast %add3A_175 : i32 to index
        %get3A_177 = arith.constant 32 : index
        %get3A_178 = tpu.vector_load %arg7[%get3A_176, %get3A_177] {strides = array<i32>} : memref<256x128xf32, #tpu.memory_space<vmem>>, vector<1x16xf32>,
        %get3A_179 = vector.shape_cast %get3A_178 : vector<1x16xf32> to vector<16xf32>
        %add3A_180 = arith.addf %scan3A_160#2, %get3A_179 : vector<16xf32>
        %add3A_181 = arith.addi %mul3A_124, %scan3A_162 : i32
        %get3A_182 = arith.index_cast %add3A_181 : i32 to index
        %get3A_183 = arith.constant 48 : index
        %get3A_184 = tpu.vector_load %arg7[%get3A_182, %get3A_183] {strides = array<i32>} : memref<256x128xf32, #tpu.memory_space<vmem>>, vector<1x16xf32>,
        %get3A_185 = vector.shape_cast %get3A_184 : vector<1x16xf32> to vector<16xf32>
        %add3A_186 = arith.addf %scan3A_160#3, %get3A_185 : vector<16xf32>
        %add3A_187 = arith.addi %mul3A_124, %scan3A_162 : i32
        %get3A_188 = arith.index_cast %add3A_187 : i32 to index
        %get3A_189 = arith.constant 64 : index
        %get3A_190 = tpu.vector_load %arg7[%get3A_188, %get3A_189] {strides = array<i32>} : memref<256x128xf32, #tpu.memory_space<vmem>>, vector<1x16xf32>,
        %get3A_191 = vector.shape_cast %get3A_190 : vector<1x16xf32> to vector<16xf32>
        %add3A_192 = arith.addf %scan3A_160#4, %get3A_191 : vector<16xf32>
        %add3A_193 = arith.addi %mul3A_124, %scan3A_162 : i32
        %get3A_194 = arith.index_cast %add3A_193 : i32 to index
        %get3A_195 = arith.constant 80 : index
        %get3A_196 = tpu.vector_load %arg7[%get3A_194, %get3A_195] {strides = array<i32>} : memref<256x128xf32, #tpu.memory_space<vmem>>, vector<1x16xf32>,
        %get3A_197 = vector.shape_cast %get3A_196 : vector<1x16xf32> to vector<16xf32>
        %add3A_198 = arith.addf %scan3A_160#5, %get3A_197 : vector<16xf32>
        %add3A_199 = arith.addi %mul3A_124, %scan3A_162 : i32
        %get3A_200 = arith.index_cast %add3A_199 : i32 to index
        %get3A_201 = arith.constant 96 : index
        %get3A_202 = tpu.vector_load %arg7[%get3A_200, %get3A_201] {strides = array<i32>} : memref<256x128xf32, #tpu.memory_space<vmem>>, vector<1x16xf32>,
        %get3A_203 = vector.shape_cast %get3A_202 : vector<1x16xf32> to vector<16xf32>
        %add3A_204 = arith.addf %scan3A_160#6, %get3A_203 : vector<16xf32>
        %add3A_205 = arith.addi %mul3A_124, %scan3A_162 : i32
        %get3A_206 = arith.index_cast %add3A_205 : i32 to index
        %get3A_207 = arith.constant 112 : index
        %get3A_208 = tpu.vector_load %arg7[%get3A_206, %get3A_207] {strides = array<i32>} : memref<256x128xf32, #tpu.memory_space<vmem>>, vector<1x16xf32>,
        %get3A_209 = vector.shape_cast %get3A_208 : vector<1x16xf32> to vector<16xf32>
        %add3A_210 = arith.addf %scan3A_160#7, %get3A_209 : vector<16xf32>
        %scan3A_211 = arith.constant 25 : i32
        %scan3A_212 = arith.addi %scan3A_156, %scan3A_211 : i32
        %add3A_213 = arith.addi %mul3A_124, %scan3A_212 : i32
        %get3A_214 = arith.index_cast %add3A_213 : i32 to index
        %get3A_215 = arith.constant 0 : index
        %get3A_216 = tpu.vector_load %arg7[%get3A_214, %get3A_215] {strides = array<i32>} : memref<256x128xf32, #tpu.memory_space<vmem>>, vector<1x16xf32>,
        %get3A_217 = vector.shape_cast %get3A_216 : vector<1x16xf32> to vector<16xf32>
        %add3A_218 = arith.addf %add3A_168, %get3A_217 : vector<16xf32>
        %add3A_219 = arith.addi %mul3A_124, %scan3A_212 : i32
        %get3A_220 = arith.index_cast %add3A_219 : i32 to index
        %get3A_221 = arith.constant 16 : index
        %get3A_222 = tpu.vector_load %arg7[%get3A_220, %get3A_221] {strides = array<i32>} : memref<256x128xf32, #tpu.memory_space<vmem>>, vector<1x16xf32>,
        %get3A_223 = vector.shape_cast %get3A_222 : vector<1x16xf32> to vector<16xf32>
        %add3A_224 = arith.addf %add3A_174, %get3A_223 : vector<16xf32>
        %add3A_225 = arith.addi %mul3A_124, %scan3A_212 : i32
        %get3A_226 = arith.index_cast %add3A_225 : i32 to index
        %get3A_227 = arith.constant 32 : index
        %get3A_228 = tpu.vector_load %arg7[%get3A_226, %get3A_227] {strides = array<i32>} : memref<256x128xf32, #tpu.memory_space<vmem>>, vector<1x16xf32>,
        %get3A_229 = vector.shape_cast %get3A_228 : vector<1x16xf32> to vector<16xf32>
        %add3A_230 = arith.addf %add3A_180, %get3A_229 : vector<16xf32>
        %add3A_231 = arith.addi %mul3A_124, %scan3A_212 : i32
        %get3A_232 = arith.index_cast %add3A_231 : i32 to index
        %get3A_233 = arith.constant 48 : index
        %get3A_234 = tpu.vector_load %arg7[%get3A_232, %get3A_233] {strides = array<i32>} : memref<256x128xf32, #tpu.memory_space<vmem>>, vector<1x16xf32>,
        %get3A_235 = vector.shape_cast %get3A_234 : vector<1x16xf32> to vector<16xf32>
        %add3A_236 = arith.addf %add3A_186, %get3A_235 : vector<16xf32>
        %add3A_237 = arith.addi %mul3A_124, %scan3A_212 : i32
        %get3A_238 = arith.index_cast %add3A_237 : i32 to index
        %get3A_239 = arith.constant 64 : index
        %get3A_240 = tpu.vector_load %arg7[%get3A_238, %get3A_239] {strides = array<i32>} : memref<256x128xf32, #tpu.memory_space<vmem>>, vector<1x16xf32>,
        %get3A_241 = vector.shape_cast %get3A_240 : vector<1x16xf32> to vector<16xf32>
        %add3A_242 = arith.addf %add3A_192, %get3A_241 : vector<16xf32>
        %add3A_243 = arith.addi %mul3A_124, %scan3A_212 : i32
        %get3A_244 = arith.index_cast %add3A_243 : i32 to index
        %get3A_245 = arith.constant 80 : index
        %get3A_246 = tpu.vector_load %arg7[%get3A_244, %get3A_245] {strides = array<i32>} : memref<256x128xf32, #tpu.memory_space<vmem>>, vector<1x16xf32>,
        %get3A_247 = vector.shape_cast %get3A_246 : vector<1x16xf32> to vector<16xf32>
        %add3A_248 = arith.addf %add3A_198, %get3A_247 : vector<16xf32>
        %add3A_249 = arith.addi %mul3A_124, %scan3A_212 : i32
        %get3A_250 = arith.index_cast %add3A_249 : i32 to index
        %get3A_251 = arith.constant 96 : index
        %get3A_252 = tpu.vector_load %arg7[%get3A_250, %get3A_251] {strides = array<i32>} : memref<256x128xf32, #tpu.memory_space<vmem>>, vector<1x16xf32>,
        %get3A_253 = vector.shape_cast %get3A_252 : vector<1x16xf32> to vector<16xf32>
        %add3A_254 = arith.addf %add3A_204, %get3A_253 : vector<16xf32>
        %add3A_255 = arith.addi %mul3A_124, %scan3A_212 : i32
        %get3A_256 = arith.index_cast %add3A_255 : i32 to index
        %get3A_257 = arith.constant 112 : index
        %get3A_258 = tpu.vector_load %arg7[%get3A_256, %get3A_257] {strides = array<i32>} : memref<256x128xf32, #tpu.memory_space<vmem>>, vector<1x16xf32>,
        %get3A_259 = vector.shape_cast %get3A_258 : vector<1x16xf32> to vector<16xf32>
        %add3A_260 = arith.addf %add3A_210, %get3A_259 : vector<16xf32>
        %scan3A_261 = arith.constant 26 : i32
        %scan3A_262 = arith.addi %scan3A_156, %scan3A_261 : i32
        %add3A_263 = arith.addi %mul3A_124, %scan3A_262 : i32
        %get3A_264 = arith.index_cast %add3A_263 : i32 to index
        %get3A_265 = arith.constant 0 : index
        %get3A_266 = tpu.vector_load %arg7[%get3A_264, %get3A_265] {strides = array<i32>} : memref<256x128xf32, #tpu.memory_space<vmem>>, vector<1x16xf32>,
        %get3A_267 = vector.shape_cast %get3A_266 : vector<1x16xf32> to vector<16xf32>
        %add3A_268 = arith.addf %add3A_218, %get3A_267 : vector<16xf32>
        %add3A_269 = arith.addi %mul3A_124, %scan3A_262 : i32
        %get3A_270 = arith.index_cast %add3A_269 : i32 to index
        %get3A_271 = arith.constant 16 : index
        %get3A_272 = tpu.vector_load %arg7[%get3A_270, %get3A_271] {strides = array<i32>} : memref<256x128xf32, #tpu.memory_space<vmem>>, vector<1x16xf32>,
        %get3A_273 = vector.shape_cast %get3A_272 : vector<1x16xf32> to vector<16xf32>
        %add3A_274 = arith.addf %add3A_224, %get3A_273 : vector<16xf32>
        %add3A_275 = arith.addi %mul3A_124, %scan3A_262 : i32
        %get3A_276 = arith.index_cast %add3A_275 : i32 to index
        %get3A_277 = arith.constant 32 : index
        %get3A_278 = tpu.vector_load %arg7[%get3A_276, %get3A_277] {strides = array<i32>} : memref<256x128xf32, #tpu.memory_space<vmem>>, vector<1x16xf32>,
        %get3A_279 = vector.shape_cast %get3A_278 : vector<1x16xf32> to vector<16xf32>
        %add3A_280 = arith.addf %add3A_230, %get3A_279 : vector<16xf32>
        %add3A_281 = arith.addi %mul3A_124, %scan3A_262 : i32
        %get3A_282 = arith.index_cast %add3A_281 : i32 to index
        %get3A_283 = arith.constant 48 : index
        %get3A_284 = tpu.vector_load %arg7[%get3A_282, %get3A_283] {strides = array<i32>} : memref<256x128xf32, #tpu.memory_space<vmem>>, vector<1x16xf32>,
        %get3A_285 = vector.shape_cast %get3A_284 : vector<1x16xf32> to vector<16xf32>
        %add3A_286 = arith.addf %add3A_236, %get3A_285 : vector<16xf32>
        %add3A_287 = arith.addi %mul3A_124, %scan3A_262 : i32
        %get3A_288 = arith.index_cast %add3A_287 : i32 to index
        %get3A_289 = arith.constant 64 : index
        %get3A_290 = tpu.vector_load %arg7[%get3A_288, %get3A_289] {strides = array<i32>} : memref<256x128xf32, #tpu.memory_space<vmem>>, vector<1x16xf32>,
        %get3A_291 = vector.shape_cast %get3A_290 : vector<1x16xf32> to vector<16xf32>
        %add3A_292 = arith.addf %add3A_242, %get3A_291 : vector<16xf32>
        %add3A_293 = arith.addi %mul3A_124, %scan3A_262 : i32
        %get3A_294 = arith.index_cast %add3A_293 : i32 to index
        %get3A_295 = arith.constant 80 : index
        %get3A_296 = tpu.vector_load %arg7[%get3A_294, %get3A_295] {strides = array<i32>} : memref<256x128xf32, #tpu.memory_space<vmem>>, vector<1x16xf32>,
        %get3A_297 = vector.shape_cast %get3A_296 : vector<1x16xf32> to vector<16xf32>
        %add3A_298 = arith.addf %add3A_248, %get3A_297 : vector<16xf32>
        %add3A_299 = arith.addi %mul3A_124, %scan3A_262 : i32
        %get3A_300 = arith.index_cast %add3A_299 : i32 to index
        %get3A_301 = arith.constant 96 : index
        %get3A_302 = tpu.vector_load %arg7[%get3A_300, %get3A_301] {strides = array<i32>} : memref<256x128xf32, #tpu.memory_space<vmem>>, vector<1x16xf32>,
        %get3A_303 = vector.shape_cast %get3A_302 : vector<1x16xf32> to vector<16xf32>
        %add3A_304 = arith.addf %add3A_254, %get3A_303 : vector<16xf32>
        %add3A_305 = arith.addi %mul3A_124, %scan3A_262 : i32
        %get3A_306 = arith.index_cast %add3A_305 : i32 to index
        %get3A_307 = arith.constant 112 : index
        %get3A_308 = tpu.vector_load %arg7[%get3A_306, %get3A_307] {strides = array<i32>} : memref<256x128xf32, #tpu.memory_space<vmem>>, vector<1x16xf32>,
        %get3A_309 = vector.shape_cast %get3A_308 : vector<1x16xf32> to vector<16xf32>
        %add3A_310 = arith.addf %add3A_260, %get3A_309 : vector<16xf32>
        %scan3A_311 = arith.constant 27 : i32
        %scan3A_312 = arith.addi %scan3A_156, %scan3A_311 : i32
        %add3A_313 = arith.addi %mul3A_124, %scan3A_312 : i32
        %get3A_314 = arith.index_cast %add3A_313 : i32 to index
        %get3A_315 = arith.constant 0 : index
        %get3A_316 = tpu.vector_load %arg7[%get3A_314, %get3A_315] {strides = array<i32>} : memref<256x128xf32, #tpu.memory_space<vmem>>, vector<1x16xf32>,
        %get3A_317 = vector.shape_cast %get3A_316 : vector<1x16xf32> to vector<16xf32>
        %add3A_318 = arith.addf %add3A_268, %get3A_317 : vector<16xf32>
        %add3A_319 = arith.addi %mul3A_124, %scan3A_312 : i32
        %get3A_320 = arith.index_cast %add3A_319 : i32 to index
        %get3A_321 = arith.constant 16 : index
        %get3A_322 = tpu.vector_load %arg7[%get3A_320, %get3A_321] {strides = array<i32>} : memref<256x128xf32, #tpu.memory_space<vmem>>, vector<1x16xf32>,
        %get3A_323 = vector.shape_cast %get3A_322 : vector<1x16xf32> to vector<16xf32>
        %add3A_324 = arith.addf %add3A_274, %get3A_323 : vector<16xf32>
        %add3A_325 = arith.addi %mul3A_124, %scan3A_312 : i32
        %get3A_326 = arith.index_cast %add3A_325 : i32 to index
        %get3A_327 = arith.constant 32 : index
        %get3A_328 = tpu.vector_load %arg7[%get3A_326, %get3A_327] {strides = array<i32>} : memref<256x128xf32, #tpu.memory_space<vmem>>, vector<1x16xf32>,
        %get3A_329 = vector.shape_cast %get3A_328 : vector<1x16xf32> to vector<16xf32>
        %add3A_330 = arith.addf %add3A_280, %get3A_329 : vector<16xf32>
        %add3A_331 = arith.addi %mul3A_124, %scan3A_312 : i32
        %get3A_332 = arith.index_cast %add3A_331 : i32 to index
        %get3A_333 = arith.constant 48 : index
        %get3A_334 = tpu.vector_load %arg7[%get3A_332, %get3A_333] {strides = array<i32>} : memref<256x128xf32, #tpu.memory_space<vmem>>, vector<1x16xf32>,
        %get3A_335 = vector.shape_cast %get3A_334 : vector<1x16xf32> to vector<16xf32>
        %add3A_336 = arith.addf %add3A_286, %get3A_335 : vector<16xf32>
        %add3A_337 = arith.addi %mul3A_124, %scan3A_312 : i32
        %get3A_338 = arith.index_cast %add3A_337 : i32 to index
        %get3A_339 = arith.constant 64 : index
        %get3A_340 = tpu.vector_load %arg7[%get3A_338, %get3A_339] {strides = array<i32>} : memref<256x128xf32, #tpu.memory_space<vmem>>, vector<1x16xf32>,
        %get3A_341 = vector.shape_cast %get3A_340 : vector<1x16xf32> to vector<16xf32>
        %add3A_342 = arith.addf %add3A_292, %get3A_341 : vector<16xf32>
        %add3A_343 = arith.addi %mul3A_124, %scan3A_312 : i32
        %get3A_344 = arith.index_cast %add3A_343 : i32 to index
        %get3A_345 = arith.constant 80 : index
        %get3A_346 = tpu.vector_load %arg7[%get3A_344, %get3A_345] {strides = array<i32>} : memref<256x128xf32, #tpu.memory_space<vmem>>, vector<1x16xf32>,
        %get3A_347 = vector.shape_cast %get3A_346 : vector<1x16xf32> to vector<16xf32>
        %add3A_348 = arith.addf %add3A_298, %get3A_347 : vector<16xf32>
        %add3A_349 = arith.addi %mul3A_124, %scan3A_312 : i32
        %get3A_350 = arith.index_cast %add3A_349 : i32 to index
        %get3A_351 = arith.constant 96 : index
        %get3A_352 = tpu.vector_load %arg7[%get3A_350, %get3A_351] {strides = array<i32>} : memref<256x128xf32, #tpu.memory_space<vmem>>, vector<1x16xf32>,
        %get3A_353 = vector.shape_cast %get3A_352 : vector<1x16xf32> to vector<16xf32>
        %add3A_354 = arith.addf %add3A_304, %get3A_353 : vector<16xf32>
        %add3A_355 = arith.addi %mul3A_124, %scan3A_312 : i32
        %get3A_356 = arith.index_cast %add3A_355 : i32 to index
        %get3A_357 = arith.constant 112 : index
        %get3A_358 = tpu.vector_load %arg7[%get3A_356, %get3A_357] {strides = array<i32>} : memref<256x128xf32, #tpu.memory_space<vmem>>, vector<1x16xf32>,
        %get3A_359 = vector.shape_cast %get3A_358 : vector<1x16xf32> to vector<16xf32>
        %add3A_360 = arith.addf %add3A_310, %get3A_359 : vector<16xf32>
        %scan3A_361 = arith.constant 28 : i32
        %scan3A_362 = arith.addi %scan3A_156, %scan3A_361 : i32
        %add3A_363 = arith.addi %mul3A_124, %scan3A_362 : i32
        %get3A_364 = arith.index_cast %add3A_363 : i32 to index
        %get3A_365 = arith.constant 0 : index
        %get3A_366 = tpu.vector_load %arg7[%get3A_364, %get3A_365] {strides = array<i32>} : memref<256x128xf32, #tpu.memory_space<vmem>>, vector<1x16xf32>,
        %get3A_367 = vector.shape_cast %get3A_366 : vector<1x16xf32> to vector<16xf32>
        %add3A_368 = arith.addf %add3A_318, %get3A_367 : vector<16xf32>
        %add3A_369 = arith.addi %mul3A_124, %scan3A_362 : i32
        %get3A_370 = arith.index_cast %add3A_369 : i32 to index
        %get3A_371 = arith.constant 16 : index
        %get3A_372 = tpu.vector_load %arg7[%get3A_370, %get3A_371] {strides = array<i32>} : memref<256x128xf32, #tpu.memory_space<vmem>>, vector<1x16xf32>,
        %get3A_373 = vector.shape_cast %get3A_372 : vector<1x16xf32> to vector<16xf32>
        %add3A_374 = arith.addf %add3A_324, %get3A_373 : vector<16xf32>
        %add3A_375 = arith.addi %mul3A_124, %scan3A_362 : i32
        %get3A_376 = arith.index_cast %add3A_375 : i32 to index
        %get3A_377 = arith.constant 32 : index
        %get3A_378 = tpu.vector_load %arg7[%get3A_376, %get3A_377] {strides = array<i32>} : memref<256x128xf32, #tpu.memory_space<vmem>>, vector<1x16xf32>,
        %get3A_379 = vector.shape_cast %get3A_378 : vector<1x16xf32> to vector<16xf32>
        %add3A_380 = arith.addf %add3A_330, %get3A_379 : vector<16xf32>
        %add3A_381 = arith.addi %mul3A_124, %scan3A_362 : i32
        %get3A_382 = arith.index_cast %add3A_381 : i32 to index
        %get3A_383 = arith.constant 48 : index
        %get3A_384 = tpu.vector_load %arg7[%get3A_382, %get3A_383] {strides = array<i32>} : memref<256x128xf32, #tpu.memory_space<vmem>>, vector<1x16xf32>,
        %get3A_385 = vector.shape_cast %get3A_384 : vector<1x16xf32> to vector<16xf32>
        %add3A_386 = arith.addf %add3A_336, %get3A_385 : vector<16xf32>
        %add3A_387 = arith.addi %mul3A_124, %scan3A_362 : i32
        %get3A_388 = arith.index_cast %add3A_387 : i32 to index
        %get3A_389 = arith.constant 64 : index
        %get3A_390 = tpu.vector_load %arg7[%get3A_388, %get3A_389] {strides = array<i32>} : memref<256x128xf32, #tpu.memory_space<vmem>>, vector<1x16xf32>,
        %get3A_391 = vector.shape_cast %get3A_390 : vector<1x16xf32> to vector<16xf32>
        %add3A_392 = arith.addf %add3A_342, %get3A_391 : vector<16xf32>
        %add3A_393 = arith.addi %mul3A_124, %scan3A_362 : i32
        %get3A_394 = arith.index_cast %add3A_393 : i32 to index
        %get3A_395 = arith.constant 80 : index
        %get3A_396 = tpu.vector_load %arg7[%get3A_394, %get3A_395] {strides = array<i32>} : memref<256x128xf32, #tpu.memory_space<vmem>>, vector<1x16xf32>,
        %get3A_397 = vector.shape_cast %get3A_396 : vector<1x16xf32> to vector<16xf32>
        %add3A_398 = arith.addf %add3A_348, %get3A_397 : vector<16xf32>
        %add3A_399 = arith.addi %mul3A_124, %scan3A_362 : i32
        %get3A_400 = arith.index_cast %add3A_399 : i32 to index
        %get3A_401 = arith.constant 96 : index
        %get3A_402 = tpu.vector_load %arg7[%get3A_400, %get3A_401] {strides = array<i32>} : memref<256x128xf32, #tpu.memory_space<vmem>>, vector<1x16xf32>,
        %get3A_403 = vector.shape_cast %get3A_402 : vector<1x16xf32> to vector<16xf32>
        %add3A_404 = arith.addf %add3A_354, %get3A_403 : vector<16xf32>
        %add3A_405 = arith.addi %mul3A_124, %scan3A_362 : i32
        %get3A_406 = arith.index_cast %add3A_405 : i32 to index
        %get3A_407 = arith.constant 112 : index
        %get3A_408 = tpu.vector_load %arg7[%get3A_406, %get3A_407] {strides = array<i32>} : memref<256x128xf32, #tpu.memory_space<vmem>>, vector<1x16xf32>,
        %get3A_409 = vector.shape_cast %get3A_408 : vector<1x16xf32> to vector<16xf32>
        %add3A_410 = arith.addf %add3A_360, %get3A_409 : vector<16xf32>
        %scan3A_411 = arith.constant 29 : i32
        %scan3A_412 = arith.addi %scan3A_156, %scan3A_411 : i32
        %add3A_413 = arith.addi %mul3A_124, %scan3A_412 : i32
        %get3A_414 = arith.index_cast %add3A_413 : i32 to index
        %get3A_415 = arith.constant 0 : index
        %get3A_416 = tpu.vector_load %arg7[%get3A_414, %get3A_415] {strides = array<i32>} : memref<256x128xf32, #tpu.memory_space<vmem>>, vector<1x16xf32>,
        %get3A_417 = vector.shape_cast %get3A_416 : vector<1x16xf32> to vector<16xf32>
        %add3A_418 = arith.addf %add3A_368, %get3A_417 : vector<16xf32>
        %add3A_419 = arith.addi %mul3A_124, %scan3A_412 : i32
        %get3A_420 = arith.index_cast %add3A_419 : i32 to index
        %get3A_421 = arith.constant 16 : index
        %get3A_422 = tpu.vector_load %arg7[%get3A_420, %get3A_421] {strides = array<i32>} : memref<256x128xf32, #tpu.memory_space<vmem>>, vector<1x16xf32>,
        %get3A_423 = vector.shape_cast %get3A_422 : vector<1x16xf32> to vector<16xf32>
        %add3A_424 = arith.addf %add3A_374, %get3A_423 : vector<16xf32>
        %add3A_425 = arith.addi %mul3A_124, %scan3A_412 : i32
        %get3A_426 = arith.index_cast %add3A_425 : i32 to index
        %get3A_427 = arith.constant 32 : index
        %get3A_428 = tpu.vector_load %arg7[%get3A_426, %get3A_427] {strides = array<i32>} : memref<256x128xf32, #tpu.memory_space<vmem>>, vector<1x16xf32>,
        %get3A_429 = vector.shape_cast %get3A_428 : vector<1x16xf32> to vector<16xf32>
        %add3A_430 = arith.addf %add3A_380, %get3A_429 : vector<16xf32>
        %add3A_431 = arith.addi %mul3A_124, %scan3A_412 : i32
        %get3A_432 = arith.index_cast %add3A_431 : i32 to index
        %get3A_433 = arith.constant 48 : index
        %get3A_434 = tpu.vector_load %arg7[%get3A_432, %get3A_433] {strides = array<i32>} : memref<256x128xf32, #tpu.memory_space<vmem>>, vector<1x16xf32>,
        %get3A_435 = vector.shape_cast %get3A_434 : vector<1x16xf32> to vector<16xf32>
        %add3A_436 = arith.addf %add3A_386, %get3A_435 : vector<16xf32>
        %add3A_437 = arith.addi %mul3A_124, %scan3A_412 : i32
        %get3A_438 = arith.index_cast %add3A_437 : i32 to index
        %get3A_439 = arith.constant 64 : index
        %get3A_440 = tpu.vector_load %arg7[%get3A_438, %get3A_439] {strides = array<i32>} : memref<256x128xf32, #tpu.memory_space<vmem>>, vector<1x16xf32>,
        %get3A_441 = vector.shape_cast %get3A_440 : vector<1x16xf32> to vector<16xf32>
        %add3A_442 = arith.addf %add3A_392, %get3A_441 : vector<16xf32>
        %add3A_443 = arith.addi %mul3A_124, %scan3A_412 : i32
        %get3A_444 = arith.index_cast %add3A_443 : i32 to index
        %get3A_445 = arith.constant 80 : index
        %get3A_446 = tpu.vector_load %arg7[%get3A_444, %get3A_445] {strides = array<i32>} : memref<256x128xf32, #tpu.memory_space<vmem>>, vector<1x16xf32>,
        %get3A_447 = vector.shape_cast %get3A_446 : vector<1x16xf32> to vector<16xf32>
        %add3A_448 = arith.addf %add3A_398, %get3A_447 : vector<16xf32>
        %add3A_449 = arith.addi %mul3A_124, %scan3A_412 : i32
        %get3A_450 = arith.index_cast %add3A_449 : i32 to index
        %get3A_451 = arith.constant 96 : index
        %get3A_452 = tpu.vector_load %arg7[%get3A_450, %get3A_451] {strides = array<i32>} : memref<256x128xf32, #tpu.memory_space<vmem>>, vector<1x16xf32>,
        %get3A_453 = vector.shape_cast %get3A_452 : vector<1x16xf32> to vector<16xf32>
        %add3A_454 = arith.addf %add3A_404, %get3A_453 : vector<16xf32>
        %add3A_455 = arith.addi %mul3A_124, %scan3A_412 : i32
        %get3A_456 = arith.index_cast %add3A_455 : i32 to index
        %get3A_457 = arith.constant 112 : index
        %get3A_458 = tpu.vector_load %arg7[%get3A_456, %get3A_457] {strides = array<i32>} : memref<256x128xf32, #tpu.memory_space<vmem>>, vector<1x16xf32>,
        %get3A_459 = vector.shape_cast %get3A_458 : vector<1x16xf32> to vector<16xf32>
        %add3A_460 = arith.addf %add3A_410, %get3A_459 : vector<16xf32>
        %scan3A_461 = arith.constant 30 : i32
        %scan3A_462 = arith.addi %scan3A_156, %scan3A_461 : i32
        %add3A_463 = arith.addi %mul3A_124, %scan3A_462 : i32
        %get3A_464 = arith.index_cast %add3A_463 : i32 to index
        %get3A_465 = arith.constant 0 : index
        %get3A_466 = tpu.vector_load %arg7[%get3A_464, %get3A_465] {strides = array<i32>} : memref<256x128xf32, #tpu.memory_space<vmem>>, vector<1x16xf32>,
        %get3A_467 = vector.shape_cast %get3A_466 : vector<1x16xf32> to vector<16xf32>
        %add3A_468 = arith.addf %add3A_418, %get3A_467 : vector<16xf32>
        %add3A_469 = arith.addi %mul3A_124, %scan3A_462 : i32
        %get3A_470 = arith.index_cast %add3A_469 : i32 to index
        %get3A_471 = arith.constant 16 : index
        %get3A_472 = tpu.vector_load %arg7[%get3A_470, %get3A_471] {strides = array<i32>} : memref<256x128xf32, #tpu.memory_space<vmem>>, vector<1x16xf32>,
        %get3A_473 = vector.shape_cast %get3A_472 : vector<1x16xf32> to vector<16xf32>
        %add3A_474 = arith.addf %add3A_424, %get3A_473 : vector<16xf32>
        %add3A_475 = arith.addi %mul3A_124, %scan3A_462 : i32
        %get3A_476 = arith.index_cast %add3A_475 : i32 to index
        %get3A_477 = arith.constant 32 : index
        %get3A_478 = tpu.vector_load %arg7[%get3A_476, %get3A_477] {strides = array<i32>} : memref<256x128xf32, #tpu.memory_space<vmem>>, vector<1x16xf32>,
        %get3A_479 = vector.shape_cast %get3A_478 : vector<1x16xf32> to vector<16xf32>
        %add3A_480 = arith.addf %add3A_430, %get3A_479 : vector<16xf32>
        %add3A_481 = arith.addi %mul3A_124, %scan3A_462 : i32
        %get3A_482 = arith.index_cast %add3A_481 : i32 to index
        %get3A_483 = arith.constant 48 : index
        %get3A_484 = tpu.vector_load %arg7[%get3A_482, %get3A_483] {strides = array<i32>} : memref<256x128xf32, #tpu.memory_space<vmem>>, vector<1x16xf32>,
        %get3A_485 = vector.shape_cast %get3A_484 : vector<1x16xf32> to vector<16xf32>
        %add3A_486 = arith.addf %add3A_436, %get3A_485 : vector<16xf32>
        %add3A_487 = arith.addi %mul3A_124, %scan3A_462 : i32
        %get3A_488 = arith.index_cast %add3A_487 : i32 to index
        %get3A_489 = arith.constant 64 : index
        %get3A_490 = tpu.vector_load %arg7[%get3A_488, %get3A_489] {strides = array<i32>} : memref<256x128xf32, #tpu.memory_space<vmem>>, vector<1x16xf32>,
        %get3A_491 = vector.shape_cast %get3A_490 : vector<1x16xf32> to vector<16xf32>
        %add3A_492 = arith.addf %add3A_442, %get3A_491 : vector<16xf32>
        %add3A_493 = arith.addi %mul3A_124, %scan3A_462 : i32
        %get3A_494 = arith.index_cast %add3A_493 : i32 to index
        %get3A_495 = arith.constant 80 : index
        %get3A_496 = tpu.vector_load %arg7[%get3A_494, %get3A_495] {strides = array<i32>} : memref<256x128xf32, #tpu.memory_space<vmem>>, vector<1x16xf32>,
        %get3A_497 = vector.shape_cast %get3A_496 : vector<1x16xf32> to vector<16xf32>
        %add3A_498 = arith.addf %add3A_448, %get3A_497 : vector<16xf32>
        %add3A_499 = arith.addi %mul3A_124, %scan3A_462 : i32
        %get3A_500 = arith.index_cast %add3A_499 : i32 to index
        %get3A_501 = arith.constant 96 : index
        %get3A_502 = tpu.vector_load %arg7[%get3A_500, %get3A_501] {strides = array<i32>} : memref<256x128xf32, #tpu.memory_space<vmem>>, vector<1x16xf32>,
        %get3A_503 = vector.shape_cast %get3A_502 : vector<1x16xf32> to vector<16xf32>
        %add3A_504 = arith.addf %add3A_454, %get3A_503 : vector<16xf32>
        %add3A_505 = arith.addi %mul3A_124, %scan3A_462 : i32
        %get3A_506 = arith.index_cast %add3A_505 : i32 to index
        %get3A_507 = arith.constant 112 : index
        %get3A_508 = tpu.vector_load %arg7[%get3A_506, %get3A_507] {strides = array<i32>} : memref<256x128xf32, #tpu.memory_space<vmem>>, vector<1x16xf32>,
        %get3A_509 = vector.shape_cast %get3A_508 : vector<1x16xf32> to vector<16xf32>
        %add3A_510 = arith.addf %add3A_460, %get3A_509 : vector<16xf32>
        %scan3A_511 = arith.constant 31 : i32
        %swap3A = arith.index_cast %scan3A_121 : i32 to index
        %swap3A_512 = arith.constant 0 : index
        %swap3A_513 = tpu.vector_load %arg9[%swap3A, %swap3A_512] {strides = array<i32>} : memref<8x128xf32, #tpu.memory_space<vmem>>, vector<1x16xf32>,
        %swap3A_514 = vector.shape_cast %swap3A_513 : vector<1x16xf32> to vector<16xf32>
        %swap3A_515 = vector.shape_cast %add3A_468 : vector<16xf32> to vector<1x16xf32>
        tpu.vector_store %arg9[%swap3A, %swap3A_512], %swap3A_515 {strides = array<i32>} : memref<8x128xf32, #tpu.memory_space<vmem>>, vector<1x16xf32>,
        %swap3A_516 = arith.index_cast %scan3A_121 : i32 to index
        %swap3A_517 = arith.constant 16 : index
        %swap3A_518 = tpu.vector_load %arg9[%swap3A_516, %swap3A_517] {strides = array<i32>} : memref<8x128xf32, #tpu.memory_space<vmem>>, vector<1x16xf32>,
        %swap3A_519 = vector.shape_cast %swap3A_518 : vector<1x16xf32> to vector<16xf32>
        %swap3A_520 = vector.shape_cast %add3A_474 : vector<16xf32> to vector<1x16xf32>
        tpu.vector_store %arg9[%swap3A_516, %swap3A_517], %swap3A_520 {strides = array<i32>} : memref<8x128xf32, #tpu.memory_space<vmem>>, vector<1x16xf32>,
        %swap3A_521 = arith.index_cast %scan3A_121 : i32 to index
        %swap3A_522 = arith.constant 32 : index
        %swap3A_523 = tpu.vector_load %arg9[%swap3A_521, %swap3A_522] {strides = array<i32>} : memref<8x128xf32, #tpu.memory_space<vmem>>, vector<1x16xf32>,
        %swap3A_524 = vector.shape_cast %swap3A_523 : vector<1x16xf32> to vector<16xf32>
        %swap3A_525 = vector.shape_cast %add3A_480 : vector<16xf32> to vector<1x16xf32>
        tpu.vector_store %arg9[%swap3A_521, %swap3A_522], %swap3A_525 {strides = array<i32>} : memref<8x128xf32, #tpu.memory_space<vmem>>, vector<1x16xf32>,
        %swap3A_526 = arith.index_cast %scan3A_121 : i32 to index
        %swap3A_527 = arith.constant 48 : index
        %swap3A_528 = tpu.vector_load %arg9[%swap3A_526, %swap3A_527] {strides = array<i32>} : memref<8x128xf32, #tpu.memory_space<vmem>>, vector<1x16xf32>,
        %swap3A_529 = vector.shape_cast %swap3A_528 : vector<1x16xf32> to vector<16xf32>
        %swap3A_530 = vector.shape_cast %add3A_486 : vector<16xf32> to vector<1x16xf32>
        tpu.vector_store %arg9[%swap3A_526, %swap3A_527], %swap3A_530 {strides = array<i32>} : memref<8x128xf32, #tpu.memory_space<vmem>>, vector<1x16xf32>,
        %swap3A_531 = arith.index_cast %scan3A_121 : i32 to index
        %swap3A_532 = arith.constant 64 : index
        %swap3A_533 = tpu.vector_load %arg9[%swap3A_531, %swap3A_532] {strides = array<i32>} : memref<8x128xf32, #tpu.memory_space<vmem>>, vector<1x16xf32>,
        %swap3A_534 = vector.shape_cast %swap3A_533 : vector<1x16xf32> to vector<16xf32>
        %swap3A_535 = vector.shape_cast %add3A_492 : vector<16xf32> to vector<1x16xf32>
        tpu.vector_store %arg9[%swap3A_531, %swap3A_532], %swap3A_535 {strides = array<i32>} : memref<8x128xf32, #tpu.memory_space<vmem>>, vector<1x16xf32>,
        %swap3A_536 = arith.index_cast %scan3A_121 : i32 to index
        %swap3A_537 = arith.constant 80 : index
        %swap3A_538 = tpu.vector_load %arg9[%swap3A_536, %swap3A_537] {strides = array<i32>} : memref<8x128xf32, #tpu.memory_space<vmem>>, vector<1x16xf32>,
        %swap3A_539 = vector.shape_cast %swap3A_538 : vector<1x16xf32> to vector<16xf32>
        %swap3A_540 = vector.shape_cast %add3A_498 : vector<16xf32> to vector<1x16xf32>
        tpu.vector_store %arg9[%swap3A_536, %swap3A_537], %swap3A_540 {strides = array<i32>} : memref<8x128xf32, #tpu.memory_space<vmem>>, vector<1x16xf32>,
        %swap3A_541 = arith.index_cast %scan3A_121 : i32 to index
        %swap3A_542 = arith.constant 96 : index
        %swap3A_543 = tpu.vector_load %arg9[%swap3A_541, %swap3A_542] {strides = array<i32>} : memref<8x128xf32, #tpu.memory_space<vmem>>, vector<1x16xf32>,
        %swap3A_544 = vector.shape_cast %swap3A_543 : vector<1x16xf32> to vector<16xf32>
        %swap3A_545 = vector.shape_cast %add3A_504 : vector<16xf32> to vector<1x16xf32>
        tpu.vector_store %arg9[%swap3A_541, %swap3A_542], %swap3A_545 {strides = array<i32>} : memref<8x128xf32, #tpu.memory_space<vmem>>, vector<1x16xf32>,
        %swap3A_546 = arith.index_cast %scan3A_121 : i32 to index
        %swap3A_547 = arith.constant 112 : index
        %swap3A_548 = tpu.vector_load %arg9[%swap3A_546, %swap3A_547] {strides = array<i32>} : memref<8x128xf32, #tpu.memory_space<vmem>>, vector<1x16xf32>,
        %swap3A_549 = vector.shape_cast %swap3A_548 : vector<1x16xf32> to vector<16xf32>
        %swap3A_550 = vector.shape_cast %add3A_510 : vector<16xf32> to vector<1x16xf32>
        tpu.vector_store %arg9[%swap3A_546, %swap3A_547], %swap3A_550 {strides = array<i32>} : memref<8x128xf32, #tpu.memory_space<vmem>>, vector<1x16xf32>,
        %scan3A_551 = arith.constant 0 : i32
        scf.yield %scan3A_551 : i32
      }
      %scan3A_104 = arith.constant 8 : i32
      %mul3A_105 = arith.constant 32 : i32
      %mul3A_106 = arith.muli %add3A_77, %mul3A_105 : i32
      %add3A_107 = arith.addi %add3A, %mul3A_106 : i32
      %min3A_108 = arith.constant 399 : i32
      %min3A_109 = arith.minsi %add3A_107, %min3A_108 : i32
      %lt3A_110 = arith.constant 200 : i32
      %lt3A_111 = arith.cmpi slt, %min3A_109, %lt3A_110 : i32
      %convert_element_type3A_112 = arith.extui %lt3A_111 : i1 to i32
      %cond3A_113 = arith.constant 0 : i32
      %cond3A_114 = arith.cmpi ne, %convert_element_type3A_112, %cond3A_113 : i32
      scf.if %cond3A_114 {
        %mul3A_121 = arith.constant 8 : i32
        %mul3A_122 = arith.muli %min3A_109, %mul3A_121 : i32
        %dma_start3A = arith.constant 0 : i32
        %dma_start3A_123 = tpu.memref_slice %arg4[%mul3A_122, %dma_start3A] : memref<1600x128xf32, #tpu.memory_space<hbm>> -> memref<8x128xf32, #tpu.memory_space<hbm>>
        %dma_start3A_124 = arith.constant 0 : i32
        %dma_start3A_125 = tpu.memref_slice %arg4[%mul3A_122, %dma_start3A_124] : memref<1600x128xf32, #tpu.memory_space<hbm>> -> memref<8x128xf32, #tpu.memory_space<hbm>>
        tpu.enqueue_dma source(%arg9 : memref<8x128xf32, #tpu.memory_space<vmem>>) target(%dma_start3A_125 : memref<8x128xf32, #tpu.memory_space<hbm>>) target_semaphore(%arg13 : memref<!tpu.dma_semaphore, #tpu.memory_space<semaphore_mem>>)
      } else {
      }
      %ge3A_115 = arith.constant 200 : i32
      %ge3A_116 = arith.cmpi sge, %min3A_109, %ge3A_115 : i32
      %convert_element_type3A_117 = arith.extui %ge3A_116 : i1 to i32
      %cond3A_118 = arith.constant 0 : i32
      %cond3A_119 = arith.cmpi ne, %convert_element_type3A_117, %cond3A_118 : i32
      scf.if %cond3A_119 {
        %sub3A_121 = arith.constant 200 : i32
        %sub3A_122 = arith.subi %min3A_109, %sub3A_121 : i32
        %mul3A_123 = arith.constant 8 : i32
        %mul3A_124 = arith.muli %sub3A_122, %mul3A_123 : i32
        %dma_start3A = arith.constant 0 : i32
        %dma_start3A_125 = tpu.memref_slice %arg5[%mul3A_124, %dma_start3A] : memref<1600x128xf32, #tpu.memory_space<hbm>> -> memref<8x128xf32, #tpu.memory_space<hbm>>
        %dma_start3A_126 = arith.constant 0 : i32
        %dma_start3A_127 = tpu.memref_slice %arg5[%mul3A_124, %dma_start3A_126] : memref<1600x128xf32, #tpu.memory_space<hbm>> -> memref<8x128xf32, #tpu.memory_space<hbm>>
        tpu.enqueue_dma source(%arg9 : memref<8x128xf32, #tpu.memory_space<vmem>>) target(%dma_start3A_127 : memref<8x128xf32, #tpu.memory_space<hbm>>) target_semaphore(%arg13 : memref<!tpu.dma_semaphore, #tpu.memory_space<semaphore_mem>>)
      } else {
      }
      %scan3A_120 = arith.constant 0 : i32
      scf.yield %scan3A_120 : i32
    }
    %scan3A_15 = arith.constant 7 : i32
    %dma_wait3A = arith.constant 0 : i32
    %dma_wait3A_16 = arith.constant 0 : i32
    %dma_wait3A_17 = tpu.memref_slice %arg4[%dma_wait3A, %dma_wait3A_16] : memref<1600x128xf32, #tpu.memory_space<hbm>> -> memref<8x128xf32, #tpu.memory_space<hbm>>
    %dma_wait3A_18 = arith.constant 0 : i32
    %dma_wait3A_19 = arith.constant 0 : i32
    %dma_wait3A_20 = tpu.memref_slice %arg4[%dma_wait3A_18, %dma_wait3A_19] : memref<1600x128xf32, #tpu.memory_space<hbm>> -> memref<8x128xf32, #tpu.memory_space<hbm>>
    tpu.wait_dma2 semaphore(%arg12 : memref<!tpu.dma_semaphore, #tpu.memory_space<semaphore_mem>>) src(%arg8 : memref<8x128xf32, #tpu.memory_space<vmem>>) dst(%dma_wait3A_20 : memref<8x128xf32, #tpu.memory_space<hbm>>)
    %dma_wait3A_21 = arith.constant 0 : i32
    %dma_wait3A_22 = arith.constant 0 : i32
    %dma_wait3A_23 = tpu.memref_slice %arg4[%dma_wait3A_21, %dma_wait3A_22] : memref<1600x128xf32, #tpu.memory_space<hbm>> -> memref<8x128xf32, #tpu.memory_space<hbm>>
    %dma_wait3A_24 = arith.constant 0 : i32
    %dma_wait3A_25 = arith.constant 0 : i32
    %dma_wait3A_26 = tpu.memref_slice %arg4[%dma_wait3A_24, %dma_wait3A_25] : memref<1600x128xf32, #tpu.memory_space<hbm>> -> memref<8x128xf32, #tpu.memory_space<hbm>>
    tpu.wait_dma2 semaphore(%arg13 : memref<!tpu.dma_semaphore, #tpu.memory_space<semaphore_mem>>) src(%arg9 : memref<8x128xf32, #tpu.memory_space<vmem>>) dst(%dma_wait3A_26 : memref<8x128xf32, #tpu.memory_space<hbm>>)
    return
  }
}

module attributes {stable_mosaic.version = 14 : i64} {
  func.func @_tc_fused_body(%arg0: i32, %arg1: memref<400x128xf32, #tpu.memory_space<vmem>>, %arg2: memref<12800x128xf32, #tpu.memory_space<vmem>>, %arg3: memref<400x128xf32, #tpu.memory_space<vmem>>, %arg4: memref<12800x128xf32, #tpu.memory_space<vmem>>, %arg5: memref<256x128xf32, #tpu.memory_space<vmem>>, %arg6: memref<400x128xf32, #tpu.memory_space<vmem>>, %arg7: memref<400x128xf32, #tpu.memory_space<vmem>>) attributes {dimension_semantics = [#tpu.dimension_semantics<arbitrary>], iteration_bounds = array<i64: 21>, scalar_prefetch = 0 : i64, scratch_operands = 0 : i64, tpu.core_type = #tpu.core_type<tc>, window_params = [{transform_indices = @transform_0, window_bounds = array<i64: 400, 128>}, {transform_indices = @transform_1, window_bounds = array<i64: 12800, 128>}, {transform_indices = @transform_2, window_bounds = array<i64: 400, 128>}, {transform_indices = @transform_3, window_bounds = array<i64: 12800, 128>}, {pipeline_mode = #tpu.pipeline_mode<synchronous>, transform_indices = @transform_4, window_bounds = array<i64: 256, 128>}, {transform_indices = @transform_5, window_bounds = array<i64: 400, 128>}, {transform_indices = @transform_6, window_bounds = array<i64: 400, 128>}]} {
    %get3A = arith.constant 0 : index
    %get3A_0 = arith.constant 0 : index
    %get3A_1 = vector.load %arg5[%get3A, %get3A_0] : memref<256x128xf32, #tpu.memory_space<vmem>>, vector<256x128xf32>
    %get3A_2 = arith.constant 0 : index
    %get3A_3 = arith.constant 0 : index
    %get3A_4 = vector.load %arg2[%get3A_2, %get3A_3] : memref<12800x128xf32, #tpu.memory_space<vmem>>, vector<12800x128xf32>
    %reshape3A = vector.shape_cast %get3A_4 : vector<12800x128xf32> to vector<400x32x128xf32>
    %reduce_sum3A = arith.constant dense<0.000000e+00> : vector<400x128xf32>
    %reduce_sum3A_5 = vector.multi_reduction <add>, %reshape3A, %reduce_sum3A [1] : vector<400x32x128xf32> to vector<400x128xf32>
    %div3A = arith.constant 3.200000e+01 : f32
    %div3A_6 = vector.broadcast %div3A : f32 to vector<400x128xf32>
    %div3A_7 = arith.divf %reduce_sum3A_5, %div3A_6 : vector<400x128xf32>
    %get3A_8 = arith.constant 0 : index
    %get3A_9 = arith.constant 0 : index
    %get3A_10 = vector.load %arg4[%get3A_8, %get3A_9] : memref<12800x128xf32, #tpu.memory_space<vmem>>, vector<12800x128xf32>
    %reshape3A_11 = vector.shape_cast %get3A_10 : vector<12800x128xf32> to vector<400x32x128xf32>
    %reduce_sum3A_12 = arith.constant dense<0.000000e+00> : vector<400x128xf32>
    %reduce_sum3A_13 = vector.multi_reduction <add>, %reshape3A_11, %reduce_sum3A_12 [1] : vector<400x32x128xf32> to vector<400x128xf32>
    %div3A_14 = arith.constant 3.200000e+01 : f32
    %div3A_15 = vector.broadcast %div3A_14 : f32 to vector<400x128xf32>
    %div3A_16 = arith.divf %reduce_sum3A_13, %div3A_15 : vector<400x128xf32>
    %get3A_17 = arith.constant 0 : index
    %get3A_18 = arith.constant 0 : index
    %get3A_19 = vector.load %arg1[%get3A_17, %get3A_18] : memref<400x128xf32, #tpu.memory_space<vmem>>, vector<400x128xf32>
    %concatenate3A = tpu.concatenate %get3A_19, %div3A_7 in 1 : vector<400x128xf32>, vector<400x128xf32> -> vector<400x256xf32>
    %get3A_20 = arith.constant 0 : index
    %get3A_21 = arith.constant 0 : index
    %get3A_22 = vector.load %arg3[%get3A_20, %get3A_21] : memref<400x128xf32, #tpu.memory_space<vmem>>, vector<400x128xf32>
    %concatenate3A_23 = tpu.concatenate %get3A_22, %div3A_16 in 1 : vector<400x128xf32>, vector<400x128xf32> -> vector<400x256xf32>
    %dot_general3A = arith.constant dense<0.000000e+00> : vector<400x128xf32>
    %dot_general3A_24 = tpu.matmul %concatenate3A, %get3A_1, %dot_general3A {dimension_numbers = #tpu.dot_dimension_numbers<[1], [0], [0], [1], [0, 0, 1, 1], [], []>, transpose_lhs_hint = false} : vector<400x256xf32>, vector<256x128xf32>, vector<400x128xf32> -> vector<400x128xf32>
    %max3A = arith.constant 0.000000e+00 : f32
    %max3A_25 = vector.broadcast %max3A : f32 to vector<400x128xf32>
    %max3A_26 = arith.maximumf %dot_general3A_24, %max3A_25 : vector<400x128xf32>
    %swap3A = arith.constant 0 : index
    %swap3A_27 = arith.constant 0 : index
    %swap3A_28 = vector.load %arg6[%swap3A, %swap3A_27] : memref<400x128xf32, #tpu.memory_space<vmem>>, vector<400x128xf32>
    tpu.vector_store %arg6[%swap3A, %swap3A_27], %max3A_26 {strides = array<i32>} : memref<400x128xf32, #tpu.memory_space<vmem>>, vector<400x128xf32>,
    %dot_general3A_29 = arith.constant dense<0.000000e+00> : vector<400x128xf32>
    %dot_general3A_30 = tpu.matmul %concatenate3A_23, %get3A_1, %dot_general3A_29 {dimension_numbers = #tpu.dot_dimension_numbers<[1], [0], [0], [1], [0, 0, 1, 1], [], []>, transpose_lhs_hint = false} : vector<400x256xf32>, vector<256x128xf32>, vector<400x128xf32> -> vector<400x128xf32>
    %max3A_31 = arith.constant 0.000000e+00 : f32
    %max3A_32 = vector.broadcast %max3A_31 : f32 to vector<400x128xf32>
    %max3A_33 = arith.maximumf %dot_general3A_30, %max3A_32 : vector<400x128xf32>
    %swap3A_34 = arith.constant 0 : index
    %swap3A_35 = arith.constant 0 : index
    %swap3A_36 = vector.load %arg7[%swap3A_34, %swap3A_35] : memref<400x128xf32, #tpu.memory_space<vmem>>, vector<400x128xf32>
    tpu.vector_store %arg7[%swap3A_34, %swap3A_35], %max3A_33 {strides = array<i32>} : memref<400x128xf32, #tpu.memory_space<vmem>>, vector<400x128xf32>,
    return
  }
  func.func @transform_0(%arg0: i32) -> (i32, i32) {
    %add3A = arith.constant 4 : i32
    %add3A_0 = arith.addi %add3A, %arg0 : i32
    %c0_i32 = arith.constant 0 : i32
    %c0_i32_1 = arith.constant 0 : i32
    return %add3A_0, %c0_i32 : i32, i32
  }
  func.func @transform_1(%arg0: i32) -> (i32, i32) {
    %add3A = arith.constant 4 : i32
    %add3A_0 = arith.addi %add3A, %arg0 : i32
    %c0_i32 = arith.constant 0 : i32
    %c0_i32_1 = arith.constant 0 : i32
    return %add3A_0, %c0_i32 : i32, i32
  }
  func.func @transform_2(%arg0: i32) -> (i32, i32) {
    %add3A = arith.constant 4 : i32
    %add3A_0 = arith.addi %add3A, %arg0 : i32
    %c0_i32 = arith.constant 0 : i32
    %c0_i32_1 = arith.constant 0 : i32
    return %add3A_0, %c0_i32 : i32, i32
  }
  func.func @transform_3(%arg0: i32) -> (i32, i32) {
    %add3A = arith.constant 4 : i32
    %add3A_0 = arith.addi %add3A, %arg0 : i32
    %c0_i32 = arith.constant 0 : i32
    %c0_i32_1 = arith.constant 0 : i32
    return %add3A_0, %c0_i32 : i32, i32
  }
  func.func @transform_4(%arg0: i32) -> (i32, i32) {
    %c0_i32 = arith.constant 0 : i32
    %c0_i32_0 = arith.constant 0 : i32
    %c0_i32_1 = arith.constant 0 : i32
    return %c0_i32, %c0_i32_0 : i32, i32
  }
  func.func @transform_5(%arg0: i32) -> (i32, i32) {
    %add3A = arith.constant 4 : i32
    %add3A_0 = arith.addi %add3A, %arg0 : i32
    %c0_i32 = arith.constant 0 : i32
    %c0_i32_1 = arith.constant 0 : i32
    return %add3A_0, %c0_i32 : i32, i32
  }
  func.func @transform_6(%arg0: i32) -> (i32, i32) {
    %add3A = arith.constant 4 : i32
    %add3A_0 = arith.addi %add3A, %arg0 : i32
    %c0_i32 = arith.constant 0 : i32
    %c0_i32_1 = arith.constant 0 : i32
    return %add3A_0, %c0_i32 : i32, i32
  }
}

module attributes {stable_mosaic.version = 14 : i64} {
  func.func @_tc_head_body(%arg0: i32, %arg1: memref<400x128xf32, #tpu.memory_space<vmem>>, %arg2: memref<400x128xf32, #tpu.memory_space<vmem>>, %arg3: memref<400x128xf32, #tpu.memory_space<vmem>>, %arg4: memref<400x128xf32, #tpu.memory_space<vmem>>, %arg5: memref<256x128xf32, #tpu.memory_space<vmem>>, %arg6: memref<10000x128xf32, #tpu.memory_space<any>>, %arg7: memref<10000x128xf32, #tpu.memory_space<any>>, %arg8: memref<400x128xf32, #tpu.memory_space<vmem>>, %arg9: memref<400x128xf32, #tpu.memory_space<vmem>>) attributes {dimension_semantics = [#tpu.dimension_semantics<arbitrary>], iteration_bounds = array<i64: 4>, scalar_prefetch = 0 : i64, scratch_operands = 0 : i64, tpu.core_type = #tpu.core_type<tc>, window_params = [{transform_indices = @transform_0, window_bounds = array<i64: 400, 128>}, {transform_indices = @transform_1, window_bounds = array<i64: 400, 128>}, {transform_indices = @transform_2, window_bounds = array<i64: 400, 128>}, {transform_indices = @transform_3, window_bounds = array<i64: 400, 128>}, {pipeline_mode = #tpu.pipeline_mode<synchronous>, transform_indices = @transform_4, window_bounds = array<i64: 256, 128>}, {}, {}, {transform_indices = @transform_7, window_bounds = array<i64: 400, 128>}, {transform_indices = @transform_8, window_bounds = array<i64: 400, 128>}]} {
    %get3A = arith.constant 0 : index
    %get3A_0 = arith.constant 0 : index
    %get3A_1 = vector.load %arg5[%get3A, %get3A_0] : memref<256x128xf32, #tpu.memory_space<vmem>>, vector<256x128xf32>
    %get3A_2 = arith.constant 0 : index
    %get3A_3 = arith.constant 0 : index
    %get3A_4 = vector.load %arg1[%get3A_2, %get3A_3] : memref<400x128xf32, #tpu.memory_space<vmem>>, vector<400x128xf32>
    %get3A_5 = arith.constant 0 : index
    %get3A_6 = arith.constant 0 : index
    %get3A_7 = vector.load %arg2[%get3A_5, %get3A_6] : memref<400x128xf32, #tpu.memory_space<vmem>>, vector<400x128xf32>
    %mul3A = arith.constant 3.125000e-02 : f32
    %mul3A_8 = vector.broadcast %mul3A : f32 to vector<400x128xf32>
    %mul3A_9 = arith.mulf %get3A_7, %mul3A_8 : vector<400x128xf32>
    %concatenate3A = tpu.concatenate %get3A_4, %mul3A_9 in 1 : vector<400x128xf32>, vector<400x128xf32> -> vector<400x256xf32>
    %get3A_10 = arith.constant 0 : index
    %get3A_11 = arith.constant 0 : index
    %get3A_12 = vector.load %arg3[%get3A_10, %get3A_11] : memref<400x128xf32, #tpu.memory_space<vmem>>, vector<400x128xf32>
    %get3A_13 = arith.constant 0 : index
    %get3A_14 = arith.constant 0 : index
    %get3A_15 = vector.load %arg4[%get3A_13, %get3A_14] : memref<400x128xf32, #tpu.memory_space<vmem>>, vector<400x128xf32>
    %mul3A_16 = arith.constant 3.125000e-02 : f32
    %mul3A_17 = vector.broadcast %mul3A_16 : f32 to vector<400x128xf32>
    %mul3A_18 = arith.mulf %get3A_15, %mul3A_17 : vector<400x128xf32>
    %concatenate3A_19 = tpu.concatenate %get3A_12, %mul3A_18 in 1 : vector<400x128xf32>, vector<400x128xf32> -> vector<400x256xf32>
    %dot_general3A = arith.constant dense<0.000000e+00> : vector<400x128xf32>
    %dot_general3A_20 = tpu.matmul %concatenate3A, %get3A_1, %dot_general3A {dimension_numbers = #tpu.dot_dimension_numbers<[1], [0], [0], [1], [0, 0, 1, 1], [], []>, transpose_lhs_hint = false} : vector<400x256xf32>, vector<256x128xf32>, vector<400x128xf32> -> vector<400x128xf32>
    %max3A = arith.constant 0.000000e+00 : f32
    %max3A_21 = vector.broadcast %max3A : f32 to vector<400x128xf32>
    %max3A_22 = arith.maximumf %dot_general3A_20, %max3A_21 : vector<400x128xf32>
    %swap3A = arith.constant 0 : index
    %swap3A_23 = arith.constant 0 : index
    %swap3A_24 = vector.load %arg8[%swap3A, %swap3A_23] : memref<400x128xf32, #tpu.memory_space<vmem>>, vector<400x128xf32>
    tpu.vector_store %arg8[%swap3A, %swap3A_23], %max3A_22 {strides = array<i32>} : memref<400x128xf32, #tpu.memory_space<vmem>>, vector<400x128xf32>,
    %dot_general3A_25 = arith.constant dense<0.000000e+00> : vector<400x128xf32>
    %dot_general3A_26 = tpu.matmul %concatenate3A_19, %get3A_1, %dot_general3A_25 {dimension_numbers = #tpu.dot_dimension_numbers<[1], [0], [0], [1], [0, 0, 1, 1], [], []>, transpose_lhs_hint = false} : vector<400x256xf32>, vector<256x128xf32>, vector<400x128xf32> -> vector<400x128xf32>
    %max3A_27 = arith.constant 0.000000e+00 : f32
    %max3A_28 = vector.broadcast %max3A_27 : f32 to vector<400x128xf32>
    %max3A_29 = arith.maximumf %dot_general3A_26, %max3A_28 : vector<400x128xf32>
    %swap3A_30 = arith.constant 0 : index
    %swap3A_31 = arith.constant 0 : index
    %swap3A_32 = vector.load %arg9[%swap3A_30, %swap3A_31] : memref<400x128xf32, #tpu.memory_space<vmem>>, vector<400x128xf32>
    tpu.vector_store %arg9[%swap3A_30, %swap3A_31], %max3A_29 {strides = array<i32>} : memref<400x128xf32, #tpu.memory_space<vmem>>, vector<400x128xf32>,
    return
  }
  func.func @transform_0(%arg0: i32) -> (i32, i32) {
    %c0_i32 = arith.constant 0 : i32
    %c0_i32_0 = arith.constant 0 : i32
    return %arg0, %c0_i32 : i32, i32
  }
  func.func @transform_1(%arg0: i32) -> (i32, i32) {
    %c0_i32 = arith.constant 0 : i32
    %c0_i32_0 = arith.constant 0 : i32
    return %arg0, %c0_i32 : i32, i32
  }
  func.func @transform_2(%arg0: i32) -> (i32, i32) {
    %c0_i32 = arith.constant 0 : i32
    %c0_i32_0 = arith.constant 0 : i32
    return %arg0, %c0_i32 : i32, i32
  }
  func.func @transform_3(%arg0: i32) -> (i32, i32) {
    %c0_i32 = arith.constant 0 : i32
    %c0_i32_0 = arith.constant 0 : i32
    return %arg0, %c0_i32 : i32, i32
  }
  func.func @transform_4(%arg0: i32) -> (i32, i32) {
    %c0_i32 = arith.constant 0 : i32
    %c0_i32_0 = arith.constant 0 : i32
    %c0_i32_1 = arith.constant 0 : i32
    return %c0_i32, %c0_i32_0 : i32, i32
  }
  func.func @transform_7(%arg0: i32) -> (i32, i32) {
    %c0_i32 = arith.constant 0 : i32
    %c0_i32_0 = arith.constant 0 : i32
    return %arg0, %c0_i32 : i32, i32
  }
  func.func @transform_8(%arg0: i32) -> (i32, i32) {
    %c0_i32 = arith.constant 0 : i32
    %c0_i32_0 = arith.constant 0 : i32
    return %arg0, %c0_i32 : i32, i32
  }
}

</mosaic_0001>

<sc_bundles>
// kernel: kernel.5.cloned.1.call-start
scs
__scs_entry_jumppad:
0x0: {  	(pc) =	sbr.rel $0x88, $3  }
0x1: {  	(tag) =	ssettag $0x0;
	lr =	simm.s32 $0x1  }
0x2: {  	[smem:$0x3F9C] =	sst lr;
	_ =	strace $0xD0000000  }
0x3: {  	_ = 	snop  }
0x4: {  	_ = 	snop  }
0x5: {  	_ = 	snop  }
0x6: {  	_ = 	snop  }
0x7: {  	_ = 	snop  }
__scs_overlays_trampoline_lowered:
0x8: {  	[smem:$0x3FAB] =	sst s0  }
0x9: {  	[smem:$0x3FAC] =	sst s1  }
0xa: {  	[smem:$0x3FAD] =	sst s2  }
0xb: {  	[smem:$0x3FAE] =	sst s3  }
0xc: {  	[smem:$0x3FAF] =	sst s4  }
0xd: {  	[smem:$0x3FB0] =	sst s5  }
0xe: {  	[smem:$0x3FB1] =	sst s6  }
0xf: {  	[smem:$0x3FB2] =	sst s7  }
0x10: {  	[smem:$0x3FB3] =	sst s8  }
0x11: {  	[smem:$0x3FB4] =	sst s9;
	s0 =	simm.s32 @!p0 $0x0  }
0x12: {  	s1 =	sld [smem:$0x3F9A];
	s0 =	simm.s32 @p0 $0x1  }
0x13: {  	[smem:$0x3FB5] =	sst s0;
	s0 =	simm.s32 @!p1 $0x0  }
0x14: {  	s2 =	sld [smem:$0x3F99];
	s0 =	simm.s32 @p1 $0x1  }
0x15: {  	[smem:$0x3FB6] =	sst s0;
	s0 =	simm.s32 @!p2 $0x0  }
0x16: {  	s3 =	sld [smem:$0x3FDB];
	s0 =	simm.s32 @p2 $0x1  }
0x17: {  	s4 =	simm.s32 $0x1BF5;
	[smem:$0x3FB8] =	sst s0  }
0x18: {  	s0 =	sld [smem:$0x3F9B];
	_ =	swait.ge [sflag:s4], $0x0  }
0x19: {  	s7 =	sld [smem:$0x3F9C]  }
0x1a: {  	s8 =	sadd.s32 $0xFFFFE003, lr  }
0x1b: {  	s9 =	sadd.s32 $0xFFFFFEF7, lr;
	s5 =	simm.s32 $0xFFFFFFFF;
	p2 =	slt.u32 s8, $0xFFFFF086  }
0x1c: {  	p1 =	slt.u32 s9, $0xF7A;
	s5 =	simm.s32 @!p2 $0x0  }
0x1d: {  	s5 =	simm.s32 @p1 $0x1;
	p0 =	seq.s32 s7, s2  }
0x1e: {  	s7 =	smul.u32 @!p0 $0xF7A, s2;
	p2 =	seq.s32 @!p0 s5, $0x0  }
0x1f: {  	s9 =	smul.u32 $0xF7A, s1;
	s8 =	simm.s32 @!p0 $0x1BF5;
	p2 =	por !p2, p0  }
0x20: {  	[sflag:s8] =	ssyncset.s32 @!p0 $0xFFFFF086;
	s6 =	sadd.s32 @!p0 s3, s7;
	s7 =	simm.s32 @!p0 $0x108  }
0x21: {  	s3 =	sadd.s32 s3, s9;
	s6 =	sadd.s32 @!p0 $0x88, s6;
	s7 =	simm.s32 @p2 $0x1082  }
0x22: {  	[simem:s7], [sflag:s8] =	dma.local @!p0 [hbm:s6], $0xF7A  }
0x23: {  	s9 =	sor.u32 $0xD0000000, s2;
	s6 =	simm.s32 $0x108;
	_ =	swait.ge @!p0 [sflag:s8], $0x0  }
0x24: {  	s3 =	sadd.s32 $0x88, s3;
	s6 =	simm.s32 @!p1 $0x1082;
	[sflag:s4] =	ssyncset.s32 $0xFFFFF086  }
0x25: {  	[simem:s6], [sflag:s4] =	dma.local [hbm:s3], $0xF7A  }
0x26: {  	[smem:$0x3F9C] =	sst s1;
	(tag) =	ssettag s2;
	_ =	strace s9  }
0x27: {  	s1 =	sld [smem:$0x3FAC]  }
0x28: {  	s2 =	sld [smem:$0x3FAD]  }
0x29: {  	s4 =	sld [smem:$0x3FAF]  }
0x2a: {  	p0 =	seq.s32 s5, $0x0;
	s5 =	sld [smem:$0x3FB0]  }
0x2b: {  	s6 =	sld [smem:$0x3FB1]  }
0x2c: {  	s7 =	sld [smem:$0x3FB2]  }
0x2d: {  	s3 =	simm.s32 $0x108;
	s8 =	sld [smem:$0x3FB3]  }
0x2e: {  	s3 =	simm.s32 @!p0 $0x1082;
	s9 =	sld [smem:$0x3FB4]  }
0x2f: {  	lr =	sadd.s32 s0, s3;
	s0 =	sld [smem:$0x3FAB]  }
0x30: {  	s3 =	sld [smem:$0x3FAE]  }
0x31: {  	[smem:$0x3FB7] =	sst s10  }
0x32: {  	s10 =	sld [smem:$0x3FB5];
	_ =	sdelay $0x3  }
0x33: {  	p0 =	seq.s32 s10, $0x1;
	s10 =	sld [smem:$0x3FB7];
	_ =	sdelay $0x3  }
0x34: {  	[smem:$0x3FB7] =	sst s10  }
0x35: {  	s10 =	sld [smem:$0x3FB6];
	_ =	sdelay $0x3  }
0x36: {  	p1 =	seq.s32 s10, $0x1;
	s10 =	sld [smem:$0x3FB7];
	_ =	sdelay $0x3  }
0x37: {  	[smem:$0x3FB7] =	sst s10  }
0x38: {  	s10 =	sld [smem:$0x3FB8]  }
0x39: {  	_ = 	snop;
	(pc) =	sbr.ind lr, $3  }
0x3a: {  	_ = 	snop  }
0x3b: {  	_ = 	snop  }
0x3c: {  	p2 =	seq.s32 s10, $0x1;
	s10 =	sld [smem:$0x3FB7]  }
0x3d: {  	_ =	shalt  }
0x3e: {  	_ =	shalt  }
0x3f: {  	_ =	shalt  }
0x40: {  	_ =	shalt  }
0x41: {  	_ =	shalt  }
0x42: {  	_ =	shalt  }
0x43: {  	_ =	shalt  }
0x44: {  	_ =	shalt  }
0x45: {  	_ =	shalt  }
0x46: {  	_ =	shalt  }
0x47: {  	_ =	shalt  }
0x48: {  	_ =	shalt  }
0x49: {  	_ =	shalt  }
0x4a: {  	_ =	shalt  }
0x4b: {  	_ =	shalt  }
0x4c: {  	_ =	shalt  }
0x4d: {  	_ =	shalt  }
0x4e: {  	_ =	shalt  }
0x4f: {  	_ =	shalt  }
0x50: {  	_ =	shalt  }
0x51: {  	_ =	shalt  }
0x52: {  	_ =	shalt  }
0x53: {  	_ =	shalt  }
0x54: {  	_ =	shalt  }
0x55: {  	_ =	shalt  }
0x56: {  	_ =	shalt  }
0x57: {  	_ =	shalt  }
0x58: {  	_ =	shalt  }
0x59: {  	_ =	shalt  }
0x5a: {  	_ =	shalt  }
0x5b: {  	_ =	shalt  }
0x5c: {  	_ =	shalt  }
0x5d: {  	_ =	shalt  }
0x5e: {  	_ =	shalt  }
0x5f: {  	_ =	shalt  }
0x60: {  	_ =	shalt  }
0x61: {  	_ =	shalt  }
0x62: {  	_ =	shalt  }
0x63: {  	_ =	shalt  }
0x64: {  	_ =	shalt  }
0x65: {  	_ =	shalt  }
0x66: {  	_ =	shalt  }
0x67: {  	_ =	shalt  }
0x68: {  	_ =	shalt  }
0x69: {  	_ =	shalt  }
0x6a: {  	_ =	shalt  }
0x6b: {  	_ =	shalt  }
0x6c: {  	_ =	shalt  }
0x6d: {  	_ =	shalt  }
0x6e: {  	_ =	shalt  }
0x6f: {  	_ =	shalt  }
0x70: {  	_ =	shalt  }
0x71: {  	_ =	shalt  }
0x72: {  	_ =	shalt  }
0x73: {  	_ =	shalt  }
0x74: {  	_ =	shalt  }
0x75: {  	_ =	shalt  }
0x76: {  	_ =	shalt  }
0x77: {  	_ =	shalt  }
0x78: {  	_ =	shalt  }
0x79: {  	_ =	shalt  }
0x7a: {  	_ =	shalt  }
0x7b: {  	_ =	shalt  }
0x7c: {  	_ =	shalt  }
0x7d: {  	_ =	shalt  }
0x7e: {  	_ =	shalt  }
0x7f: {  	_ =	shalt  }
0x80: {  	_ =	shalt  }
0x81: {  	_ =	shalt  }
0x82: {  	_ =	shalt  }
0x83: {  	_ =	shalt  }
0x84: {  	_ =	shalt  }
0x85: {  	_ =	shalt  }
0x86: {  	_ =	shalt  }
0x87: {  	_ =	shalt  }
.Lfunc_end0:
.L_simem_size_0:
called_computation_lowered:
.L_overlay_start_0:
0x88: {  	s2 =	sld [smem:$0x3FD9]  }
0x89: {  	s3 =	sld [smem:$0x3FFE];
	_ =	sdelay $0x1  }
0x8a: {  	s1 =	srdreg.scid  }
0x8b: {  	s0 =	sand.u32 $0x1, s1  }
0x8c: {  	s17 =	sshll.u32 s0, $0xA;
	s2 =	sadd.s32 s3, s2  }
0x8d: {  	s2 =	sadd.s32 s2, s17  }
0x8e: {  	[smem:$0x3FC3] =	sst s2  }
0x8f: {  	_ = 	snop  }
0x90: {  	s2 =	sld [smem:$0x3FC8]  }
0x91: {  	s18 =	sld [smem:$0x3FC6];
	(tm) =	ssettm $0x1  }
0x92: {  	s4 =	sld [smem:$0x3FFB];
	_ =	sdelay $0x3  }
0x93: {  	_ =	strace s4  }
0x94: {  	s4 =	sld [smem:$0x3FFC];
	_ =	sdelay $0x3  }
0x95: {  	_ =	strace s4  }
0x96: {  	s4 =	sld [smem:$0x3FFD];
	_ =	sdelay $0x3  }
0x97: {  	_ =	strace s4  }
0x98: {  	_ =	strace $0x8FFFFFFF  }
0x99: {  	s19 =	sld [smem:$0x3FDB];
	_ =	sdelay $0x1  }
0x9a: {  	s5 =	simm.s32 $_scs_section_size  }
0x9b: {  	s6 =	simm.s32 $_size__tile_overlayer_lowered;
	s7 =	simm.s32 $_tile_overlayer_lowered  }
0x9c: {  	s22 =	simm.s32 $0x1BFF;
	s21 =	sshll.u32 s7, $0x1;
	s4 =	sadd.s32 s5, s19  }
0x9d: {  	s8 =	simm.s32 $0x0;
	s20 =	sshll.u32 s6, $0x1;
	s6 =	sadd.s32 s21, s4  }
0x9e: {  	[timem:s8], [sflag:s22] =	dma.local [hbm:s6], s20  }
0x9f: {  	_ =	swait.ge [sflag:s22], s20  }
0xa0: {  	s5 =	ssub.s32 $0x0, s20;
	[sflag:s22] =	ssyncset.done $0x0  }
0xa1: {  	[sflag:s22] =	ssyncadd.s32 s5;
	_ =	sdelay $0x1  }
0xa2: {  	s23 =	simm.s32 $0x1B8B  }
0xa3: {  	_ =	swait.ge [sflag:s23], $0x1  }
0xa4: {  	[sflag:s23] =	ssyncset.done $0x0  }
0xa5: {  	s25 =	simm.s32 $0x1B8E;
	s24 =	sld [smem:$0x3FFE];
	[sflag:s23] =	ssyncadd.s32 $0xFFFFFFFF  }
0xa6: {  	s26 =	simm.s32 $execute0_lowered;
	[smem:$0x3FD2] =	sst s25  }
0xa7: {  	s6 =	sshll.u32 s26, $0x1;
	_ =	strace $0x80000046;
	[dreg:$0x1] =	wrdreg $0xFFFFFFFF  }
0xa8: {  	s28 =	simm.s32 $_size_execute0_lowered;
	s4 =	sadd.s32 s4, s6;
	[dreg:$0x0] =	wrdreg $0x0  }
0xa9: {  	s6 =	sshll.u32 s28, $0x1;
	[dreg:$0x2] =	wrdreg s4  }
0xaa: {  	[dreg:$0x3] =	wrdreg s6  }
0xab: {  	[dreg:$0x4] =	wrdreg $0xC0  }
0xac: {  	_ =	task [dreg:s8], $0x5FFFF  }
0xad: {  	[dreg:$0x1] =	wrdreg $0xFFFFFFFF  }
0xae: {  	[dreg:$0x0] =	wrdreg $0x60  }
0xaf: {  	[dreg:$0x2] =	wrdreg s2  }
0xb0: {  	[dreg:$0x3] =	wrdreg s18  }
0xb1: {  	[dreg:$0x4] =	wrdreg s24  }
0xb2: {  	[dreg:$0x5] =	wrdreg $0x9  }
0xb3: {  	_ =	task.clear_ibuf [dreg:s8], $0x6FFFF;
	_ =	strace $0x90000046  }
0xb4: {  	s29 =	simm.s32 $0x9;
	_ =	strace $0x80000048  }
0xb5: {  	_ =	swait.ge [sflag:s29], $0x1  }
0xb6: {  	[sflag:s29] =	ssyncadd.s32 $0xFFFFFFFF  }
0xb7: {  	_ =	strace $0x90000048  }
0xb8: {  	_ =	sfence  }
0xb9: {  	s30 =	sld [smem:$0x0];
	_ =	sdelay $0x2  }
0xba: {  	s31 =	sshll.u32 s1, $0xD;
	s1 =	sshrl.u32 s1, $0x2  }
0xbb: {  	s3 =	sand.u32 $0x4000, s31;
	s1 =	sadd.s32 s1, s30  }
0xbc: {  	s0 =	sor.u32 s3, s0;
	s1 =	sshll.u32 s1, $0x11  }
0xbd: {  	s0 =	sor.u32 s1, s0  }
0xbe: {  	s0 =	sadd.s32 $0x8F2B, s0  }
0xbf: {  	[sflag:s0] =	ssyncadd.remote.s32 $0x1  }
0xc0: {  	_ =	sfence.sel $0xFFFF  }
0xc1: {  	[dreg:$0x0] =	wrdreg $0xFFFFFFFF;
	(pc) =	sbr.abs _section_cstart, $3  }
0xc2: {  	[dreg:$0x1] =	wrdreg $0xFFFFFFFF  }
0xc3: {  	_ =	task.clear_ibuf [dreg:s8], $0x2FFFF;
	_ =	strace $0x9FFFFFFF  }
0xc4: {  	(tm) =	ssettm $0x7FFFFFFF  }
0xc5: {  	_ =	shalt  }
tec
execute0_lowered:
.L_overlay_start_1:
0x0: {  	(tag) =	ssettag $0x1  }
0x1: {  	s1 =	rddreg [dreg:$0x0]  }
0x2: {  	s2 =	rddreg [dreg:$0x1]  }
0x3: {  	s7 =	rddreg [dreg:$0x2]  }
0x4: {  	s0 =	rddreg [dreg:$0x3];
	s4 =	simm.s32 $0x0;
	s5 =	srdreg.scid  }
0x5: {  	s3 =	stileid.u32;
	s12 =	simm.s32 $0x8000;
	s13 =	simm.s32 $0x1  }
0x6: {  	s14 =	simm.s32 $0x10000;
	s15 =	simm.s32 $0x2;
	s16 =	simm.s32 $0x4  }
0x7: {  	s17 =	simm.s32 $0x10400;
	s18 =	simm.s32 $0x3;
	s19 =	simm.s32 $0x0  }
0x8: {  	[smem:$0x7FF] =	sst s4;
	s6 =	sand.u32 $0x1, s5;
	s9 =	sshll.u32 s3, $0x1  }
0x9: {  	s5 =	sadd.s32 $0x1400, s7;
	s7 =	sadd.s32 $0x7800, s7;
	s8 =	ssub.s32 $0x2, s6  }
0xa: {  	_ =	strace $0x80000047;
	s6 =	sor.u32 s6, s9;
	s10 =	sshrl.u32 s8, $0x1  }
0xb: {  	s31 =	sshll.u32 s6, $0xC;
	s9 =	sor.u32 $0x20, s6;
	s11 =	ssub.s32 s8, s10  }
0xc: {  	s8 =	sadd.s32 s1, s31;
	s10 =	sor.u32 $0x40, s6;
	s11 =	smax.u32 s11, $0x1  }
.LBB2_1:
0xd: {  	[tilespmem:s4], [sflag:$0x1] =	stream.linear.gather [hbm4b:s8+s4], $0x8000, $0x38;
	[tilespmem:$0x10800] =	vst v63  }
0xe: {  	s20 =	simm.s32 $0x0  }
.LBB2_2:
0xf: {  	s22 =	sshll.u32 s20, $0x6  }
0x10: {  	s23 =	sor.u32 s9, s22  }
0x11: {  	s21 =	smin.u32 s23, $0x18F;
	p0 =	sgt.u32 s23, $0xC7  }
0x12: {  	s23 =	sshll.u32 @p0 s21, $0xF  }
0x13: {  	s23 =	sadd.s32 @p0 $0xFF9C0000, s23  }
0x14: {  	s24 =	sshll.u32 @!p0 s21, $0xC;
	s23 =	sshrl.u32 @p0 s23, $0x3  }
0x15: {  	s24 =	sadd.s32 @!p0 s1, s24;
	s23 =	sadd.s32 @p0 s2, s23  }
0x16: {  	s24 =	smov.u32 @p0 s23  }
0x17: {  	[tilespmem:s12], [sflag:$0x2] =	stream.linear.gather [hbm4b:s24+s4], $0x8000, $0x38;
	[tilespmem:$0x10800] =	vst v63  }
0x18: {  	_ =	swait.ge [sflag:s13], $0x8000  }
0x19: {  	p1 =	seq.s32 s20, $0x0;
	[sflag:s13] =	ssyncset.done $0x0  }
0x1a: {  	s23 =	simm.s32 @!p1 $0x3;
	[sflag:s13] =	ssyncadd.s32 $0xFFFF8000  }
0x1b: {  	_ =	swait.ge @!p1 [sflag:s23], $0x400  }
0x1c: {  	[sflag:s23] =	ssyncset.done @!p1 $0x0  }
0x1d: {  	s24 =	simm.s32 $0x240;
	[sflag:s23] =	ssyncadd.s32 @!p1 $0xFFFFFC00;
	s23 =	simm.s32 $0x0  }
.LBB2_3:
0x1e: {  	v12 =	vld [tilespmem:s24+$0x1C0]  }
0x1f: {  	v13 =	vld [tilespmem:s24+$0x1D0]  }
0x20: {  	v14 =	vld [tilespmem:s24+$0x1E0]  }
0x21: {  	v15 =	vld [tilespmem:s24+$0x1F0]  }
0x22: {  	v0 =	vld [tilespmem:s24+$0x200]  }
0x23: {  	v1 =	vld [tilespmem:s24+$0x210]  }
0x24: {  	v16 =	vld [tilespmem:s24+$0x140]  }
0x25: {  	v17 =	vld [tilespmem:s24+$0x150]  }
0x26: {  	v18 =	vld [tilespmem:s24+$0x160]  }
0x27: {  	v19 =	vld [tilespmem:s24+$0x170]  }
0x28: {  	v2 =	vld [tilespmem:s24+$0x180]  }
0x29: {  	v3 =	vld [tilespmem:s24+$0x190]  }
0x2a: {  	v20 =	vld [tilespmem:s24+$0xC0]  }
0x2b: {  	v21 =	vld [tilespmem:s24+$0xD0]  }
0x2c: {  	v22 =	vld [tilespmem:s24+$0xE0]  }
0x2d: {  	v23 =	vld [tilespmem:s24+$0xF0]  }
0x2e: {  	v24 =	vld [tilespmem:s24+$0x100]  }
0x2f: {  	v25 =	vld [tilespmem:s24+$0x110]  }
0x30: {  	v26 =	vld [tilespmem:s24+$0x40]  }
0x31: {  	v27 =	vld [tilespmem:s24+$0x50]  }
0x32: {  	v28 =	vld [tilespmem:s24+$0x60]  }
0x33: {  	v29 =	vld [tilespmem:s24+$0x70]  }
0x34: {  	v30 =	vld [tilespmem:s24+$0x80]  }
0x35: {  	v32 =	vld [tilespmem:s24+$0xFFFFFFC0]  }
0x36: {  	v33 =	vld [tilespmem:s24+$0xFFFFFFD0]  }
0x37: {  	v34 =	vld [tilespmem:s24+$0xFFFFFF40]  }
0x38: {  	v35 =	vld [tilespmem:s24+$0xFFFFFF50]  }
0x39: {  	v36 =	vld [tilespmem:s24+$0xFFFFFEC0]  }
0x3a: {  	v37 =	vld [tilespmem:s24+$0xFFFFFED0]  }
0x3b: {  	v38 =	vld [tilespmem:s24+$0xFFFFFE40]  }
0x3c: {  	v39 =	vld [tilespmem:s24+$0xFFFFFE50]  }
0x3d: {  	v40 =	vld [tilespmem:s24+$0xFFFFFE60]  }
0x3e: {  	v41 =	vld [tilespmem:s24+$0xFFFFFE70]  }
0x3f: {  	v61 =	vld [tilespmem:s24+$0xFFFFFE80]  }
0x40: {  	s25 =	sshll.u32 s23, $0xC;
	v62 =	vld [tilespmem:s24+$0xFFFFFE90]  }
0x41: {  	v63 =	vld [tilespmem:s24+$0xFFFFFEB0];
	s25 =	sand.u32 $0x3FFFF000, s25  }
0x42: {  	v4 =	vld [tilespmem:s25+$0x0]  }
0x43: {  	v5 =	vld [tilespmem:s25+$0x10]  }
0x44: {  	v6 =	vld [tilespmem:s25+$0x20]  }
0x45: {  	v7 =	vld [tilespmem:s25+$0x30]  }
0x46: {  	v8 =	vld [tilespmem:s25+$0x40]  }
0x47: {  	v9 =	vld [tilespmem:s25+$0x50]  }
0x48: {  	v11 =	vld [tilespmem:s25+$0x70]  }
0x49: {  	v42 =	vld [tilespmem:s24+$0xFFFFFEE0]  }
0x4a: {  	v43 =	vld [tilespmem:s24+$0xFFFFFEF0];
	v4 =	vadd.f32 v38, v4  }
0x4b: {  	v59 =	vld [tilespmem:s24+$0xFFFFFF00];
	v5 =	vadd.f32 v39, v5;
	v6 =	vadd.f32 v40, v6  }
0x4c: {  	v60 =	vld [tilespmem:s24+$0xFFFFFF10];
	v7 =	vadd.f32 v41, v7;
	v8 =	vadd.f32 v61, v8  }
0x4d: {  	v44 =	vld [tilespmem:s24+$0xFFFFFF60];
	v9 =	vadd.f32 v62, v9;
	v11 =	vadd.f32 v63, v11  }
0x4e: {  	v52 =	vld [tilespmem:s24+$0xFFFFFF70];
	v4 =	vadd.f32 v36, v4;
	v5 =	vadd.f32 v37, v5  }
0x4f: {  	v53 =	vld [tilespmem:s24+$0xFFFFFFE0];
	v6 =	vadd.f32 v42, v6;
	v7 =	vadd.f32 v43, v7  }
0x50: {  	v54 =	vld [tilespmem:s24+$0xFFFFFFF0];
	v8 =	vadd.f32 v59, v8;
	v4 =	vadd.f32 v34, v4  }
0x51: {  	v31 =	vld [tilespmem:s24+$0x90];
	v9 =	vadd.f32 v60, v9;
	v5 =	vadd.f32 v35, v5  }
0x52: {  	v55 =	vld [tilespmem:s24+$0x0];
	v6 =	vadd.f32 v44, v6;
	v4 =	vadd.f32 v32, v4  }
0x53: {  	v56 =	vld [tilespmem:s24+$0x10];
	v7 =	vadd.f32 v52, v7;
	v5 =	vadd.f32 v33, v5  }
0x54: {  	v57 =	vld [tilespmem:s24+$0xFFFFFF80];
	v6 =	vadd.f32 v53, v6;
	v4 =	vadd.f32 v26, v4  }
0x55: {  	v58 =	vld [tilespmem:s24+$0xFFFFFF90];
	v7 =	vadd.f32 v54, v7;
	v5 =	vadd.f32 v27, v5  }
0x56: {  	v10 =	vld [tilespmem:s25+$0x60];
	v6 =	vadd.f32 v28, v6;
	v4 =	vadd.f32 v20, v4  }
0x57: {  	v7 =	vadd.f32 v29, v7;
	v5 =	vadd.f32 v21, v5;
	v20 =	vld [tilespmem:s24+$0xFFFFFEA0]  }
0x58: {  	v6 =	vadd.f32 v22, v6;
	v4 =	vadd.f32 v16, v4;
	v16 =	vld [tilespmem:s24+$0xFFFFFF20]  }
0x59: {  	v7 =	vadd.f32 v23, v7;
	v5 =	vadd.f32 v17, v5;
	v17 =	vld [tilespmem:s24+$0xFFFFFF30]  }
0x5a: {  	v6 =	vadd.f32 v18, v6;
	v4 =	vadd.f32 v12, v4;
	v12 =	vld [tilespmem:s24+$0xFFFFFFA0]  }
0x5b: {  	v7 =	vadd.f32 v19, v7;
	v5 =	vadd.f32 v13, v5;
	v13 =	vld [tilespmem:s24+$0xFFFFFFB0]  }
0x5c: {  	v6 =	vadd.f32 v14, v6;
	v14 =	vld [tilespmem:s24+$0x20];
	v10 =	vadd.f32 v20, v10  }
0x5d: {  	v8 =	vadd.f32 v57, v8;
	v7 =	vadd.f32 v15, v7;
	v15 =	vld [tilespmem:s24+$0x30]  }
0x5e: {  	v10 =	vadd.f32 v16, v10;
	v11 =	vadd.f32 v17, v11;
	v16 =	vld [tilespmem:s24+$0xA0]  }
0x5f: {  	v9 =	vadd.f32 v58, v9;
	v8 =	vadd.f32 v55, v8;
	v17 =	vld [tilespmem:s24+$0xB0]  }
0x60: {  	v10 =	vadd.f32 v12, v10;
	v13 =	vadd.f32 v13, v11;
	v11 =	vld [tilespmem:s24+$0x120]  }
0x61: {  	v9 =	vadd.f32 v56, v9;
	v8 =	vadd.f32 v30, v8;
	v12 =	vld [tilespmem:s24+$0x130]  }
0x62: {  	v10 =	vadd.f32 v14, v10;
	v15 =	vadd.f32 v15, v13;
	v13 =	vld [tilespmem:s24+$0x1A0]  }
0x63: {  	v9 =	vadd.f32 v31, v9;
	v18 =	vadd.f32 v24, v8;
	v14 =	vld [tilespmem:s24+$0x1B0]  }
0x64: {  	v8 =	vld [tilespmem:s24+$0x230];
	v16 =	vadd.f32 v16, v10;
	v17 =	vadd.f32 v17, v15  }
0x65: {  	s26 =	simm.s32 $0x1;
	s28 =	sadd.s32 $0x400, s24;
	v9 =	vadd.f32 v25, v9;
	v15 =	vld [tilespmem:s24+$0x220]  }
.LBB2_4:
0x66: {  	v10 =	vld [tilespmem:s28+$0x1C0];
	v16 =	vadd.f32 v11, v16;
	v17 =	vadd.f32 v12, v17  }
0x67: {  	v11 =	vld [tilespmem:s28+$0x1D0];
	v2 =	vadd.f32 v2, v18;
	v3 =	vadd.f32 v3, v9  }
0x68: {  	v12 =	vld [tilespmem:s28+$0x1E0];
	v9 =	vadd.f32 v13, v16;
	v16 =	vadd.f32 v14, v17  }
0x69: {  	v17 =	vld [tilespmem:s28+$0x1F0];
	v13 =	vadd.f32 v0, v2;
	v14 =	vadd.f32 v1, v3  }
0x6a: {  	v0 =	vld [tilespmem:s28+$0x200];
	v15 =	vadd.f32 v15, v9;
	v16 =	vadd.f32 v8, v16  }
0x6b: {  	v1 =	vld [tilespmem:s28+$0x210]  }
0x6c: {  	v18 =	vld [tilespmem:s28+$0x140]  }
0x6d: {  	v19 =	vld [tilespmem:s28+$0x150]  }
0x6e: {  	v20 =	vld [tilespmem:s28+$0x160]  }
0x6f: {  	v21 =	vld [tilespmem:s28+$0x170]  }
0x70: {  	v2 =	vld [tilespmem:s28+$0x180]  }
0x71: {  	v3 =	vld [tilespmem:s28+$0x190]  }
0x72: {  	v22 =	vld [tilespmem:s28+$0xC0]  }
0x73: {  	v23 =	vld [tilespmem:s28+$0xD0]  }
0x74: {  	v24 =	vld [tilespmem:s28+$0xE0]  }
0x75: {  	v25 =	vld [tilespmem:s28+$0xF0]  }
0x76: {  	v8 =	vld [tilespmem:s28+$0x100]  }
0x77: {  	v9 =	vld [tilespmem:s28+$0x110]  }
0x78: {  	v26 =	vld [tilespmem:s28+$0x40]  }
0x79: {  	v27 =	vld [tilespmem:s28+$0x50]  }
0x7a: {  	v28 =	vld [tilespmem:s28+$0x60]  }
0x7b: {  	v29 =	vld [tilespmem:s28+$0x70]  }
0x7c: {  	v30 =	vld [tilespmem:s28+$0x80]  }
0x7d: {  	v31 =	vld [tilespmem:s28+$0x90]  }
0x7e: {  	v32 =	vld [tilespmem:s28+$0xFFFFFFC0]  }
0x7f: {  	v33 =	vld [tilespmem:s28+$0xFFFFFFD0]  }
0x80: {  	v34 =	vld [tilespmem:s28+$0xFFFFFF40]  }
0x81: {  	v35 =	vld [tilespmem:s28+$0xFFFFFF50]  }
0x82: {  	v36 =	vld [tilespmem:s28+$0xFFFFFEC0]  }
0x83: {  	v37 =	vld [tilespmem:s28+$0xFFFFFED0]  }
0x84: {  	v38 =	vld [tilespmem:s28+$0xFFFFFE40]  }
0x85: {  	v39 =	vld [tilespmem:s28+$0xFFFFFE50]  }
0x86: {  	v40 =	vld [tilespmem:s28+$0xFFFFFE60]  }
0x87: {  	v41 =	vld [tilespmem:s28+$0xFFFFFE70]  }
0x88: {  	v42 =	vld [tilespmem:s28+$0xFFFFFEE0]  }
0x89: {  	v43 =	vld [tilespmem:s28+$0xFFFFFEF0]  }
0x8a: {  	v44 =	vld [tilespmem:s28+$0xFFFFFF60]  }
0x8b: {  	v4 =	vadd.f32 v38, v4;
	v5 =	vadd.f32 v39, v5;
	v38 =	vld [tilespmem:s28+$0xFFFFFF70]  }
0x8c: {  	v6 =	vadd.f32 v40, v6;
	v7 =	vadd.f32 v41, v7;
	v39 =	vld [tilespmem:s28+$0xFFFFFFE0]  }
0x8d: {  	v4 =	vadd.f32 v36, v4;
	v5 =	vadd.f32 v37, v5;
	v36 =	vld [tilespmem:s28+$0xFFFFFFF0]  }
0x8e: {  	v6 =	vadd.f32 v42, v6;
	v7 =	vadd.f32 v43, v7;
	v37 =	vld [tilespmem:s28+$0x0]  }
0x8f: {  	v4 =	vadd.f32 v34, v4;
	v5 =	vadd.f32 v35, v5;
	v34 =	vld [tilespmem:s28+$0x10]  }
0x90: {  	v6 =	vadd.f32 v44, v6;
	v7 =	vadd.f32 v38, v7;
	v35 =	vld [tilespmem:s28+$0xFFFFFF80]  }
0x91: {  	v4 =	vadd.f32 v32, v4;
	v5 =	vadd.f32 v33, v5;
	v38 =	vld [tilespmem:s28+$0xFFFFFF90]  }
0x92: {  	v6 =	vadd.f32 v39, v6;
	v32 =	vld [tilespmem:s28+$0xFFFFFF00];
	v7 =	vadd.f32 v36, v7  }
0x93: {  	v4 =	vadd.f32 v26, v4;
	v5 =	vadd.f32 v27, v5;
	v33 =	vld [tilespmem:s28+$0xFFFFFF10]  }
0x94: {  	v6 =	vadd.f32 v28, v6;
	v26 =	vld [tilespmem:s28+$0xFFFFFE80];
	v7 =	vadd.f32 v29, v7  }
0x95: {  	v4 =	vadd.f32 v22, v4;
	v5 =	vadd.f32 v23, v5;
	v27 =	vld [tilespmem:s28+$0xFFFFFE90]  }
0x96: {  	v6 =	vadd.f32 v24, v6;
	v22 =	vld [tilespmem:s28+$0xFFFFFEA0];
	v7 =	vadd.f32 v25, v7  }
0x97: {  	s26 =	sadd.s32 $0x8, s26;
	v4 =	vadd.f32 v18, v4;
	v5 =	vadd.f32 v19, v5;
	v23 =	vld [tilespmem:s28+$0xFFFFFEB0]  }
0x98: {  	p2 =	slt.u32 s26, $0x11;
	v6 =	vadd.f32 v20, v6;
	v18 =	vld [tilespmem:s28+$0xFFFFFF20];
	v7 =	vadd.f32 v21, v7  }
0x99: {  	v4 =	vadd.f32 v10, v4;
	v5 =	vadd.f32 v11, v5;
	v19 =	vld [tilespmem:s28+$0xFFFFFF30]  }
0x9a: {  	v6 =	vadd.f32 v12, v6;
	v10 =	vld [tilespmem:s28+$0xFFFFFFA0];
	v7 =	vadd.f32 v17, v7  }
0x9b: {  	v11 =	vadd.f32 v26, v13;
	v12 =	vadd.f32 v27, v14;
	v13 =	vld [tilespmem:s28+$0xFFFFFFB0]  }
0x9c: {  	v14 =	vadd.f32 v22, v15;
	v15 =	vadd.f32 v23, v16;
	v16 =	vld [tilespmem:s28+$0x20]  }
0x9d: {  	v11 =	vadd.f32 v32, v11;
	v12 =	vadd.f32 v33, v12;
	v17 =	vld [tilespmem:s28+$0x30]  }
0x9e: {  	v14 =	vadd.f32 v18, v14;
	v15 =	vadd.f32 v19, v15;
	v18 =	vld [tilespmem:s28+$0xA0]  }
0x9f: {  	v19 =	vadd.f32 v35, v11;
	v12 =	vadd.f32 v38, v12;
	v20 =	vld [tilespmem:s28+$0xB0]  }
0xa0: {  	v10 =	vadd.f32 v10, v14;
	v13 =	vadd.f32 v13, v15;
	v11 =	vld [tilespmem:s28+$0x120]  }
.Ltmp0:
0xa1: {  	v14 =	vadd.f32 v37, v19;
	v15 =	vadd.f32 v34, v12;
	v12 =	vld [tilespmem:s28+$0x130];
	(pc) =	sbr.rel @p2 .LBB2_4-.Ltmp0, $4  }
0xa2: {  	v10 =	vadd.f32 v16, v10;
	v17 =	vadd.f32 v17, v13;
	v13 =	vld [tilespmem:s28+$0x1A0]  }
0xa3: {  	v19 =	vadd.f32 v30, v14;
	v21 =	vadd.f32 v31, v15;
	v14 =	vld [tilespmem:s28+$0x1B0]  }
0xa4: {  	v16 =	vadd.f32 v18, v10;
	v17 =	vadd.f32 v20, v17;
	v15 =	vld [tilespmem:s28+$0x220]  }
0xa5: {  	v18 =	vadd.f32 v8, v19;
	v9 =	vadd.f32 v9, v21;
	v8 =	vld [tilespmem:s28+$0x230];
	s28 =	sadd.s32 $0x400, s28  }
0xa6: {  	v10 =	vld [tilespmem:s25+$0xC80]  }
0xa7: {  	v19 =	vld [tilespmem:s25+$0xC90]  }
0xa8: {  	v20 =	vld [tilespmem:s25+$0xCA0]  }
0xa9: {  	v21 =	vld [tilespmem:s25+$0xCB0]  }
0xaa: {  	v22 =	vld [tilespmem:s25+$0xCC0]  }
0xab: {  	v23 =	vld [tilespmem:s25+$0xCD0]  }
0xac: {  	v24 =	vld [tilespmem:s25+$0xCE0]  }
0xad: {  	v25 =	vld [tilespmem:s25+$0xCF0]  }
0xae: {  	v26 =	vld [tilespmem:s25+$0xD00]  }
0xaf: {  	v27 =	vld [tilespmem:s25+$0xD10]  }
0xb0: {  	v28 =	vld [tilespmem:s25+$0xD20]  }
0xb1: {  	v29 =	vld [tilespmem:s25+$0xD30]  }
0xb2: {  	v30 =	vld [tilespmem:s25+$0xD40]  }
0xb3: {  	v31 =	vld [tilespmem:s25+$0xD50]  }
0xb4: {  	v32 =	vld [tilespmem:s25+$0xD60]  }
0xb5: {  	v33 =	vld [tilespmem:s25+$0xD70]  }
0xb6: {  	v34 =	vld [tilespmem:s25+$0xD80]  }
0xb7: {  	v35 =	vld [tilespmem:s25+$0xD90]  }
0xb8: {  	v36 =	vld [tilespmem:s25+$0xDA0]  }
0xb9: {  	v37 =	vld [tilespmem:s25+$0xDB0]  }
0xba: {  	v38 =	vld [tilespmem:s25+$0xDC0]  }
0xbb: {  	v39 =	vld [tilespmem:s25+$0xDD0]  }
0xbc: {  	v40 =	vld [tilespmem:s25+$0xDE0]  }
0xbd: {  	v41 =	vld [tilespmem:s25+$0xDF0]  }
0xbe: {  	v42 =	vld [tilespmem:s25+$0xE00]  }
0xbf: {  	v43 =	vld [tilespmem:s25+$0xE10]  }
0xc0: {  	v44 =	vld [tilespmem:s25+$0xE20]  }
0xc1: {  	v45 =	vld [tilespmem:s25+$0xE30];
	v11 =	vadd.f32 v11, v16;
	v12 =	vadd.f32 v12, v17  }
0xc2: {  	v53 =	vld [tilespmem:s25+$0xE40];
	v2 =	vadd.f32 v2, v18;
	v3 =	vadd.f32 v3, v9  }
0xc3: {  	v54 =	vld [tilespmem:s25+$0xE50];
	v11 =	vadd.f32 v13, v11;
	v12 =	vadd.f32 v14, v12  }
0xc4: {  	v55 =	vld [tilespmem:s25+$0xE60];
	v0 =	vadd.f32 v0, v2;
	v1 =	vadd.f32 v1, v3  }
0xc5: {  	v56 =	vld [tilespmem:s25+$0xE70];
	v57 =	vadd.f32 v15, v11;
	v8 =	vadd.f32 v8, v12  }
0xc6: {  	v58 =	vld [tilespmem:s25+$0xE80];
	v4 =	vadd.f32 v10, v4;
	v5 =	vadd.f32 v19, v5  }
0xc7: {  	v59 =	vld [tilespmem:s25+$0xE90];
	v6 =	vadd.f32 v20, v6;
	v7 =	vadd.f32 v21, v7  }
0xc8: {  	v60 =	vld [tilespmem:s25+$0xEA0];
	v0 =	vadd.f32 v22, v0;
	v1 =	vadd.f32 v23, v1  }
0xc9: {  	v61 =	vld [tilespmem:s25+$0xEB0];
	v3 =	vadd.f32 v24, v57;
	v8 =	vadd.f32 v25, v8  }
0xca: {  	v62 =	vld [tilespmem:s25+$0xEC0];
	v4 =	vadd.f32 v26, v4;
	v5 =	vadd.f32 v27, v5  }
0xcb: {  	v63 =	vld [tilespmem:s25+$0xED0];
	v6 =	vadd.f32 v28, v6;
	v7 =	vadd.f32 v29, v7  }
0xcc: {  	v46 =	vld [tilespmem:s25+$0xF00];
	v0 =	vadd.f32 v30, v0;
	v1 =	vadd.f32 v31, v1  }
0xcd: {  	v47 =	vld [tilespmem:s25+$0xF10];
	v3 =	vadd.f32 v32, v3;
	v8 =	vadd.f32 v33, v8  }
0xce: {  	v48 =	vld [tilespmem:s25+$0xF20];
	v4 =	vadd.f32 v34, v4;
	v5 =	vadd.f32 v35, v5  }
0xcf: {  	v49 =	vld [tilespmem:s25+$0xF30];
	v6 =	vadd.f32 v36, v6;
	v7 =	vadd.f32 v37, v7  }
0xd0: {  	v50 =	vld [tilespmem:s25+$0xF40];
	v0 =	vadd.f32 v38, v0;
	v1 =	vadd.f32 v39, v1  }
0xd1: {  	v51 =	vld [tilespmem:s25+$0xF50];
	v3 =	vadd.f32 v40, v3;
	v8 =	vadd.f32 v41, v8  }
0xd2: {  	v52 =	vld [tilespmem:s25+$0xF60];
	v4 =	vadd.f32 v42, v4;
	v5 =	vadd.f32 v43, v5  }
0xd3: {  	v57 =	vld [tilespmem:s25+$0xFB0];
	v6 =	vadd.f32 v44, v6;
	v7 =	vadd.f32 v45, v7  }
0xd4: {  	v29 =	vld [tilespmem:s25+$0xEE0];
	v0 =	vadd.f32 v53, v0;
	v1 =	vadd.f32 v54, v1  }
0xd5: {  	v31 =	vld [tilespmem:s25+$0xEF0];
	v3 =	vadd.f32 v55, v3;
	v2 =	vadd.f32 v56, v8  }
0xd6: {  	v54 =	vld [tilespmem:s25+$0xF80];
	v4 =	vadd.f32 v58, v4;
	v5 =	vadd.f32 v59, v5  }
0xd7: {  	v55 =	vld [tilespmem:s25+$0xF90];
	v6 =	vadd.f32 v60, v6;
	v7 =	vadd.f32 v61, v7  }
0xd8: {  	v56 =	vld [tilespmem:s25+$0xFA0];
	v0 =	vadd.f32 v62, v0;
	v1 =	vadd.f32 v63, v1  }
0xd9: {  	v53 =	vld [tilespmem:s25+$0xF70];
	v3 =	vadd.f32 v29, v3;
	v4 =	vadd.f32 v46, v4  }
0xda: {  	v58 =	vld [tilespmem:s25+$0xFC0];
	v2 =	vadd.f32 v31, v2;
	v5 =	vadd.f32 v47, v5  }
0xdb: {  	s26 =	sshll.u32 s23, $0x7;
	v59 =	vld [tilespmem:s25+$0xFD0];
	v6 =	vadd.f32 v48, v6;
	v4 =	vadd.f32 v54, v4  }
0xdc: {  	s31 =	sand.u32 $0x3FFFFF80, s26;
	v60 =	vld [tilespmem:s25+$0xFE0];
	v7 =	vadd.f32 v49, v7;
	v5 =	vadd.f32 v55, v5  }
0xdd: {  	v61 =	vld [tilespmem:s25+$0xFF0];
	v0 =	vadd.f32 v50, v0;
	v6 =	vadd.f32 v56, v6;
	[tilespmem:s31+$0x10000] =	vst v4  }
0xde: {  	s23 =	sadd.s32 $0x1, s23;
	v1 =	vadd.f32 v51, v1;
	v62 =	vadd.f32 v57, v7;
	[tilespmem:s31+$0x10010] =	vst v5  }
0xdf: {  	p2 =	sne.s32 s23, $0x8;
	v3 =	vadd.f32 v52, v3;
	v0 =	vadd.f32 v58, v0;
	[tilespmem:s31+$0x10020] =	vst v6  }
.Ltmp1:
0xe0: {  	v2 =	vadd.f32 v53, v2;
	v1 =	vadd.f32 v59, v1;
	[tilespmem:s31+$0x10030] =	vst v62;
	(pc) =	sbr.rel @p2 .LBB2_3-.Ltmp1, $4  }
0xe1: {  	v3 =	vadd.f32 v60, v3;
	[tilespmem:s31+$0x10040] =	vst v0  }
0xe2: {  	v63 =	vadd.f32 v61, v2;
	[tilespmem:s31+$0x10050] =	vst v1  }
0xe3: {  	[tilespmem:s31+$0x10060] =	vst v3  }
0xe4: {  	s24 =	sadd.s32 $0x1000, s24;
	[tilespmem:s31+$0x10070] =	vst v63  }
0xe5: {  	s23 =	sor.u32 s6, s22  }
0xe6: {  	s24 =	smin.u32 s23, $0x18F;
	p2 =	sgt.u32 s23, $0xC7  }
0xe7: {  	s23 =	sshll.u32 @p2 s24, $0xA  }
0xe8: {  	s23 =	sadd.s32 @p2 $0xFFFCE000, s23  }
0xe9: {  	s24 =	sshll.u32 @!p2 s24, $0x7;
	s23 =	sshrl.u32 @p2 s23, $0x3  }
0xea: {  	s24 =	sadd.s32 @!p2 s5, s24;
	s23 =	sadd.s32 @p2 s7, s23  }
0xeb: {  	s24 =	smov.u32 @p2 s23;
	p2 =	sne.s32 s20, $0x6  }
.Ltmp2:
0xec: {  	_ = 	snop;
	(pc) =	sbr.rel @p2 .LBB2_8-.Ltmp2, $2  }
0xed: {  	_ =	sdelay $0x2  }
0xee: {  	[hbm4b:s24+s4] =	stream.linear.scatter [tilespmem:s14], [sflag:$0x3], $0x400, $0x38;
	[tilespmem:$0x10800] =	vst v63  }
.Ltmp3:
0xef: {  	(pc) =	sbr.rel .LBB2_9-.Ltmp3, $4  }
0xf0: {  	_ = 	snop  }
0xf1: {  	_ =	swait.ge [sflag:s15], $0x8000  }
0xf2: {  	[sflag:s15] =	ssyncset.done $0x0  }
0xf3: {  	[sflag:s15] =	ssyncadd.s32 $0xFFFF8000  }
.LBB2_8:
0xf4: {  	s22 =	sadd.s32 s10, s22  }
0xf5: {  	s23 =	smin.u32 s22, $0x18F;
	p2 =	sgt.u32 s22, $0xC7  }
0xf6: {  	s22 =	sshll.u32 @p2 s23, $0xF  }
0xf7: {  	s22 =	sadd.s32 @p2 $0xFF9C0000, s22  }
0xf8: {  	s23 =	sshll.u32 @!p2 s23, $0xC;
	s22 =	sshrl.u32 @p2 s22, $0x3  }
0xf9: {  	s23 =	sadd.s32 @!p2 s1, s23;
	s22 =	sadd.s32 @p2 s2, s22  }
.Ltmp4:
0xfa: {  	s23 =	smov.u32 @p2 s22;
	(pc) =	sbr.rel @p1 .LBB2_10-.Ltmp4, $4  }
0xfb: {  	[tilespmem:s4], [sflag:$0x1] =	stream.linear.gather [hbm4b:s23+s4], $0x8000, $0x38;
	[tilespmem:$0x10800] =	vst v63  }
0xfc: {  	_ =	swait.ge [sflag:s15], $0x8000  }
0xfd: {  	[sflag:s15] =	ssyncset.done $0x0  }
0xfe: {  	[sflag:s15] =	ssyncadd.s32 $0xFFFF8000  }
.LBB2_9:
0xff: {  	_ =	swait.ge [sflag:s16], $0x400  }
0x100: {  	[sflag:s16] =	ssyncset.done $0x0  }
0x101: {  	[sflag:s16] =	ssyncadd.s32 $0xFFFFFC00  }
.LBB2_10:
0x102: {  	s22 =	simm.s32 $0x0;
	s23 =	simm.s32 $0x8240  }
.LBB2_11:
0x103: {  	v12 =	vld [tilespmem:s23+$0x1C0]  }
0x104: {  	v13 =	vld [tilespmem:s23+$0x1D0]  }
0x105: {  	v14 =	vld [tilespmem:s23+$0x1E0]  }
0x106: {  	v15 =	vld [tilespmem:s23+$0x1F0]  }
0x107: {  	v0 =	vld [tilespmem:s23+$0x200]  }
0x108: {  	v1 =	vld [tilespmem:s23+$0x210]  }
0x109: {  	v16 =	vld [tilespmem:s23+$0x140]  }
0x10a: {  	v17 =	vld [tilespmem:s23+$0x150]  }
0x10b: {  	v18 =	vld [tilespmem:s23+$0x160]  }
0x10c: {  	v19 =	vld [tilespmem:s23+$0x170]  }
0x10d: {  	v2 =	vld [tilespmem:s23+$0x180]  }
0x10e: {  	v3 =	vld [tilespmem:s23+$0x190]  }
0x10f: {  	v20 =	vld [tilespmem:s23+$0xC0]  }
0x110: {  	v21 =	vld [tilespmem:s23+$0xD0]  }
0x111: {  	v22 =	vld [tilespmem:s23+$0xE0]  }
0x112: {  	v23 =	vld [tilespmem:s23+$0xF0]  }
0x113: {  	v24 =	vld [tilespmem:s23+$0x100]  }
0x114: {  	v25 =	vld [tilespmem:s23+$0x110]  }
0x115: {  	v26 =	vld [tilespmem:s23+$0x40]  }
0x116: {  	v27 =	vld [tilespmem:s23+$0x50]  }
0x117: {  	v28 =	vld [tilespmem:s23+$0x60]  }
0x118: {  	v29 =	vld [tilespmem:s23+$0x70]  }
0x119: {  	v30 =	vld [tilespmem:s23+$0x80]  }
0x11a: {  	v32 =	vld [tilespmem:s23+$0xFFFFFFC0]  }
0x11b: {  	v33 =	vld [tilespmem:s23+$0xFFFFFFD0]  }
0x11c: {  	v34 =	vld [tilespmem:s23+$0xFFFFFF40]  }
0x11d: {  	v35 =	vld [tilespmem:s23+$0xFFFFFF50]  }
0x11e: {  	v36 =	vld [tilespmem:s23+$0xFFFFFEC0]  }
0x11f: {  	v37 =	vld [tilespmem:s23+$0xFFFFFED0]  }
0x120: {  	v38 =	vld [tilespmem:s23+$0xFFFFFE40]  }
0x121: {  	v39 =	vld [tilespmem:s23+$0xFFFFFE50]  }
0x122: {  	v40 =	vld [tilespmem:s23+$0xFFFFFE60]  }
0x123: {  	v41 =	vld [tilespmem:s23+$0xFFFFFE70]  }
0x124: {  	v61 =	vld [tilespmem:s23+$0xFFFFFE80]  }
0x125: {  	s24 =	sshll.u32 s22, $0xC;
	v62 =	vld [tilespmem:s23+$0xFFFFFE90]  }
0x126: {  	v63 =	vld [tilespmem:s23+$0xFFFFFEB0];
	s24 =	sand.u32 $0x3FFFF000, s24  }
0x127: {  	v4 =	vld [tilespmem:s24+$0x8000]  }
0x128: {  	v5 =	vld [tilespmem:s24+$0x8010]  }
0x129: {  	v6 =	vld [tilespmem:s24+$0x8020]  }
0x12a: {  	v7 =	vld [tilespmem:s24+$0x8030]  }
0x12b: {  	v8 =	vld [tilespmem:s24+$0x8040]  }
0x12c: {  	v9 =	vld [tilespmem:s24+$0x8050]  }
0x12d: {  	v11 =	vld [tilespmem:s24+$0x8070]  }
0x12e: {  	v42 =	vld [tilespmem:s23+$0xFFFFFEE0]  }
0x12f: {  	v43 =	vld [tilespmem:s23+$0xFFFFFEF0];
	v4 =	vadd.f32 v38, v4  }
0x130: {  	v59 =	vld [tilespmem:s23+$0xFFFFFF00];
	v5 =	vadd.f32 v39, v5;
	v6 =	vadd.f32 v40, v6  }
0x131: {  	v60 =	vld [tilespmem:s23+$0xFFFFFF10];
	v7 =	vadd.f32 v41, v7;
	v8 =	vadd.f32 v61, v8  }
0x132: {  	v44 =	vld [tilespmem:s23+$0xFFFFFF60];
	v9 =	vadd.f32 v62, v9;
	v11 =	vadd.f32 v63, v11  }
0x133: {  	v52 =	vld [tilespmem:s23+$0xFFFFFF70];
	v4 =	vadd.f32 v36, v4;
	v5 =	vadd.f32 v37, v5  }
0x134: {  	v53 =	vld [tilespmem:s23+$0xFFFFFFE0];
	v6 =	vadd.f32 v42, v6;
	v7 =	vadd.f32 v43, v7  }
0x135: {  	v54 =	vld [tilespmem:s23+$0xFFFFFFF0];
	v8 =	vadd.f32 v59, v8;
	v4 =	vadd.f32 v34, v4  }
0x136: {  	v31 =	vld [tilespmem:s23+$0x90];
	v9 =	vadd.f32 v60, v9;
	v5 =	vadd.f32 v35, v5  }
0x137: {  	v55 =	vld [tilespmem:s23+$0x0];
	v6 =	vadd.f32 v44, v6;
	v4 =	vadd.f32 v32, v4  }
0x138: {  	v56 =	vld [tilespmem:s23+$0x10];
	v7 =	vadd.f32 v52, v7;
	v5 =	vadd.f32 v33, v5  }
0x139: {  	v57 =	vld [tilespmem:s23+$0xFFFFFF80];
	v6 =	vadd.f32 v53, v6;
	v4 =	vadd.f32 v26, v4  }
0x13a: {  	v58 =	vld [tilespmem:s23+$0xFFFFFF90];
	v7 =	vadd.f32 v54, v7;
	v5 =	vadd.f32 v27, v5  }
0x13b: {  	v10 =	vld [tilespmem:s24+$0x8060];
	v6 =	vadd.f32 v28, v6;
	v4 =	vadd.f32 v20, v4  }
0x13c: {  	v7 =	vadd.f32 v29, v7;
	v5 =	vadd.f32 v21, v5;
	v20 =	vld [tilespmem:s23+$0xFFFFFEA0]  }
0x13d: {  	v6 =	vadd.f32 v22, v6;
	v4 =	vadd.f32 v16, v4;
	v16 =	vld [tilespmem:s23+$0xFFFFFF20]  }
0x13e: {  	v7 =	vadd.f32 v23, v7;
	v5 =	vadd.f32 v17, v5;
	v17 =	vld [tilespmem:s23+$0xFFFFFF30]  }
0x13f: {  	v6 =	vadd.f32 v18, v6;
	v4 =	vadd.f32 v12, v4;
	v12 =	vld [tilespmem:s23+$0xFFFFFFA0]  }
0x140: {  	v7 =	vadd.f32 v19, v7;
	v5 =	vadd.f32 v13, v5;
	v13 =	vld [tilespmem:s23+$0xFFFFFFB0]  }
0x141: {  	v6 =	vadd.f32 v14, v6;
	v14 =	vld [tilespmem:s23+$0x20];
	v10 =	vadd.f32 v20, v10  }
0x142: {  	v8 =	vadd.f32 v57, v8;
	v7 =	vadd.f32 v15, v7;
	v15 =	vld [tilespmem:s23+$0x30]  }
0x143: {  	v10 =	vadd.f32 v16, v10;
	v11 =	vadd.f32 v17, v11;
	v16 =	vld [tilespmem:s23+$0xA0]  }
0x144: {  	v9 =	vadd.f32 v58, v9;
	v8 =	vadd.f32 v55, v8;
	v17 =	vld [tilespmem:s23+$0xB0]  }
0x145: {  	v10 =	vadd.f32 v12, v10;
	v13 =	vadd.f32 v13, v11;
	v11 =	vld [tilespmem:s23+$0x120]  }
0x146: {  	v9 =	vadd.f32 v56, v9;
	v8 =	vadd.f32 v30, v8;
	v12 =	vld [tilespmem:s23+$0x130]  }
0x147: {  	v10 =	vadd.f32 v14, v10;
	v15 =	vadd.f32 v15, v13;
	v13 =	vld [tilespmem:s23+$0x1A0]  }
0x148: {  	v9 =	vadd.f32 v31, v9;
	v18 =	vadd.f32 v24, v8;
	v14 =	vld [tilespmem:s23+$0x1B0]  }
0x149: {  	v8 =	vld [tilespmem:s23+$0x230];
	v16 =	vadd.f32 v16, v10;
	v17 =	vadd.f32 v17, v15  }
0x14a: {  	s25 =	simm.s32 $0x1;
	s26 =	sadd.s32 $0x400, s23;
	v9 =	vadd.f32 v25, v9;
	v15 =	vld [tilespmem:s23+$0x220]  }
.LBB2_12:
0x14b: {  	v10 =	vld [tilespmem:s26+$0x1C0];
	v16 =	vadd.f32 v11, v16;
	v17 =	vadd.f32 v12, v17  }
0x14c: {  	v11 =	vld [tilespmem:s26+$0x1D0];
	v2 =	vadd.f32 v2, v18;
	v3 =	vadd.f32 v3, v9  }
0x14d: {  	v12 =	vld [tilespmem:s26+$0x1E0];
	v9 =	vadd.f32 v13, v16;
	v16 =	vadd.f32 v14, v17  }
0x14e: {  	v17 =	vld [tilespmem:s26+$0x1F0];
	v13 =	vadd.f32 v0, v2;
	v14 =	vadd.f32 v1, v3  }
0x14f: {  	v0 =	vld [tilespmem:s26+$0x200];
	v15 =	vadd.f32 v15, v9;
	v16 =	vadd.f32 v8, v16  }
0x150: {  	v1 =	vld [tilespmem:s26+$0x210]  }
0x151: {  	v18 =	vld [tilespmem:s26+$0x140]  }
0x152: {  	v19 =	vld [tilespmem:s26+$0x150]  }
0x153: {  	v20 =	vld [tilespmem:s26+$0x160]  }
0x154: {  	v21 =	vld [tilespmem:s26+$0x170]  }
0x155: {  	v2 =	vld [tilespmem:s26+$0x180]  }
0x156: {  	v3 =	vld [tilespmem:s26+$0x190]  }
0x157: {  	v22 =	vld [tilespmem:s26+$0xC0]  }
0x158: {  	v23 =	vld [tilespmem:s26+$0xD0]  }
0x159: {  	v24 =	vld [tilespmem:s26+$0xE0]  }
0x15a: {  	v25 =	vld [tilespmem:s26+$0xF0]  }
0x15b: {  	v8 =	vld [tilespmem:s26+$0x100]  }
0x15c: {  	v9 =	vld [tilespmem:s26+$0x110]  }
0x15d: {  	v26 =	vld [tilespmem:s26+$0x40]  }
0x15e: {  	v27 =	vld [tilespmem:s26+$0x50]  }
0x15f: {  	v28 =	vld [tilespmem:s26+$0x60]  }
0x160: {  	v29 =	vld [tilespmem:s26+$0x70]  }
0x161: {  	v30 =	vld [tilespmem:s26+$0x80]  }
0x162: {  	v31 =	vld [tilespmem:s26+$0x90]  }
0x163: {  	v32 =	vld [tilespmem:s26+$0xFFFFFFC0]  }
0x164: {  	v33 =	vld [tilespmem:s26+$0xFFFFFFD0]  }
0x165: {  	v34 =	vld [tilespmem:s26+$0xFFFFFF40]  }
0x166: {  	v35 =	vld [tilespmem:s26+$0xFFFFFF50]  }
0x167: {  	v36 =	vld [tilespmem:s26+$0xFFFFFEC0]  }
0x168: {  	v37 =	vld [tilespmem:s26+$0xFFFFFED0]  }
0x169: {  	v38 =	vld [tilespmem:s26+$0xFFFFFE40]  }
0x16a: {  	v39 =	vld [tilespmem:s26+$0xFFFFFE50]  }
0x16b: {  	v40 =	vld [tilespmem:s26+$0xFFFFFE60]  }
0x16c: {  	v41 =	vld [tilespmem:s26+$0xFFFFFE70]  }
0x16d: {  	v42 =	vld [tilespmem:s26+$0xFFFFFEE0]  }
0x16e: {  	v43 =	vld [tilespmem:s26+$0xFFFFFEF0]  }
0x16f: {  	v44 =	vld [tilespmem:s26+$0xFFFFFF60]  }
0x170: {  	v4 =	vadd.f32 v38, v4;
	v5 =	vadd.f32 v39, v5;
	v38 =	vld [tilespmem:s26+$0xFFFFFF70]  }
0x171: {  	v6 =	vadd.f32 v40, v6;
	v7 =	vadd.f32 v41, v7;
	v39 =	vld [tilespmem:s26+$0xFFFFFFE0]  }
0x172: {  	v4 =	vadd.f32 v36, v4;
	v5 =	vadd.f32 v37, v5;
	v36 =	vld [tilespmem:s26+$0xFFFFFFF0]  }
0x173: {  	v6 =	vadd.f32 v42, v6;
	v7 =	vadd.f32 v43, v7;
	v37 =	vld [tilespmem:s26+$0x0]  }
0x174: {  	v4 =	vadd.f32 v34, v4;
	v5 =	vadd.f32 v35, v5;
	v34 =	vld [tilespmem:s26+$0x10]  }
0x175: {  	v6 =	vadd.f32 v44, v6;
	v7 =	vadd.f32 v38, v7;
	v35 =	vld [tilespmem:s26+$0xFFFFFF80]  }
0x176: {  	v4 =	vadd.f32 v32, v4;
	v5 =	vadd.f32 v33, v5;
	v38 =	vld [tilespmem:s26+$0xFFFFFF90]  }
0x177: {  	v6 =	vadd.f32 v39, v6;
	v32 =	vld [tilespmem:s26+$0xFFFFFF00];
	v7 =	vadd.f32 v36, v7  }
0x178: {  	v4 =	vadd.f32 v26, v4;
	v5 =	vadd.f32 v27, v5;
	v33 =	vld [tilespmem:s26+$0xFFFFFF10]  }
0x179: {  	v6 =	vadd.f32 v28, v6;
	v26 =	vld [tilespmem:s26+$0xFFFFFE80];
	v7 =	vadd.f32 v29, v7  }
0x17a: {  	v4 =	vadd.f32 v22, v4;
	v5 =	vadd.f32 v23, v5;
	v27 =	vld [tilespmem:s26+$0xFFFFFE90]  }
0x17b: {  	v6 =	vadd.f32 v24, v6;
	v22 =	vld [tilespmem:s26+$0xFFFFFEA0];
	v7 =	vadd.f32 v25, v7  }
0x17c: {  	s25 =	sadd.s32 $0x8, s25;
	v4 =	vadd.f32 v18, v4;
	v5 =	vadd.f32 v19, v5;
	v23 =	vld [tilespmem:s26+$0xFFFFFEB0]  }
0x17d: {  	p1 =	slt.u32 s25, $0x11;
	v6 =	vadd.f32 v20, v6;
	v18 =	vld [tilespmem:s26+$0xFFFFFF20];
	v7 =	vadd.f32 v21, v7  }
0x17e: {  	v4 =	vadd.f32 v10, v4;
	v5 =	vadd.f32 v11, v5;
	v19 =	vld [tilespmem:s26+$0xFFFFFF30]  }
0x17f: {  	v6 =	vadd.f32 v12, v6;
	v10 =	vld [tilespmem:s26+$0xFFFFFFA0];
	v7 =	vadd.f32 v17, v7  }
0x180: {  	v11 =	vadd.f32 v26, v13;
	v12 =	vadd.f32 v27, v14;
	v13 =	vld [tilespmem:s26+$0xFFFFFFB0]  }
0x181: {  	v14 =	vadd.f32 v22, v15;
	v15 =	vadd.f32 v23, v16;
	v16 =	vld [tilespmem:s26+$0x20]  }
0x182: {  	v11 =	vadd.f32 v32, v11;
	v12 =	vadd.f32 v33, v12;
	v17 =	vld [tilespmem:s26+$0x30]  }
0x183: {  	v14 =	vadd.f32 v18, v14;
	v15 =	vadd.f32 v19, v15;
	v18 =	vld [tilespmem:s26+$0xA0]  }
0x184: {  	v19 =	vadd.f32 v35, v11;
	v12 =	vadd.f32 v38, v12;
	v20 =	vld [tilespmem:s26+$0xB0]  }
0x185: {  	v10 =	vadd.f32 v10, v14;
	v13 =	vadd.f32 v13, v15;
	v11 =	vld [tilespmem:s26+$0x120]  }
.Ltmp5:
0x186: {  	v14 =	vadd.f32 v37, v19;
	v15 =	vadd.f32 v34, v12;
	v12 =	vld [tilespmem:s26+$0x130];
	(pc) =	sbr.rel @p1 .LBB2_12-.Ltmp5, $4  }
0x187: {  	v10 =	vadd.f32 v16, v10;
	v17 =	vadd.f32 v17, v13;
	v13 =	vld [tilespmem:s26+$0x1A0]  }
0x188: {  	v19 =	vadd.f32 v30, v14;
	v21 =	vadd.f32 v31, v15;
	v14 =	vld [tilespmem:s26+$0x1B0]  }
0x189: {  	v16 =	vadd.f32 v18, v10;
	v17 =	vadd.f32 v20, v17;
	v15 =	vld [tilespmem:s26+$0x220]  }
0x18a: {  	v18 =	vadd.f32 v8, v19;
	v9 =	vadd.f32 v9, v21;
	v8 =	vld [tilespmem:s26+$0x230];
	s26 =	sadd.s32 $0x400, s26  }
0x18b: {  	v10 =	vld [tilespmem:s24+$0x8C80]  }
0x18c: {  	v19 =	vld [tilespmem:s24+$0x8C90]  }
0x18d: {  	v20 =	vld [tilespmem:s24+$0x8CA0]  }
0x18e: {  	v21 =	vld [tilespmem:s24+$0x8CB0]  }
0x18f: {  	v22 =	vld [tilespmem:s24+$0x8CC0]  }
0x190: {  	v23 =	vld [tilespmem:s24+$0x8CD0]  }
0x191: {  	v24 =	vld [tilespmem:s24+$0x8CE0]  }
0x192: {  	v25 =	vld [tilespmem:s24+$0x8CF0]  }
0x193: {  	v26 =	vld [tilespmem:s24+$0x8D00]  }
0x194: {  	v27 =	vld [tilespmem:s24+$0x8D10]  }
0x195: {  	v28 =	vld [tilespmem:s24+$0x8D20]  }
0x196: {  	v29 =	vld [tilespmem:s24+$0x8D30]  }
0x197: {  	v30 =	vld [tilespmem:s24+$0x8D40]  }
0x198: {  	v31 =	vld [tilespmem:s24+$0x8D50]  }
0x199: {  	v32 =	vld [tilespmem:s24+$0x8D60]  }
0x19a: {  	v33 =	vld [tilespmem:s24+$0x8D70]  }
0x19b: {  	v34 =	vld [tilespmem:s24+$0x8D80]  }
0x19c: {  	v35 =	vld [tilespmem:s24+$0x8D90]  }
0x19d: {  	v36 =	vld [tilespmem:s24+$0x8DA0]  }
0x19e: {  	v37 =	vld [tilespmem:s24+$0x8DB0]  }
0x19f: {  	v38 =	vld [tilespmem:s24+$0x8DC0]  }
0x1a0: {  	v39 =	vld [tilespmem:s24+$0x8DD0]  }
0x1a1: {  	v40 =	vld [tilespmem:s24+$0x8DE0]  }
0x1a2: {  	v41 =	vld [tilespmem:s24+$0x8DF0]  }
0x1a3: {  	v42 =	vld [tilespmem:s24+$0x8E00]  }
0x1a4: {  	v43 =	vld [tilespmem:s24+$0x8E10]  }
0x1a5: {  	v44 =	vld [tilespmem:s24+$0x8E20]  }
0x1a6: {  	v45 =	vld [tilespmem:s24+$0x8E30];
	v11 =	vadd.f32 v11, v16;
	v12 =	vadd.f32 v12, v17  }
0x1a7: {  	v53 =	vld [tilespmem:s24+$0x8E40];
	v2 =	vadd.f32 v2, v18;
	v3 =	vadd.f32 v3, v9  }
0x1a8: {  	v54 =	vld [tilespmem:s24+$0x8E50];
	v11 =	vadd.f32 v13, v11;
	v12 =	vadd.f32 v14, v12  }
0x1a9: {  	v55 =	vld [tilespmem:s24+$0x8E60];
	v0 =	vadd.f32 v0, v2;
	v1 =	vadd.f32 v1, v3  }
0x1aa: {  	v56 =	vld [tilespmem:s24+$0x8E70];
	v57 =	vadd.f32 v15, v11;
	v8 =	vadd.f32 v8, v12  }
0x1ab: {  	v58 =	vld [tilespmem:s24+$0x8E80];
	v4 =	vadd.f32 v10, v4;
	v5 =	vadd.f32 v19, v5  }
0x1ac: {  	v59 =	vld [tilespmem:s24+$0x8E90];
	v6 =	vadd.f32 v20, v6;
	v7 =	vadd.f32 v21, v7  }
0x1ad: {  	v60 =	vld [tilespmem:s24+$0x8EA0];
	v0 =	vadd.f32 v22, v0;
	v1 =	vadd.f32 v23, v1  }
0x1ae: {  	v61 =	vld [tilespmem:s24+$0x8EB0];
	v3 =	vadd.f32 v24, v57;
	v8 =	vadd.f32 v25, v8  }
0x1af: {  	v62 =	vld [tilespmem:s24+$0x8EC0];
	v4 =	vadd.f32 v26, v4;
	v5 =	vadd.f32 v27, v5  }
0x1b0: {  	v63 =	vld [tilespmem:s24+$0x8ED0];
	v6 =	vadd.f32 v28, v6;
	v7 =	vadd.f32 v29, v7  }
0x1b1: {  	v46 =	vld [tilespmem:s24+$0x8F00];
	v0 =	vadd.f32 v30, v0;
	v1 =	vadd.f32 v31, v1  }
0x1b2: {  	v47 =	vld [tilespmem:s24+$0x8F10];
	v3 =	vadd.f32 v32, v3;
	v8 =	vadd.f32 v33, v8  }
0x1b3: {  	v48 =	vld [tilespmem:s24+$0x8F20];
	v4 =	vadd.f32 v34, v4;
	v5 =	vadd.f32 v35, v5  }
0x1b4: {  	v49 =	vld [tilespmem:s24+$0x8F30];
	v6 =	vadd.f32 v36, v6;
	v7 =	vadd.f32 v37, v7  }
0x1b5: {  	v50 =	vld [tilespmem:s24+$0x8F40];
	v0 =	vadd.f32 v38, v0;
	v1 =	vadd.f32 v39, v1  }
0x1b6: {  	v51 =	vld [tilespmem:s24+$0x8F50];
	v3 =	vadd.f32 v40, v3;
	v8 =	vadd.f32 v41, v8  }
0x1b7: {  	v52 =	vld [tilespmem:s24+$0x8F60];
	v4 =	vadd.f32 v42, v4;
	v5 =	vadd.f32 v43, v5  }
0x1b8: {  	v57 =	vld [tilespmem:s24+$0x8FB0];
	v6 =	vadd.f32 v44, v6;
	v7 =	vadd.f32 v45, v7  }
0x1b9: {  	v29 =	vld [tilespmem:s24+$0x8EE0];
	v0 =	vadd.f32 v53, v0;
	v1 =	vadd.f32 v54, v1  }
0x1ba: {  	v31 =	vld [tilespmem:s24+$0x8EF0];
	v3 =	vadd.f32 v55, v3;
	v2 =	vadd.f32 v56, v8  }
0x1bb: {  	v54 =	vld [tilespmem:s24+$0x8F80];
	v4 =	vadd.f32 v58, v4;
	v5 =	vadd.f32 v59, v5  }
0x1bc: {  	v55 =	vld [tilespmem:s24+$0x8F90];
	v6 =	vadd.f32 v60, v6;
	v7 =	vadd.f32 v61, v7  }
0x1bd: {  	v56 =	vld [tilespmem:s24+$0x8FA0];
	v0 =	vadd.f32 v62, v0;
	v1 =	vadd.f32 v63, v1  }
0x1be: {  	v53 =	vld [tilespmem:s24+$0x8F70];
	v3 =	vadd.f32 v29, v3;
	v4 =	vadd.f32 v46, v4  }
0x1bf: {  	v58 =	vld [tilespmem:s24+$0x8FC0];
	v2 =	vadd.f32 v31, v2;
	v5 =	vadd.f32 v47, v5  }
0x1c0: {  	s25 =	sshll.u32 s22, $0x7;
	v59 =	vld [tilespmem:s24+$0x8FD0];
	v6 =	vadd.f32 v48, v6;
	v4 =	vadd.f32 v54, v4  }
0x1c1: {  	s31 =	sand.u32 $0x3FFFFF80, s25;
	v60 =	vld [tilespmem:s24+$0x8FE0];
	v7 =	vadd.f32 v49, v7;
	v5 =	vadd.f32 v55, v5  }
0x1c2: {  	v61 =	vld [tilespmem:s24+$0x8FF0];
	v0 =	vadd.f32 v50, v0;
	v6 =	vadd.f32 v56, v6;
	[tilespmem:s31+$0x10400] =	vst v4  }
0x1c3: {  	s22 =	sadd.s32 $0x1, s22;
	v1 =	vadd.f32 v51, v1;
	v62 =	vadd.f32 v57, v7;
	[tilespmem:s31+$0x10410] =	vst v5  }
0x1c4: {  	p1 =	sne.s32 s22, $0x8;
	v3 =	vadd.f32 v52, v3;
	v0 =	vadd.f32 v58, v0;
	[tilespmem:s31+$0x10420] =	vst v6  }
.Ltmp6:
0x1c5: {  	v2 =	vadd.f32 v53, v2;
	v1 =	vadd.f32 v59, v1;
	[tilespmem:s31+$0x10430] =	vst v62;
	(pc) =	sbr.rel @p1 .LBB2_11-.Ltmp6, $4  }
0x1c6: {  	v3 =	vadd.f32 v60, v3;
	[tilespmem:s31+$0x10440] =	vst v0  }
0x1c7: {  	v63 =	vadd.f32 v61, v2;
	[tilespmem:s31+$0x10450] =	vst v1  }
0x1c8: {  	[tilespmem:s31+$0x10460] =	vst v3  }
0x1c9: {  	s23 =	sadd.s32 $0x1000, s23;
	[tilespmem:s31+$0x10470] =	vst v63  }
0x1ca: {  	s22 =	sshll.u32 @p0 s21, $0xA  }
0x1cb: {  	s22 =	sadd.s32 @p0 $0xFFFCE000, s22  }
0x1cc: {  	s21 =	sshll.u32 @!p0 s21, $0x7;
	s22 =	sshrl.u32 @p0 s22, $0x3  }
0x1cd: {  	s20 =	sadd.s32 $0x1, s20;
	s21 =	sadd.s32 @!p0 s5, s21;
	s22 =	sadd.s32 @p0 s7, s22  }
0x1ce: {  	s21 =	smov.u32 @p0 s22;
	p0 =	sne.s32 s20, $0x7  }
.Ltmp7:
0x1cf: {  	_ = 	snop;
	(pc) =	sbr.rel @p0 .LBB2_2-.Ltmp7, $2  }
0x1d0: {  	_ =	sdelay $0x2  }
0x1d1: {  	[hbm4b:s21+s4] =	stream.linear.scatter [tilespmem:s17], [sflag:$0x4], $0x400, $0x38;
	[tilespmem:$0x10800] =	vst v63  }
0x1d2: {  	s19 =	sadd.s32 $0x1, s19  }
0x1d3: {  	_ =	swait.ge [sflag:s18], $0x400;
	p0 =	sne.s32 s19, s11  }
.Ltmp8:
0x1d4: {  	[sflag:s18] =	ssyncset.done $0x0;
	(pc) =	sbr.rel @p0 .LBB2_1-.Ltmp8, $4  }
0x1d5: {  	[sflag:s18] =	ssyncadd.s32 $0xFFFFFC00  }
0x1d6: {  	_ =	swait.ge [sflag:s16], $0x400  }
0x1d7: {  	[sflag:s16] =	ssyncset.done $0x0  }
0x1d8: {  	[sflag:s16] =	ssyncadd.s32 $0xFFFFFC00  }
0x1d9: {  	_ =	sfence.sel $0x180000  }
0x1da: {  	[bflag:$0x0] =	sbarrier.arrive $0xFFFF  }
0x1db: {  	p0 =	sne.s32 s3, $0x0;
	_ =	strace $0x90000047  }
0x1dc: {  	s0 =	sadd.s32 @!p0 $0x100000, s0;
	[bflag:$0x2] =	sbarrier.arrive $0xFFFF  }
0x1dd: {  	[sflag:s0] =	ssyncadd.tile.s32 @!p0 $0x1;
	_ =	shalt  }
.Lfunc_end2:
_tile_overlayer_lowered:
.L_overlay_start_2:
0x1de: {  	(tag) =	ssettag $0x2  }
0x1df: {  	s0 =	rddreg [dreg:$0x0];
	s2 =	stileid.u32  }
0x1e0: {  	s1 =	rddreg [dreg:$0x1];
	p0 =	sne.s32 s2, $0x0  }
0x1e1: {  	s3 =	rddreg [dreg:$0x2];
	[bflag:$0x3] =	sbarrier.arrive $0xFFFF;
	s2 =	simm.s32 @!p0 $0x1C05  }
0x1e2: {  	[timem:s3], [sflag:s2] =	dma.local @!p0 [hbm:s0], s1  }
0x1e3: {  	s0 =	simm.s32 @!p0 $0x5  }
0x1e4: {  	_ =	swait.ge @!p0 [sflag:s0], s1  }
0x1e5: {  	s1 =	ssub.s32 @!p0 $0x0, s1;
	[sflag:s0] =	ssyncset.done @!p0 $0x0  }
0x1e6: {  	[sflag:s0] =	ssyncadd.s32 @!p0 s1  }
0x1e7: {  	[bflag:$0x3] =	sbarrier.arrive $0xFFFF  }
0x1e8: {  	_ =	shalt  }

</sc_bundles>
